<compile_context>
chip_gen: v7x
topology: tpu7x:2x2x1
jax: 0.10.2.dev20260603
libtpu: 0.0.44.dev20260713+nightly
codegen_flags: <defaults>
</compile_context>

<pallas_src>
import functools

import jax
import jax.numpy as jnp
from jax import lax
from jax.experimental import pallas as pl
from jax.experimental.pallas import tpu as pltpu
from jax.experimental.pallas import tpu_sc as plsc

_NC = 2
_NS = 16
_NW = _NC * _NS
_L = 16

_B, _H, _W = 32, 512, 512
_R = 12
_BT = _B - _R
_ROWS = 32
_CPR = _H // _ROWS
_NCHUNKS = _R * _CPR
_CPW = _NCHUNKS // _NW
_U = 4
_VPC = _ROWS * _W // _L

assert _NCHUNKS % _NW == 0


def _sc_body(sal_hbm, fix_hbm, out_hbm, sbuf, fbuf, part,
             sem_s0, sem_s1, sem_f0, sem_f1):
    wid = lax.axis_index("s") * _NC + lax.axis_index("c")
    sems = (sem_s0, sem_s1)
    semf = (sem_f0, sem_f1)

    def copies(i, b):
        g = wid + i * _NW
        row = _BT + g // _CPR
        rows = pl.ds((g % _CPR) * _ROWS, _ROWS)
        return (
            pltpu.make_async_copy(sal_hbm.at[row, rows], sbuf.at[b], sems[b]),
            pltpu.make_async_copy(fix_hbm.at[row, rows], fbuf.at[b], semf[b]),
        )

    for b in range(2):
        for cp in copies(b, b):
            cp.start()

    zero = jnp.zeros((_L,), jnp.float32)
    accs0 = tuple((zero, zero, zero, zero) for _ in range(_U))

    def chunk_compute(b, accs):
        def step(j, accs):
            out = []
            for u in range(_U):
                a_sum, a_sq, a_m, a_c = accs[u]
                k = j * _U + u
                r = k >> 5
                col = (k & 31) * _L
                v = sbuf[b, r, pl.ds(col, _L)]
                f = fbuf[b, r, pl.ds(col, _L)]
                m = f > 0.1
                a_sum = a_sum + v
                a_sq = a_sq + v * v
                a_m = a_m + jnp.where(m, v, 0.0)
                a_c = a_c + jnp.where(m, 1.0, 0.0)
                out.append((a_sum, a_sq, a_m, a_c))
            return tuple(out)

        return plsc.parallel_loop(0, _VPC // _U, unroll=2, carry=accs)(step)

    accs = accs0
    for i in range(_CPW):
        b = i % 2
        for cp in copies(i, b):
            cp.wait()
        accs = chunk_compute(b, accs)
        if i + 2 < _CPW:
            for cp in copies(i + 2, b):
                cp.start()
    a_sum, a_sq, a_m, a_c = accs[0]
    for u in range(1, _U):
        a_sum = a_sum + accs[u][0]
        a_sq = a_sq + accs[u][1]
        a_m = a_m + accs[u][2]
        a_c = a_c + accs[u][3]

    part[0, :] = a_sum
    part[1, :] = a_sq
    part[2, :] = a_m
    part[3, :] = a_c
    pltpu.sync_copy(part, out_hbm.at[wid])


_sc_reduce = functools.partial(
    pl.kernel,
    mesh=plsc.VectorSubcoreMesh(core_axis_name="c", subcore_axis_name="s"),
    out_type=jax.ShapeDtypeStruct((_NW, 4, _L), jnp.float32),
    scratch_types=[
        pltpu.VMEM((2, _ROWS, _W), jnp.float32),
        pltpu.VMEM((2, _ROWS, _W), jnp.float32),
        pltpu.VMEM((4, _L), jnp.float32),
        pltpu.SemaphoreType.DMA,
        pltpu.SemaphoreType.DMA,
        pltpu.SemaphoreType.DMA,
        pltpu.SemaphoreType.DMA,
    ],
)(_sc_body)


def _tc_body(sal_ref, fix_ref, out_ref):
    i = pl.program_id(0) + pl.program_id(1)
    s = sal_ref[...]
    f = fix_ref[...]
    m = f > 0.1
    ssum = jnp.sum(s)
    ssq = jnp.sum(s * s)
    msum = jnp.sum(jnp.where(m, s, 0.0))
    cnt = jnp.sum(jnp.where(m, 1.0, 0.0))

    @pl.when(i == 0)
    def _init():
        out_ref[0] = 0.0
        out_ref[1] = 0.0
        out_ref[2] = 0.0
        out_ref[3] = 0.0

    out_ref[0] += ssum
    out_ref[1] += ssq
    out_ref[2] += msum
    out_ref[3] += cnt


def kernel(sal_map, fix):
    n = sal_map.size
    sc_partials = _sc_reduce(sal_map, fix)
    tc_partials = pl.pallas_call(
        _tc_body,
        grid=(_BT // 4, 1),
        in_specs=[
            pl.BlockSpec((4, _H, _W), lambda i, j: (i, 0, 0)),
            pl.BlockSpec((4, _H, _W), lambda i, j: (i, 0, 0)),
        ],
        out_specs=pl.BlockSpec(memory_space=pltpu.SMEM),
        out_shape=jax.ShapeDtypeStruct((4,), jnp.float32),
    )(sal_map, fix)
    sums = jnp.sum(sc_partials, axis=(0, 2)) + tc_partials
    ssum, ssq, msum, cnt = sums[0], sums[1], sums[2], sums[3]
    nf = jnp.float32(n)
    mean = ssum / nf
    var = (ssq - nf * mean * mean) / (nf - 1.0)
    std = jnp.sqrt(var)
    return (msum - cnt * mean) / (std * cnt)

# --- scband reference (transcript-rebuilt; emitter-appended) ---
"""Pipeline reference for scband-nssloss-36094905156204 (READ-ONLY COPY).

The authoritative reference and input builder live on the scoring server;
editing this copy changes nothing except your own understanding.
"""

import jax, jax.numpy as jnp
import numpy as np


def setup_inputs(seed: int = 0) -> dict:
    key = jax.random.key(seed)
    k1, k2 = jax.random.split(key)
    sal_map = jax.random.normal(k1, (32, 512, 512), dtype=jnp.float32)
    fix = jax.random.uniform(k2, (32, 512, 512), dtype=jnp.float32)
    return {"sal_map": sal_map, "fix": fix}


def reference(sal_map, fix):
    # sal_map.size() == fix.size(), so the interpolate branch is skipped.
    mask = fix > 0.1
    # stand_normlize: (x - x.mean()) / x.std()  (torch std is unbiased, ddof=1)
    mean = jnp.mean(sal_map)
    std = jnp.std(sal_map, ddof=1)
    sal_norm = (sal_map - mean) / std
    # sal_map[fix].mean() == sum over masked elements / count
    masked_sum = jnp.sum(jnp.where(mask, sal_norm, jnp.zeros_like(sal_norm)))
    count = jnp.sum(mask.astype(jnp.float32))
    return masked_sum / count

if __name__ == "__main__":
    import jax
    _d = setup_inputs()
    print(jax.jit(kernel)(*tuple(_d.values())))

</pallas_src>

<mosaic_0001>
#map = affine_map<(d0, d1) -> (0, 0, 0)>
module attributes {stable_mosaic.version = 14 : i64} {
  func.func @_sc_body(%arg0: i32, %arg1: i32, %arg2: memref<32x512x512xf32, #tpu.memory_space<hbm>>, %arg3: memref<32x512x512xf32, #tpu.memory_space<hbm>>, %arg4: memref<32x4x16xf32, #tpu.memory_space<hbm>>, %arg5: memref<2x32x512xf32, #tpu.memory_space<vmem>>, %arg6: memref<2x32x512xf32, #tpu.memory_space<vmem>>, %arg7: memref<4x16xf32, #tpu.memory_space<vmem>>, %arg8: memref<!tpu.dma_semaphore, #tpu.memory_space<semaphore_mem>>, %arg9: memref<!tpu.dma_semaphore, #tpu.memory_space<semaphore_mem>>, %arg10: memref<!tpu.dma_semaphore, #tpu.memory_space<semaphore_mem>>, %arg11: memref<!tpu.dma_semaphore, #tpu.memory_space<semaphore_mem>>) attributes {dimension_semantics = [#tpu.dimension_semantics<core_parallel>, #tpu.dimension_semantics<subcore_parallel>], iteration_bounds = array<i64: 2, 16>, scalar_prefetch = 0 : i64, scratch_operands = 7 : i64, tpu.core_type = #tpu.core_type<sc_vector_subcore>, window_params = [{transform_indices = #map}, {transform_indices = #map}, {transform_indices = #map}]} {
    %mul3A = arith.constant 2 : i32
    %mul3A_0 = arith.muli %arg1, %mul3A : i32
    %add3A = arith.addi %mul3A_0, %arg0 : i32
    %add3A_1 = arith.constant 0 : i32
    %add3A_2 = arith.addi %add3A, %add3A_1 : i32
    %jit3A = arith.constant 16 : i32
    %div3A = arith.divsi %add3A_2, %jit3A : i32
    %sign3A = arith.constant 0 : i32
    %sign3A_3 = arith.cmpi sgt, %add3A_2, %sign3A : i32
    %sign3A_4 = arith.extui %sign3A_3 : i1 to i32
    %sign3A_5 = arith.constant 0 : i32
    %sign3A_6 = arith.cmpi slt, %add3A_2, %sign3A_5 : i32
    %sign3A_7 = arith.extui %sign3A_6 : i1 to i32
    %sign3A_8 = arith.subi %sign3A_4, %sign3A_7 : i32
    %sign3A_9 = arith.constant 0 : i32
    %sign3A_10 = arith.cmpi sgt, %jit3A, %sign3A_9 : i32
    %sign3A_11 = arith.extui %sign3A_10 : i1 to i32
    %sign3A_12 = arith.constant 0 : i32
    %sign3A_13 = arith.cmpi slt, %jit3A, %sign3A_12 : i32
    %sign3A_14 = arith.extui %sign3A_13 : i1 to i32
    %sign3A_15 = arith.subi %sign3A_11, %sign3A_14 : i32
    %ne3A = arith.cmpi ne, %sign3A_8, %sign3A_15 : i32
    %rem3A = arith.remsi %add3A_2, %jit3A : i32
    %ne3A_16 = arith.constant 0 : i32
    %ne3A_17 = arith.cmpi ne, %rem3A, %ne3A_16 : i32
    %and3A = arith.andi %ne3A, %ne3A_17 : i1
    %sub3A = arith.constant 1 : i32
    %sub3A_18 = arith.subi %div3A, %sub3A : i32
    %select_n3A = arith.select %and3A, %sub3A_18, %div3A : i32
    %add3A_19 = arith.constant 20 : i32
    %add3A_20 = arith.addi %add3A_19, %select_n3A : i32
    %jit3A_21 = arith.constant 16 : i32
    %eq3A = arith.constant 0 : i32
    %eq3A_22 = arith.cmpi eq, %jit3A_21, %eq3A : i32
    %jit3A_23 = arith.constant 1 : i32
    %select_n3A_24 = arith.select %eq3A_22, %jit3A_23, %jit3A_21 : i32
    %rem3A_25 = arith.remsi %add3A_2, %select_n3A_24 : i32
    %ne3A_26 = arith.constant 0 : i32
    %ne3A_27 = arith.cmpi ne, %rem3A_25, %ne3A_26 : i32
    %lt3A = arith.constant 0 : i32
    %lt3A_28 = arith.cmpi slt, %rem3A_25, %lt3A : i32
    %lt3A_29 = arith.constant 0 : i32
    %lt3A_30 = arith.cmpi slt, %select_n3A_24, %lt3A_29 : i32
    %ne3A_31 = arith.xori %lt3A_28, %lt3A_30 : i1
    %and3A_32 = arith.andi %ne3A_31, %ne3A_27 : i1
    %add3A_33 = arith.addi %rem3A_25, %select_n3A_24 : i32
    %select_n3A_34 = arith.select %and3A_32, %add3A_33, %rem3A_25 : i32
    %mul3A_35 = arith.constant 32 : i32
    %mul3A_36 = arith.muli %select_n3A_34, %mul3A_35 : i32
    %dma_start3A = arith.constant 0 : i32
    %dma_start3A_37 = arith.constant 0 : i32
    %dma_start3A_38 = arith.constant 0 : i32
    %dma_start3A_39 = tpu.memref_slice %arg5[%dma_start3A, %dma_start3A_37, %dma_start3A_38] : memref<2x32x512xf32, #tpu.memory_space<vmem>> -> memref<1x32x512xf32, #tpu.memory_space<vmem>>
    %dma_start3A_40 = tpu.memref_squeeze %dma_start3A_39 : memref<1x32x512xf32, #tpu.memory_space<vmem>> -> memref<32x512xf32, #tpu.memory_space<vmem>>
    %dma_start3A_41 = arith.constant 0 : i32
    %dma_start3A_42 = tpu.memref_slice %arg2[%add3A_20, %mul3A_36, %dma_start3A_41] : memref<32x512x512xf32, #tpu.memory_space<hbm>> -> memref<1x32x512xf32, #tpu.memory_space<hbm>>
    %dma_start3A_43 = tpu.memref_squeeze %dma_start3A_42 : memref<1x32x512xf32, #tpu.memory_space<hbm>> -> memref<32x512xf32, #tpu.memory_space<hbm>>
    %dma_start3A_44 = arith.constant 0 : i32
    %dma_start3A_45 = arith.constant 0 : i32
    %dma_start3A_46 = tpu.memref_slice %arg5[%dma_start3A, %dma_start3A_44, %dma_start3A_45] : memref<2x32x512xf32, #tpu.memory_space<vmem>> -> memref<1x32x512xf32, #tpu.memory_space<vmem>>
    %dma_start3A_47 = tpu.memref_squeeze %dma_start3A_46 : memref<1x32x512xf32, #tpu.memory_space<vmem>> -> memref<32x512xf32, #tpu.memory_space<vmem>>
    %dma_start3A_48 = arith.constant 0 : i32
    %dma_start3A_49 = tpu.memref_slice %arg2[%add3A_20, %mul3A_36, %dma_start3A_48] : memref<32x512x512xf32, #tpu.memory_space<hbm>> -> memref<1x32x512xf32, #tpu.memory_space<hbm>>
    %dma_start3A_50 = tpu.memref_squeeze %dma_start3A_49 : memref<1x32x512xf32, #tpu.memory_space<hbm>> -> memref<32x512xf32, #tpu.memory_space<hbm>>
    tpu.enqueue_dma source(%dma_start3A_50 : memref<32x512xf32, #tpu.memory_space<hbm>>) target(%dma_start3A_47 : memref<32x512xf32, #tpu.memory_space<vmem>>) target_semaphore(%arg8 : memref<!tpu.dma_semaphore, #tpu.memory_space<semaphore_mem>>)
    %dma_start3A_51 = arith.constant 0 : i32
    %dma_start3A_52 = arith.constant 0 : i32
    %dma_start3A_53 = arith.constant 0 : i32
    %dma_start3A_54 = tpu.memref_slice %arg6[%dma_start3A_51, %dma_start3A_52, %dma_start3A_53] : memref<2x32x512xf32, #tpu.memory_space<vmem>> -> memref<1x32x512xf32, #tpu.memory_space<vmem>>
    %dma_start3A_55 = tpu.memref_squeeze %dma_start3A_54 : memref<1x32x512xf32, #tpu.memory_space<vmem>> -> memref<32x512xf32, #tpu.memory_space<vmem>>
    %dma_start3A_56 = arith.constant 0 : i32
    %dma_start3A_57 = tpu.memref_slice %arg3[%add3A_20, %mul3A_36, %dma_start3A_56] : memref<32x512x512xf32, #tpu.memory_space<hbm>> -> memref<1x32x512xf32, #tpu.memory_space<hbm>>
    %dma_start3A_58 = tpu.memref_squeeze %dma_start3A_57 : memref<1x32x512xf32, #tpu.memory_space<hbm>> -> memref<32x512xf32, #tpu.memory_space<hbm>>
    %dma_start3A_59 = arith.constant 0 : i32
    %dma_start3A_60 = arith.constant 0 : i32
    %dma_start3A_61 = tpu.memref_slice %arg6[%dma_start3A_51, %dma_start3A_59, %dma_start3A_60] : memref<2x32x512xf32, #tpu.memory_space<vmem>> -> memref<1x32x512xf32, #tpu.memory_space<vmem>>
    %dma_start3A_62 = tpu.memref_squeeze %dma_start3A_61 : memref<1x32x512xf32, #tpu.memory_space<vmem>> -> memref<32x512xf32, #tpu.memory_space<vmem>>
    %dma_start3A_63 = arith.constant 0 : i32
    %dma_start3A_64 = tpu.memref_slice %arg3[%add3A_20, %mul3A_36, %dma_start3A_63] : memref<32x512x512xf32, #tpu.memory_space<hbm>> -> memref<1x32x512xf32, #tpu.memory_space<hbm>>
    %dma_start3A_65 = tpu.memref_squeeze %dma_start3A_64 : memref<1x32x512xf32, #tpu.memory_space<hbm>> -> memref<32x512xf32, #tpu.memory_space<hbm>>
    tpu.enqueue_dma source(%dma_start3A_65 : memref<32x512xf32, #tpu.memory_space<hbm>>) target(%dma_start3A_62 : memref<32x512xf32, #tpu.memory_space<vmem>>) target_semaphore(%arg10 : memref<!tpu.dma_semaphore, #tpu.memory_space<semaphore_mem>>)
    %add3A_66 = arith.constant 32 : i32
    %add3A_67 = arith.addi %add3A, %add3A_66 : i32
    %jit3A_68 = arith.constant 16 : i32
    %div3A_69 = arith.divsi %add3A_67, %jit3A_68 : i32
    %sign3A_70 = arith.constant 0 : i32
    %sign3A_71 = arith.cmpi sgt, %add3A_67, %sign3A_70 : i32
    %sign3A_72 = arith.extui %sign3A_71 : i1 to i32
    %sign3A_73 = arith.constant 0 : i32
    %sign3A_74 = arith.cmpi slt, %add3A_67, %sign3A_73 : i32
    %sign3A_75 = arith.extui %sign3A_74 : i1 to i32
    %sign3A_76 = arith.subi %sign3A_72, %sign3A_75 : i32
    %sign3A_77 = arith.constant 0 : i32
    %sign3A_78 = arith.cmpi sgt, %jit3A_68, %sign3A_77 : i32
    %sign3A_79 = arith.extui %sign3A_78 : i1 to i32
    %sign3A_80 = arith.constant 0 : i32
    %sign3A_81 = arith.cmpi slt, %jit3A_68, %sign3A_80 : i32
    %sign3A_82 = arith.extui %sign3A_81 : i1 to i32
    %sign3A_83 = arith.subi %sign3A_79, %sign3A_82 : i32
    %ne3A_84 = arith.cmpi ne, %sign3A_76, %sign3A_83 : i32
    %rem3A_85 = arith.remsi %add3A_67, %jit3A_68 : i32
    %ne3A_86 = arith.constant 0 : i32
    %ne3A_87 = arith.cmpi ne, %rem3A_85, %ne3A_86 : i32
    %and3A_88 = arith.andi %ne3A_84, %ne3A_87 : i1
    %sub3A_89 = arith.constant 1 : i32
    %sub3A_90 = arith.subi %div3A_69, %sub3A_89 : i32
    %select_n3A_91 = arith.select %and3A_88, %sub3A_90, %div3A_69 : i32
    %add3A_92 = arith.constant 20 : i32
    %add3A_93 = arith.addi %add3A_92, %select_n3A_91 : i32
    %jit3A_94 = arith.constant 16 : i32
    %eq3A_95 = arith.constant 0 : i32
    %eq3A_96 = arith.cmpi eq, %jit3A_94, %eq3A_95 : i32
    %jit3A_97 = arith.constant 1 : i32
    %select_n3A_98 = arith.select %eq3A_96, %jit3A_97, %jit3A_94 : i32
    %rem3A_99 = arith.remsi %add3A_67, %select_n3A_98 : i32
    %ne3A_100 = arith.constant 0 : i32
    %ne3A_101 = arith.cmpi ne, %rem3A_99, %ne3A_100 : i32
    %lt3A_102 = arith.constant 0 : i32
    %lt3A_103 = arith.cmpi slt, %rem3A_99, %lt3A_102 : i32
    %lt3A_104 = arith.constant 0 : i32
    %lt3A_105 = arith.cmpi slt, %select_n3A_98, %lt3A_104 : i32
    %ne3A_106 = arith.xori %lt3A_103, %lt3A_105 : i1
    %and3A_107 = arith.andi %ne3A_106, %ne3A_101 : i1
    %add3A_108 = arith.addi %rem3A_99, %select_n3A_98 : i32
    %select_n3A_109 = arith.select %and3A_107, %add3A_108, %rem3A_99 : i32
    %mul3A_110 = arith.constant 32 : i32
    %mul3A_111 = arith.muli %select_n3A_109, %mul3A_110 : i32
    %dma_start3A_112 = arith.constant 1 : i32
    %dma_start3A_113 = arith.constant 0 : i32
    %dma_start3A_114 = arith.constant 0 : i32
    %dma_start3A_115 = tpu.memref_slice %arg5[%dma_start3A_112, %dma_start3A_113, %dma_start3A_114] : memref<2x32x512xf32, #tpu.memory_space<vmem>> -> memref<1x32x512xf32, #tpu.memory_space<vmem>>
    %dma_start3A_116 = tpu.memref_squeeze %dma_start3A_115 : memref<1x32x512xf32, #tpu.memory_space<vmem>> -> memref<32x512xf32, #tpu.memory_space<vmem>>
    %dma_start3A_117 = arith.constant 0 : i32
    %dma_start3A_118 = tpu.memref_slice %arg2[%add3A_93, %mul3A_111, %dma_start3A_117] : memref<32x512x512xf32, #tpu.memory_space<hbm>> -> memref<1x32x512xf32, #tpu.memory_space<hbm>>
    %dma_start3A_119 = tpu.memref_squeeze %dma_start3A_118 : memref<1x32x512xf32, #tpu.memory_space<hbm>> -> memref<32x512xf32, #tpu.memory_space<hbm>>
    %dma_start3A_120 = arith.constant 0 : i32
    %dma_start3A_121 = arith.constant 0 : i32
    %dma_start3A_122 = tpu.memref_slice %arg5[%dma_start3A_112, %dma_start3A_120, %dma_start3A_121] : memref<2x32x512xf32, #tpu.memory_space<vmem>> -> memref<1x32x512xf32, #tpu.memory_space<vmem>>
    %dma_start3A_123 = tpu.memref_squeeze %dma_start3A_122 : memref<1x32x512xf32, #tpu.memory_space<vmem>> -> memref<32x512xf32, #tpu.memory_space<vmem>>
    %dma_start3A_124 = arith.constant 0 : i32
    %dma_start3A_125 = tpu.memref_slice %arg2[%add3A_93, %mul3A_111, %dma_start3A_124] : memref<32x512x512xf32, #tpu.memory_space<hbm>> -> memref<1x32x512xf32, #tpu.memory_space<hbm>>
    %dma_start3A_126 = tpu.memref_squeeze %dma_start3A_125 : memref<1x32x512xf32, #tpu.memory_space<hbm>> -> memref<32x512xf32, #tpu.memory_space<hbm>>
    tpu.enqueue_dma source(%dma_start3A_126 : memref<32x512xf32, #tpu.memory_space<hbm>>) target(%dma_start3A_123 : memref<32x512xf32, #tpu.memory_space<vmem>>) target_semaphore(%arg9 : memref<!tpu.dma_semaphore, #tpu.memory_space<semaphore_mem>>)
    %dma_start3A_127 = arith.constant 1 : i32
    %dma_start3A_128 = arith.constant 0 : i32
    %dma_start3A_129 = arith.constant 0 : i32
    %dma_start3A_130 = tpu.memref_slice %arg6[%dma_start3A_127, %dma_start3A_128, %dma_start3A_129] : memref<2x32x512xf32, #tpu.memory_space<vmem>> -> memref<1x32x512xf32, #tpu.memory_space<vmem>>
    %dma_start3A_131 = tpu.memref_squeeze %dma_start3A_130 : memref<1x32x512xf32, #tpu.memory_space<vmem>> -> memref<32x512xf32, #tpu.memory_space<vmem>>
    %dma_start3A_132 = arith.constant 0 : i32
    %dma_start3A_133 = tpu.memref_slice %arg3[%add3A_93, %mul3A_111, %dma_start3A_132] : memref<32x512x512xf32, #tpu.memory_space<hbm>> -> memref<1x32x512xf32, #tpu.memory_space<hbm>>
    %dma_start3A_134 = tpu.memref_squeeze %dma_start3A_133 : memref<1x32x512xf32, #tpu.memory_space<hbm>> -> memref<32x512xf32, #tpu.memory_space<hbm>>
    %dma_start3A_135 = arith.constant 0 : i32
    %dma_start3A_136 = arith.constant 0 : i32
    %dma_start3A_137 = tpu.memref_slice %arg6[%dma_start3A_127, %dma_start3A_135, %dma_start3A_136] : memref<2x32x512xf32, #tpu.memory_space<vmem>> -> memref<1x32x512xf32, #tpu.memory_space<vmem>>
    %dma_start3A_138 = tpu.memref_squeeze %dma_start3A_137 : memref<1x32x512xf32, #tpu.memory_space<vmem>> -> memref<32x512xf32, #tpu.memory_space<vmem>>
    %dma_start3A_139 = arith.constant 0 : i32
    %dma_start3A_140 = tpu.memref_slice %arg3[%add3A_93, %mul3A_111, %dma_start3A_139] : memref<32x512x512xf32, #tpu.memory_space<hbm>> -> memref<1x32x512xf32, #tpu.memory_space<hbm>>
    %dma_start3A_141 = tpu.memref_squeeze %dma_start3A_140 : memref<1x32x512xf32, #tpu.memory_space<hbm>> -> memref<32x512xf32, #tpu.memory_space<hbm>>
    tpu.enqueue_dma source(%dma_start3A_141 : memref<32x512xf32, #tpu.memory_space<hbm>>) target(%dma_start3A_138 : memref<32x512xf32, #tpu.memory_space<vmem>>) target_semaphore(%arg11 : memref<!tpu.dma_semaphore, #tpu.memory_space<semaphore_mem>>)
    %broadcast_in_dim3A = arith.constant 0.000000e+00 : f32
    %broadcast_in_dim3A_142 = vector.broadcast %broadcast_in_dim3A : f32 to vector<16xf32>
    %add3A_143 = arith.constant 0 : i32
    %add3A_144 = arith.addi %add3A, %add3A_143 : i32
    %jit3A_145 = arith.constant 16 : i32
    %div3A_146 = arith.divsi %add3A_144, %jit3A_145 : i32
    %sign3A_147 = arith.constant 0 : i32
    %sign3A_148 = arith.cmpi sgt, %add3A_144, %sign3A_147 : i32
    %sign3A_149 = arith.extui %sign3A_148 : i1 to i32
    %sign3A_150 = arith.constant 0 : i32
    %sign3A_151 = arith.cmpi slt, %add3A_144, %sign3A_150 : i32
    %sign3A_152 = arith.extui %sign3A_151 : i1 to i32
    %sign3A_153 = arith.subi %sign3A_149, %sign3A_152 : i32
    %sign3A_154 = arith.constant 0 : i32
    %sign3A_155 = arith.cmpi sgt, %jit3A_145, %sign3A_154 : i32
    %sign3A_156 = arith.extui %sign3A_155 : i1 to i32
    %sign3A_157 = arith.constant 0 : i32
    %sign3A_158 = arith.cmpi slt, %jit3A_145, %sign3A_157 : i32
    %sign3A_159 = arith.extui %sign3A_158 : i1 to i32
    %sign3A_160 = arith.subi %sign3A_156, %sign3A_159 : i32
    %ne3A_161 = arith.cmpi ne, %sign3A_153, %sign3A_160 : i32
    %rem3A_162 = arith.remsi %add3A_144, %jit3A_145 : i32
    %ne3A_163 = arith.constant 0 : i32
    %ne3A_164 = arith.cmpi ne, %rem3A_162, %ne3A_163 : i32
    %and3A_165 = arith.andi %ne3A_161, %ne3A_164 : i1
    %sub3A_166 = arith.constant 1 : i32
    %sub3A_167 = arith.subi %div3A_146, %sub3A_166 : i32
    %select_n3A_168 = arith.select %and3A_165, %sub3A_167, %div3A_146 : i32
    %add3A_169 = arith.constant 20 : i32
    %add3A_170 = arith.addi %add3A_169, %select_n3A_168 : i32
    %jit3A_171 = arith.constant 16 : i32
    %eq3A_172 = arith.constant 0 : i32
    %eq3A_173 = arith.cmpi eq, %jit3A_171, %eq3A_172 : i32
    %jit3A_174 = arith.constant 1 : i32
    %select_n3A_175 = arith.select %eq3A_173, %jit3A_174, %jit3A_171 : i32
    %rem3A_176 = arith.remsi %add3A_144, %select_n3A_175 : i32
    %ne3A_177 = arith.constant 0 : i32
    %ne3A_178 = arith.cmpi ne, %rem3A_176, %ne3A_177 : i32
    %lt3A_179 = arith.constant 0 : i32
    %lt3A_180 = arith.cmpi slt, %rem3A_176, %lt3A_179 : i32
    %lt3A_181 = arith.constant 0 : i32
    %lt3A_182 = arith.cmpi slt, %select_n3A_175, %lt3A_181 : i32
    %ne3A_183 = arith.xori %lt3A_180, %lt3A_182 : i1
    %and3A_184 = arith.andi %ne3A_183, %ne3A_178 : i1
    %add3A_185 = arith.addi %rem3A_176, %select_n3A_175 : i32
    %select_n3A_186 = arith.select %and3A_184, %add3A_185, %rem3A_176 : i32
    %mul3A_187 = arith.constant 32 : i32
    %mul3A_188 = arith.muli %select_n3A_186, %mul3A_187 : i32
    %dma_wait3A = arith.constant 0 : i32
    %dma_wait3A_189 = arith.constant 0 : i32
    %dma_wait3A_190 = arith.constant 0 : i32
    %dma_wait3A_191 = tpu.memref_slice %arg5[%dma_wait3A, %dma_wait3A_189, %dma_wait3A_190] : memref<2x32x512xf32, #tpu.memory_space<vmem>> -> memref<1x32x512xf32, #tpu.memory_space<vmem>>
    %dma_wait3A_192 = tpu.memref_squeeze %dma_wait3A_191 : memref<1x32x512xf32, #tpu.memory_space<vmem>> -> memref<32x512xf32, #tpu.memory_space<vmem>>
    %dma_wait3A_193 = arith.constant 0 : i32
    %dma_wait3A_194 = tpu.memref_slice %arg2[%add3A_170, %mul3A_188, %dma_wait3A_193] : memref<32x512x512xf32, #tpu.memory_space<hbm>> -> memref<1x32x512xf32, #tpu.memory_space<hbm>>
    %dma_wait3A_195 = tpu.memref_squeeze %dma_wait3A_194 : memref<1x32x512xf32, #tpu.memory_space<hbm>> -> memref<32x512xf32, #tpu.memory_space<hbm>>
    %dma_wait3A_196 = arith.constant 0 : i32
    %dma_wait3A_197 = arith.constant 0 : i32
    %dma_wait3A_198 = tpu.memref_slice %arg5[%dma_wait3A, %dma_wait3A_196, %dma_wait3A_197] : memref<2x32x512xf32, #tpu.memory_space<vmem>> -> memref<1x32x512xf32, #tpu.memory_space<vmem>>
    %dma_wait3A_199 = tpu.memref_squeeze %dma_wait3A_198 : memref<1x32x512xf32, #tpu.memory_space<vmem>> -> memref<32x512xf32, #tpu.memory_space<vmem>>
    %dma_wait3A_200 = arith.constant 0 : i32
    %dma_wait3A_201 = tpu.memref_slice %arg2[%add3A_170, %mul3A_188, %dma_wait3A_200] : memref<32x512x512xf32, #tpu.memory_space<hbm>> -> memref<1x32x512xf32, #tpu.memory_space<hbm>>
    %dma_wait3A_202 = tpu.memref_squeeze %dma_wait3A_201 : memref<1x32x512xf32, #tpu.memory_space<hbm>> -> memref<32x512xf32, #tpu.memory_space<hbm>>
    tpu.wait_dma2 semaphore(%arg8 : memref<!tpu.dma_semaphore, #tpu.memory_space<semaphore_mem>>) src(%dma_wait3A_202 : memref<32x512xf32, #tpu.memory_space<hbm>>) dst(%dma_wait3A_199 : memref<32x512xf32, #tpu.memory_space<vmem>>)
    %dma_wait3A_203 = arith.constant 0 : i32
    %dma_wait3A_204 = arith.constant 0 : i32
    %dma_wait3A_205 = arith.constant 0 : i32
    %dma_wait3A_206 = tpu.memref_slice %arg6[%dma_wait3A_203, %dma_wait3A_204, %dma_wait3A_205] : memref<2x32x512xf32, #tpu.memory_space<vmem>> -> memref<1x32x512xf32, #tpu.memory_space<vmem>>
    %dma_wait3A_207 = tpu.memref_squeeze %dma_wait3A_206 : memref<1x32x512xf32, #tpu.memory_space<vmem>> -> memref<32x512xf32, #tpu.memory_space<vmem>>
    %dma_wait3A_208 = arith.constant 0 : i32
    %dma_wait3A_209 = tpu.memref_slice %arg3[%add3A_170, %mul3A_188, %dma_wait3A_208] : memref<32x512x512xf32, #tpu.memory_space<hbm>> -> memref<1x32x512xf32, #tpu.memory_space<hbm>>
    %dma_wait3A_210 = tpu.memref_squeeze %dma_wait3A_209 : memref<1x32x512xf32, #tpu.memory_space<hbm>> -> memref<32x512xf32, #tpu.memory_space<hbm>>
    %dma_wait3A_211 = arith.constant 0 : i32
    %dma_wait3A_212 = arith.constant 0 : i32
    %dma_wait3A_213 = tpu.memref_slice %arg6[%dma_wait3A_203, %dma_wait3A_211, %dma_wait3A_212] : memref<2x32x512xf32, #tpu.memory_space<vmem>> -> memref<1x32x512xf32, #tpu.memory_space<vmem>>
    %dma_wait3A_214 = tpu.memref_squeeze %dma_wait3A_213 : memref<1x32x512xf32, #tpu.memory_space<vmem>> -> memref<32x512xf32, #tpu.memory_space<vmem>>
    %dma_wait3A_215 = arith.constant 0 : i32
    %dma_wait3A_216 = tpu.memref_slice %arg3[%add3A_170, %mul3A_188, %dma_wait3A_215] : memref<32x512x512xf32, #tpu.memory_space<hbm>> -> memref<1x32x512xf32, #tpu.memory_space<hbm>>
    %dma_wait3A_217 = tpu.memref_squeeze %dma_wait3A_216 : memref<1x32x512xf32, #tpu.memory_space<hbm>> -> memref<32x512xf32, #tpu.memory_space<hbm>>
    tpu.wait_dma2 semaphore(%arg10 : memref<!tpu.dma_semaphore, #tpu.memory_space<semaphore_mem>>) src(%dma_wait3A_217 : memref<32x512xf32, #tpu.memory_space<hbm>>) dst(%dma_wait3A_214 : memref<32x512xf32, #tpu.memory_space<vmem>>)
    %parallel_loop3A = arith.constant 0 : i32
    %parallel_loop3A_218 = arith.constant 256 : i32
    %parallel_loop3A_219 = arith.constant 1 : i32
    %parallel_loop3A_220:16 = scf.for %parallel_loop3A_960 = %parallel_loop3A to %parallel_loop3A_218 step %parallel_loop3A_219 iter_args(%parallel_loop3A_961 = %broadcast_in_dim3A_142, %parallel_loop3A_962 = %broadcast_in_dim3A_142, %parallel_loop3A_963 = %broadcast_in_dim3A_142, %parallel_loop3A_964 = %broadcast_in_dim3A_142, %parallel_loop3A_965 = %broadcast_in_dim3A_142, %parallel_loop3A_966 = %broadcast_in_dim3A_142, %parallel_loop3A_967 = %broadcast_in_dim3A_142, %parallel_loop3A_968 = %broadcast_in_dim3A_142, %parallel_loop3A_969 = %broadcast_in_dim3A_142, %parallel_loop3A_970 = %broadcast_in_dim3A_142, %parallel_loop3A_971 = %broadcast_in_dim3A_142, %parallel_loop3A_972 = %broadcast_in_dim3A_142, %parallel_loop3A_973 = %broadcast_in_dim3A_142, %parallel_loop3A_974 = %broadcast_in_dim3A_142, %parallel_loop3A_975 = %broadcast_in_dim3A_142, %parallel_loop3A_976 = %broadcast_in_dim3A_142) -> (vector<16xf32>, vector<16xf32>, vector<16xf32>, vector<16xf32>, vector<16xf32>, vector<16xf32>, vector<16xf32>, vector<16xf32>, vector<16xf32>, vector<16xf32>, vector<16xf32>, vector<16xf32>, vector<16xf32>, vector<16xf32>, vector<16xf32>, vector<16xf32>)  : i32 {
      %parallel_loop3A_977 = arith.constant 4 : i32
      %parallel_loop3A_978 = arith.muli %parallel_loop3A_960, %parallel_loop3A_977 : i32
      %parallel_loop3A_979 = arith.constant 0 : i32
      %parallel_loop3A_980 = arith.addi %parallel_loop3A_978, %parallel_loop3A_979 : i32
      %parallel_loop3A_981 = arith.constant 5 : i32
      %parallel_loop3A_982 = arith.shrsi %parallel_loop3A_980, %parallel_loop3A_981 : i32
      %parallel_loop3A_983 = arith.constant 31 : i32
      %parallel_loop3A_984 = arith.andi %parallel_loop3A_980, %parallel_loop3A_983 : i32
      %parallel_loop3A_985 = arith.constant 16 : i32
      %parallel_loop3A_986 = arith.muli %parallel_loop3A_984, %parallel_loop3A_985 : i32
      %parallel_loop3A_987 = arith.constant 0 : i32
      %parallel_loop3A_988 = arith.index_cast %parallel_loop3A_987 : i32 to index
      %parallel_loop3A_989 = arith.index_cast %parallel_loop3A_982 : i32 to index
      %parallel_loop3A_990 = arith.index_cast %parallel_loop3A_986 : i32 to index
      %parallel_loop3A_991 = tpu.vector_load %arg5[%parallel_loop3A_988, %parallel_loop3A_989, %parallel_loop3A_990] {strides = array<i32>} : memref<2x32x512xf32, #tpu.memory_space<vmem>>, vector<1x1x16xf32>,
      %parallel_loop3A_992 = vector.shape_cast %parallel_loop3A_991 : vector<1x1x16xf32> to vector<16xf32>
      %parallel_loop3A_993 = arith.constant 0 : i32
      %parallel_loop3A_994 = arith.index_cast %parallel_loop3A_993 : i32 to index
      %parallel_loop3A_995 = arith.index_cast %parallel_loop3A_982 : i32 to index
      %parallel_loop3A_996 = arith.index_cast %parallel_loop3A_986 : i32 to index
      %parallel_loop3A_997 = tpu.vector_load %arg6[%parallel_loop3A_994, %parallel_loop3A_995, %parallel_loop3A_996] {strides = array<i32>} : memref<2x32x512xf32, #tpu.memory_space<vmem>>, vector<1x1x16xf32>,
      %parallel_loop3A_998 = vector.shape_cast %parallel_loop3A_997 : vector<1x1x16xf32> to vector<16xf32>
      %parallel_loop3A_999 = arith.constant 1.000000e-01 : f32
      %parallel_loop3A_1000 = vector.broadcast %parallel_loop3A_999 : f32 to vector<16xf32>
      %parallel_loop3A_1001 = arith.cmpf ogt, %parallel_loop3A_998, %parallel_loop3A_1000 : vector<16xf32>
      %parallel_loop3A_1002 = arith.addf %parallel_loop3A_961, %parallel_loop3A_992 : vector<16xf32>
      %parallel_loop3A_1003 = arith.mulf %parallel_loop3A_992, %parallel_loop3A_992 : vector<16xf32>
      %parallel_loop3A_1004 = arith.addf %parallel_loop3A_962, %parallel_loop3A_1003 : vector<16xf32>
      %parallel_loop3A_1005 = arith.constant 0.000000e+00 : f32
      %parallel_loop3A_1006 = vector.broadcast %parallel_loop3A_1005 : f32 to vector<16xf32>
      %parallel_loop3A_1007 = arith.select %parallel_loop3A_1001, %parallel_loop3A_992, %parallel_loop3A_1006 : vector<16xi1>, vector<16xf32>
      %parallel_loop3A_1008 = arith.addf %parallel_loop3A_963, %parallel_loop3A_1007 : vector<16xf32>
      %parallel_loop3A_1009 = arith.constant 1.000000e+00 : f32
      %parallel_loop3A_1010 = arith.constant 0.000000e+00 : f32
      %parallel_loop3A_1011 = vector.broadcast %parallel_loop3A_1009 : f32 to vector<16xf32>
      %parallel_loop3A_1012 = vector.broadcast %parallel_loop3A_1010 : f32 to vector<16xf32>
      %parallel_loop3A_1013 = arith.select %parallel_loop3A_1001, %parallel_loop3A_1011, %parallel_loop3A_1012 : vector<16xi1>, vector<16xf32>
      %parallel_loop3A_1014 = arith.addf %parallel_loop3A_964, %parallel_loop3A_1013 : vector<16xf32>
      %parallel_loop3A_1015 = arith.constant 4 : i32
      %parallel_loop3A_1016 = arith.muli %parallel_loop3A_960, %parallel_loop3A_1015 : i32
      %parallel_loop3A_1017 = arith.constant 1 : i32
      %parallel_loop3A_1018 = arith.addi %parallel_loop3A_1016, %parallel_loop3A_1017 : i32
      %parallel_loop3A_1019 = arith.constant 5 : i32
      %parallel_loop3A_1020 = arith.shrsi %parallel_loop3A_1018, %parallel_loop3A_1019 : i32
      %parallel_loop3A_1021 = arith.constant 31 : i32
      %parallel_loop3A_1022 = arith.andi %parallel_loop3A_1018, %parallel_loop3A_1021 : i32
      %parallel_loop3A_1023 = arith.constant 16 : i32
      %parallel_loop3A_1024 = arith.muli %parallel_loop3A_1022, %parallel_loop3A_1023 : i32
      %parallel_loop3A_1025 = arith.constant 0 : i32
      %parallel_loop3A_1026 = arith.index_cast %parallel_loop3A_1025 : i32 to index
      %parallel_loop3A_1027 = arith.index_cast %parallel_loop3A_1020 : i32 to index
      %parallel_loop3A_1028 = arith.index_cast %parallel_loop3A_1024 : i32 to index
      %parallel_loop3A_1029 = tpu.vector_load %arg5[%parallel_loop3A_1026, %parallel_loop3A_1027, %parallel_loop3A_1028] {strides = array<i32>} : memref<2x32x512xf32, #tpu.memory_space<vmem>>, vector<1x1x16xf32>,
      %parallel_loop3A_1030 = vector.shape_cast %parallel_loop3A_1029 : vector<1x1x16xf32> to vector<16xf32>
      %parallel_loop3A_1031 = arith.constant 0 : i32
      %parallel_loop3A_1032 = arith.index_cast %parallel_loop3A_1031 : i32 to index
      %parallel_loop3A_1033 = arith.index_cast %parallel_loop3A_1020 : i32 to index
      %parallel_loop3A_1034 = arith.index_cast %parallel_loop3A_1024 : i32 to index
      %parallel_loop3A_1035 = tpu.vector_load %arg6[%parallel_loop3A_1032, %parallel_loop3A_1033, %parallel_loop3A_1034] {strides = array<i32>} : memref<2x32x512xf32, #tpu.memory_space<vmem>>, vector<1x1x16xf32>,
      %parallel_loop3A_1036 = vector.shape_cast %parallel_loop3A_1035 : vector<1x1x16xf32> to vector<16xf32>
      %parallel_loop3A_1037 = arith.constant 1.000000e-01 : f32
      %parallel_loop3A_1038 = vector.broadcast %parallel_loop3A_1037 : f32 to vector<16xf32>
      %parallel_loop3A_1039 = arith.cmpf ogt, %parallel_loop3A_1036, %parallel_loop3A_1038 : vector<16xf32>
      %parallel_loop3A_1040 = arith.addf %parallel_loop3A_965, %parallel_loop3A_1030 : vector<16xf32>
      %parallel_loop3A_1041 = arith.mulf %parallel_loop3A_1030, %parallel_loop3A_1030 : vector<16xf32>
      %parallel_loop3A_1042 = arith.addf %parallel_loop3A_966, %parallel_loop3A_1041 : vector<16xf32>
      %parallel_loop3A_1043 = arith.constant 0.000000e+00 : f32
      %parallel_loop3A_1044 = vector.broadcast %parallel_loop3A_1043 : f32 to vector<16xf32>
      %parallel_loop3A_1045 = arith.select %parallel_loop3A_1039, %parallel_loop3A_1030, %parallel_loop3A_1044 : vector<16xi1>, vector<16xf32>
      %parallel_loop3A_1046 = arith.addf %parallel_loop3A_967, %parallel_loop3A_1045 : vector<16xf32>
      %parallel_loop3A_1047 = arith.constant 1.000000e+00 : f32
      %parallel_loop3A_1048 = arith.constant 0.000000e+00 : f32
      %parallel_loop3A_1049 = vector.broadcast %parallel_loop3A_1047 : f32 to vector<16xf32>
      %parallel_loop3A_1050 = vector.broadcast %parallel_loop3A_1048 : f32 to vector<16xf32>
      %parallel_loop3A_1051 = arith.select %parallel_loop3A_1039, %parallel_loop3A_1049, %parallel_loop3A_1050 : vector<16xi1>, vector<16xf32>
      %parallel_loop3A_1052 = arith.addf %parallel_loop3A_968, %parallel_loop3A_1051 : vector<16xf32>
      %parallel_loop3A_1053 = arith.constant 4 : i32
      %parallel_loop3A_1054 = arith.muli %parallel_loop3A_960, %parallel_loop3A_1053 : i32
      %parallel_loop3A_1055 = arith.constant 2 : i32
      %parallel_loop3A_1056 = arith.addi %parallel_loop3A_1054, %parallel_loop3A_1055 : i32
      %parallel_loop3A_1057 = arith.constant 5 : i32
      %parallel_loop3A_1058 = arith.shrsi %parallel_loop3A_1056, %parallel_loop3A_1057 : i32
      %parallel_loop3A_1059 = arith.constant 31 : i32
      %parallel_loop3A_1060 = arith.andi %parallel_loop3A_1056, %parallel_loop3A_1059 : i32
      %parallel_loop3A_1061 = arith.constant 16 : i32
      %parallel_loop3A_1062 = arith.muli %parallel_loop3A_1060, %parallel_loop3A_1061 : i32
      %parallel_loop3A_1063 = arith.constant 0 : i32
      %parallel_loop3A_1064 = arith.index_cast %parallel_loop3A_1063 : i32 to index
      %parallel_loop3A_1065 = arith.index_cast %parallel_loop3A_1058 : i32 to index
      %parallel_loop3A_1066 = arith.index_cast %parallel_loop3A_1062 : i32 to index
      %parallel_loop3A_1067 = tpu.vector_load %arg5[%parallel_loop3A_1064, %parallel_loop3A_1065, %parallel_loop3A_1066] {strides = array<i32>} : memref<2x32x512xf32, #tpu.memory_space<vmem>>, vector<1x1x16xf32>,
      %parallel_loop3A_1068 = vector.shape_cast %parallel_loop3A_1067 : vector<1x1x16xf32> to vector<16xf32>
      %parallel_loop3A_1069 = arith.constant 0 : i32
      %parallel_loop3A_1070 = arith.index_cast %parallel_loop3A_1069 : i32 to index
      %parallel_loop3A_1071 = arith.index_cast %parallel_loop3A_1058 : i32 to index
      %parallel_loop3A_1072 = arith.index_cast %parallel_loop3A_1062 : i32 to index
      %parallel_loop3A_1073 = tpu.vector_load %arg6[%parallel_loop3A_1070, %parallel_loop3A_1071, %parallel_loop3A_1072] {strides = array<i32>} : memref<2x32x512xf32, #tpu.memory_space<vmem>>, vector<1x1x16xf32>,
      %parallel_loop3A_1074 = vector.shape_cast %parallel_loop3A_1073 : vector<1x1x16xf32> to vector<16xf32>
      %parallel_loop3A_1075 = arith.constant 1.000000e-01 : f32
      %parallel_loop3A_1076 = vector.broadcast %parallel_loop3A_1075 : f32 to vector<16xf32>
      %parallel_loop3A_1077 = arith.cmpf ogt, %parallel_loop3A_1074, %parallel_loop3A_1076 : vector<16xf32>
      %parallel_loop3A_1078 = arith.addf %parallel_loop3A_969, %parallel_loop3A_1068 : vector<16xf32>
      %parallel_loop3A_1079 = arith.mulf %parallel_loop3A_1068, %parallel_loop3A_1068 : vector<16xf32>
      %parallel_loop3A_1080 = arith.addf %parallel_loop3A_970, %parallel_loop3A_1079 : vector<16xf32>
      %parallel_loop3A_1081 = arith.constant 0.000000e+00 : f32
      %parallel_loop3A_1082 = vector.broadcast %parallel_loop3A_1081 : f32 to vector<16xf32>
      %parallel_loop3A_1083 = arith.select %parallel_loop3A_1077, %parallel_loop3A_1068, %parallel_loop3A_1082 : vector<16xi1>, vector<16xf32>
      %parallel_loop3A_1084 = arith.addf %parallel_loop3A_971, %parallel_loop3A_1083 : vector<16xf32>
      %parallel_loop3A_1085 = arith.constant 1.000000e+00 : f32
      %parallel_loop3A_1086 = arith.constant 0.000000e+00 : f32
      %parallel_loop3A_1087 = vector.broadcast %parallel_loop3A_1085 : f32 to vector<16xf32>
      %parallel_loop3A_1088 = vector.broadcast %parallel_loop3A_1086 : f32 to vector<16xf32>
      %parallel_loop3A_1089 = arith.select %parallel_loop3A_1077, %parallel_loop3A_1087, %parallel_loop3A_1088 : vector<16xi1>, vector<16xf32>
      %parallel_loop3A_1090 = arith.addf %parallel_loop3A_972, %parallel_loop3A_1089 : vector<16xf32>
      %parallel_loop3A_1091 = arith.constant 4 : i32
      %parallel_loop3A_1092 = arith.muli %parallel_loop3A_960, %parallel_loop3A_1091 : i32
      %parallel_loop3A_1093 = arith.constant 3 : i32
      %parallel_loop3A_1094 = arith.addi %parallel_loop3A_1092, %parallel_loop3A_1093 : i32
      %parallel_loop3A_1095 = arith.constant 5 : i32
      %parallel_loop3A_1096 = arith.shrsi %parallel_loop3A_1094, %parallel_loop3A_1095 : i32
      %parallel_loop3A_1097 = arith.constant 31 : i32
      %parallel_loop3A_1098 = arith.andi %parallel_loop3A_1094, %parallel_loop3A_1097 : i32
      %parallel_loop3A_1099 = arith.constant 16 : i32
      %parallel_loop3A_1100 = arith.muli %parallel_loop3A_1098, %parallel_loop3A_1099 : i32
      %parallel_loop3A_1101 = arith.constant 0 : i32
      %parallel_loop3A_1102 = arith.index_cast %parallel_loop3A_1101 : i32 to index
      %parallel_loop3A_1103 = arith.index_cast %parallel_loop3A_1096 : i32 to index
      %parallel_loop3A_1104 = arith.index_cast %parallel_loop3A_1100 : i32 to index
      %parallel_loop3A_1105 = tpu.vector_load %arg5[%parallel_loop3A_1102, %parallel_loop3A_1103, %parallel_loop3A_1104] {strides = array<i32>} : memref<2x32x512xf32, #tpu.memory_space<vmem>>, vector<1x1x16xf32>,
      %parallel_loop3A_1106 = vector.shape_cast %parallel_loop3A_1105 : vector<1x1x16xf32> to vector<16xf32>
      %parallel_loop3A_1107 = arith.constant 0 : i32
      %parallel_loop3A_1108 = arith.index_cast %parallel_loop3A_1107 : i32 to index
      %parallel_loop3A_1109 = arith.index_cast %parallel_loop3A_1096 : i32 to index
      %parallel_loop3A_1110 = arith.index_cast %parallel_loop3A_1100 : i32 to index
      %parallel_loop3A_1111 = tpu.vector_load %arg6[%parallel_loop3A_1108, %parallel_loop3A_1109, %parallel_loop3A_1110] {strides = array<i32>} : memref<2x32x512xf32, #tpu.memory_space<vmem>>, vector<1x1x16xf32>,
      %parallel_loop3A_1112 = vector.shape_cast %parallel_loop3A_1111 : vector<1x1x16xf32> to vector<16xf32>
      %parallel_loop3A_1113 = arith.constant 1.000000e-01 : f32
      %parallel_loop3A_1114 = vector.broadcast %parallel_loop3A_1113 : f32 to vector<16xf32>
      %parallel_loop3A_1115 = arith.cmpf ogt, %parallel_loop3A_1112, %parallel_loop3A_1114 : vector<16xf32>
      %parallel_loop3A_1116 = arith.addf %parallel_loop3A_973, %parallel_loop3A_1106 : vector<16xf32>
      %parallel_loop3A_1117 = arith.mulf %parallel_loop3A_1106, %parallel_loop3A_1106 : vector<16xf32>
      %parallel_loop3A_1118 = arith.addf %parallel_loop3A_974, %parallel_loop3A_1117 : vector<16xf32>
      %parallel_loop3A_1119 = arith.constant 0.000000e+00 : f32
      %parallel_loop3A_1120 = vector.broadcast %parallel_loop3A_1119 : f32 to vector<16xf32>
      %parallel_loop3A_1121 = arith.select %parallel_loop3A_1115, %parallel_loop3A_1106, %parallel_loop3A_1120 : vector<16xi1>, vector<16xf32>
      %parallel_loop3A_1122 = arith.addf %parallel_loop3A_975, %parallel_loop3A_1121 : vector<16xf32>
      %parallel_loop3A_1123 = arith.constant 1.000000e+00 : f32
      %parallel_loop3A_1124 = arith.constant 0.000000e+00 : f32
      %parallel_loop3A_1125 = vector.broadcast %parallel_loop3A_1123 : f32 to vector<16xf32>
      %parallel_loop3A_1126 = vector.broadcast %parallel_loop3A_1124 : f32 to vector<16xf32>
      %parallel_loop3A_1127 = arith.select %parallel_loop3A_1115, %parallel_loop3A_1125, %parallel_loop3A_1126 : vector<16xi1>, vector<16xf32>
      %parallel_loop3A_1128 = arith.addf %parallel_loop3A_976, %parallel_loop3A_1127 : vector<16xf32>
      scf.yield %parallel_loop3A_1002, %parallel_loop3A_1004, %parallel_loop3A_1008, %parallel_loop3A_1014, %parallel_loop3A_1040, %parallel_loop3A_1042, %parallel_loop3A_1046, %parallel_loop3A_1052, %parallel_loop3A_1078, %parallel_loop3A_1080, %parallel_loop3A_1084, %parallel_loop3A_1090, %parallel_loop3A_1116, %parallel_loop3A_1118, %parallel_loop3A_1122, %parallel_loop3A_1128 : vector<16xf32>, vector<16xf32>, vector<16xf32>, vector<16xf32>, vector<16xf32>, vector<16xf32>, vector<16xf32>, vector<16xf32>, vector<16xf32>, vector<16xf32>, vector<16xf32>, vector<16xf32>, vector<16xf32>, vector<16xf32>, vector<16xf32>, vector<16xf32>
    } {sc.loop_unroll_factor = 2 : i64, sc.parallel_access}
    %add3A_221 = arith.constant 64 : i32
    %add3A_222 = arith.addi %add3A, %add3A_221 : i32
    %jit3A_223 = arith.constant 16 : i32
    %div3A_224 = arith.divsi %add3A_222, %jit3A_223 : i32
    %sign3A_225 = arith.constant 0 : i32
    %sign3A_226 = arith.cmpi sgt, %add3A_222, %sign3A_225 : i32
    %sign3A_227 = arith.extui %sign3A_226 : i1 to i32
    %sign3A_228 = arith.constant 0 : i32
    %sign3A_229 = arith.cmpi slt, %add3A_222, %sign3A_228 : i32
    %sign3A_230 = arith.extui %sign3A_229 : i1 to i32
    %sign3A_231 = arith.subi %sign3A_227, %sign3A_230 : i32
    %sign3A_232 = arith.constant 0 : i32
    %sign3A_233 = arith.cmpi sgt, %jit3A_223, %sign3A_232 : i32
    %sign3A_234 = arith.extui %sign3A_233 : i1 to i32
    %sign3A_235 = arith.constant 0 : i32
    %sign3A_236 = arith.cmpi slt, %jit3A_223, %sign3A_235 : i32
    %sign3A_237 = arith.extui %sign3A_236 : i1 to i32
    %sign3A_238 = arith.subi %sign3A_234, %sign3A_237 : i32
    %ne3A_239 = arith.cmpi ne, %sign3A_231, %sign3A_238 : i32
    %rem3A_240 = arith.remsi %add3A_222, %jit3A_223 : i32
    %ne3A_241 = arith.constant 0 : i32
    %ne3A_242 = arith.cmpi ne, %rem3A_240, %ne3A_241 : i32
    %and3A_243 = arith.andi %ne3A_239, %ne3A_242 : i1
    %sub3A_244 = arith.constant 1 : i32
    %sub3A_245 = arith.subi %div3A_224, %sub3A_244 : i32
    %select_n3A_246 = arith.select %and3A_243, %sub3A_245, %div3A_224 : i32
    %add3A_247 = arith.constant 20 : i32
    %add3A_248 = arith.addi %add3A_247, %select_n3A_246 : i32
    %jit3A_249 = arith.constant 16 : i32
    %eq3A_250 = arith.constant 0 : i32
    %eq3A_251 = arith.cmpi eq, %jit3A_249, %eq3A_250 : i32
    %jit3A_252 = arith.constant 1 : i32
    %select_n3A_253 = arith.select %eq3A_251, %jit3A_252, %jit3A_249 : i32
    %rem3A_254 = arith.remsi %add3A_222, %select_n3A_253 : i32
    %ne3A_255 = arith.constant 0 : i32
    %ne3A_256 = arith.cmpi ne, %rem3A_254, %ne3A_255 : i32
    %lt3A_257 = arith.constant 0 : i32
    %lt3A_258 = arith.cmpi slt, %rem3A_254, %lt3A_257 : i32
    %lt3A_259 = arith.constant 0 : i32
    %lt3A_260 = arith.cmpi slt, %select_n3A_253, %lt3A_259 : i32
    %ne3A_261 = arith.xori %lt3A_258, %lt3A_260 : i1
    %and3A_262 = arith.andi %ne3A_261, %ne3A_256 : i1
    %add3A_263 = arith.addi %rem3A_254, %select_n3A_253 : i32
    %select_n3A_264 = arith.select %and3A_262, %add3A_263, %rem3A_254 : i32
    %mul3A_265 = arith.constant 32 : i32
    %mul3A_266 = arith.muli %select_n3A_264, %mul3A_265 : i32
    %dma_start3A_267 = arith.constant 0 : i32
    %dma_start3A_268 = arith.constant 0 : i32
    %dma_start3A_269 = arith.constant 0 : i32
    %dma_start3A_270 = tpu.memref_slice %arg5[%dma_start3A_267, %dma_start3A_268, %dma_start3A_269] : memref<2x32x512xf32, #tpu.memory_space<vmem>> -> memref<1x32x512xf32, #tpu.memory_space<vmem>>
    %dma_start3A_271 = tpu.memref_squeeze %dma_start3A_270 : memref<1x32x512xf32, #tpu.memory_space<vmem>> -> memref<32x512xf32, #tpu.memory_space<vmem>>
    %dma_start3A_272 = arith.constant 0 : i32
    %dma_start3A_273 = tpu.memref_slice %arg2[%add3A_248, %mul3A_266, %dma_start3A_272] : memref<32x512x512xf32, #tpu.memory_space<hbm>> -> memref<1x32x512xf32, #tpu.memory_space<hbm>>
    %dma_start3A_274 = tpu.memref_squeeze %dma_start3A_273 : memref<1x32x512xf32, #tpu.memory_space<hbm>> -> memref<32x512xf32, #tpu.memory_space<hbm>>
    %dma_start3A_275 = arith.constant 0 : i32
    %dma_start3A_276 = arith.constant 0 : i32
    %dma_start3A_277 = tpu.memref_slice %arg5[%dma_start3A_267, %dma_start3A_275, %dma_start3A_276] : memref<2x32x512xf32, #tpu.memory_space<vmem>> -> memref<1x32x512xf32, #tpu.memory_space<vmem>>
    %dma_start3A_278 = tpu.memref_squeeze %dma_start3A_277 : memref<1x32x512xf32, #tpu.memory_space<vmem>> -> memref<32x512xf32, #tpu.memory_space<vmem>>
    %dma_start3A_279 = arith.constant 0 : i32
    %dma_start3A_280 = tpu.memref_slice %arg2[%add3A_248, %mul3A_266, %dma_start3A_279] : memref<32x512x512xf32, #tpu.memory_space<hbm>> -> memref<1x32x512xf32, #tpu.memory_space<hbm>>
    %dma_start3A_281 = tpu.memref_squeeze %dma_start3A_280 : memref<1x32x512xf32, #tpu.memory_space<hbm>> -> memref<32x512xf32, #tpu.memory_space<hbm>>
    tpu.enqueue_dma source(%dma_start3A_281 : memref<32x512xf32, #tpu.memory_space<hbm>>) target(%dma_start3A_278 : memref<32x512xf32, #tpu.memory_space<vmem>>) target_semaphore(%arg8 : memref<!tpu.dma_semaphore, #tpu.memory_space<semaphore_mem>>)
    %dma_start3A_282 = arith.constant 0 : i32
    %dma_start3A_283 = arith.constant 0 : i32
    %dma_start3A_284 = arith.constant 0 : i32
    %dma_start3A_285 = tpu.memref_slice %arg6[%dma_start3A_282, %dma_start3A_283, %dma_start3A_284] : memref<2x32x512xf32, #tpu.memory_space<vmem>> -> memref<1x32x512xf32, #tpu.memory_space<vmem>>
    %dma_start3A_286 = tpu.memref_squeeze %dma_start3A_285 : memref<1x32x512xf32, #tpu.memory_space<vmem>> -> memref<32x512xf32, #tpu.memory_space<vmem>>
    %dma_start3A_287 = arith.constant 0 : i32
    %dma_start3A_288 = tpu.memref_slice %arg3[%add3A_248, %mul3A_266, %dma_start3A_287] : memref<32x512x512xf32, #tpu.memory_space<hbm>> -> memref<1x32x512xf32, #tpu.memory_space<hbm>>
    %dma_start3A_289 = tpu.memref_squeeze %dma_start3A_288 : memref<1x32x512xf32, #tpu.memory_space<hbm>> -> memref<32x512xf32, #tpu.memory_space<hbm>>
    %dma_start3A_290 = arith.constant 0 : i32
    %dma_start3A_291 = arith.constant 0 : i32
    %dma_start3A_292 = tpu.memref_slice %arg6[%dma_start3A_282, %dma_start3A_290, %dma_start3A_291] : memref<2x32x512xf32, #tpu.memory_space<vmem>> -> memref<1x32x512xf32, #tpu.memory_space<vmem>>
    %dma_start3A_293 = tpu.memref_squeeze %dma_start3A_292 : memref<1x32x512xf32, #tpu.memory_space<vmem>> -> memref<32x512xf32, #tpu.memory_space<vmem>>
    %dma_start3A_294 = arith.constant 0 : i32
    %dma_start3A_295 = tpu.memref_slice %arg3[%add3A_248, %mul3A_266, %dma_start3A_294] : memref<32x512x512xf32, #tpu.memory_space<hbm>> -> memref<1x32x512xf32, #tpu.memory_space<hbm>>
    %dma_start3A_296 = tpu.memref_squeeze %dma_start3A_295 : memref<1x32x512xf32, #tpu.memory_space<hbm>> -> memref<32x512xf32, #tpu.memory_space<hbm>>
    tpu.enqueue_dma source(%dma_start3A_296 : memref<32x512xf32, #tpu.memory_space<hbm>>) target(%dma_start3A_293 : memref<32x512xf32, #tpu.memory_space<vmem>>) target_semaphore(%arg10 : memref<!tpu.dma_semaphore, #tpu.memory_space<semaphore_mem>>)
    %add3A_297 = arith.constant 32 : i32
    %add3A_298 = arith.addi %add3A, %add3A_297 : i32
    %jit3A_299 = arith.constant 16 : i32
    %div3A_300 = arith.divsi %add3A_298, %jit3A_299 : i32
    %sign3A_301 = arith.constant 0 : i32
    %sign3A_302 = arith.cmpi sgt, %add3A_298, %sign3A_301 : i32
    %sign3A_303 = arith.extui %sign3A_302 : i1 to i32
    %sign3A_304 = arith.constant 0 : i32
    %sign3A_305 = arith.cmpi slt, %add3A_298, %sign3A_304 : i32
    %sign3A_306 = arith.extui %sign3A_305 : i1 to i32
    %sign3A_307 = arith.subi %sign3A_303, %sign3A_306 : i32
    %sign3A_308 = arith.constant 0 : i32
    %sign3A_309 = arith.cmpi sgt, %jit3A_299, %sign3A_308 : i32
    %sign3A_310 = arith.extui %sign3A_309 : i1 to i32
    %sign3A_311 = arith.constant 0 : i32
    %sign3A_312 = arith.cmpi slt, %jit3A_299, %sign3A_311 : i32
    %sign3A_313 = arith.extui %sign3A_312 : i1 to i32
    %sign3A_314 = arith.subi %sign3A_310, %sign3A_313 : i32
    %ne3A_315 = arith.cmpi ne, %sign3A_307, %sign3A_314 : i32
    %rem3A_316 = arith.remsi %add3A_298, %jit3A_299 : i32
    %ne3A_317 = arith.constant 0 : i32
    %ne3A_318 = arith.cmpi ne, %rem3A_316, %ne3A_317 : i32
    %and3A_319 = arith.andi %ne3A_315, %ne3A_318 : i1
    %sub3A_320 = arith.constant 1 : i32
    %sub3A_321 = arith.subi %div3A_300, %sub3A_320 : i32
    %select_n3A_322 = arith.select %and3A_319, %sub3A_321, %div3A_300 : i32
    %add3A_323 = arith.constant 20 : i32
    %add3A_324 = arith.addi %add3A_323, %select_n3A_322 : i32
    %jit3A_325 = arith.constant 16 : i32
    %eq3A_326 = arith.constant 0 : i32
    %eq3A_327 = arith.cmpi eq, %jit3A_325, %eq3A_326 : i32
    %jit3A_328 = arith.constant 1 : i32
    %select_n3A_329 = arith.select %eq3A_327, %jit3A_328, %jit3A_325 : i32
    %rem3A_330 = arith.remsi %add3A_298, %select_n3A_329 : i32
    %ne3A_331 = arith.constant 0 : i32
    %ne3A_332 = arith.cmpi ne, %rem3A_330, %ne3A_331 : i32
    %lt3A_333 = arith.constant 0 : i32
    %lt3A_334 = arith.cmpi slt, %rem3A_330, %lt3A_333 : i32
    %lt3A_335 = arith.constant 0 : i32
    %lt3A_336 = arith.cmpi slt, %select_n3A_329, %lt3A_335 : i32
    %ne3A_337 = arith.xori %lt3A_334, %lt3A_336 : i1
    %and3A_338 = arith.andi %ne3A_337, %ne3A_332 : i1
    %add3A_339 = arith.addi %rem3A_330, %select_n3A_329 : i32
    %select_n3A_340 = arith.select %and3A_338, %add3A_339, %rem3A_330 : i32
    %mul3A_341 = arith.constant 32 : i32
    %mul3A_342 = arith.muli %select_n3A_340, %mul3A_341 : i32
    %dma_wait3A_343 = arith.constant 1 : i32
    %dma_wait3A_344 = arith.constant 0 : i32
    %dma_wait3A_345 = arith.constant 0 : i32
    %dma_wait3A_346 = tpu.memref_slice %arg5[%dma_wait3A_343, %dma_wait3A_344, %dma_wait3A_345] : memref<2x32x512xf32, #tpu.memory_space<vmem>> -> memref<1x32x512xf32, #tpu.memory_space<vmem>>
    %dma_wait3A_347 = tpu.memref_squeeze %dma_wait3A_346 : memref<1x32x512xf32, #tpu.memory_space<vmem>> -> memref<32x512xf32, #tpu.memory_space<vmem>>
    %dma_wait3A_348 = arith.constant 0 : i32
    %dma_wait3A_349 = tpu.memref_slice %arg2[%add3A_324, %mul3A_342, %dma_wait3A_348] : memref<32x512x512xf32, #tpu.memory_space<hbm>> -> memref<1x32x512xf32, #tpu.memory_space<hbm>>
    %dma_wait3A_350 = tpu.memref_squeeze %dma_wait3A_349 : memref<1x32x512xf32, #tpu.memory_space<hbm>> -> memref<32x512xf32, #tpu.memory_space<hbm>>
    %dma_wait3A_351 = arith.constant 0 : i32
    %dma_wait3A_352 = arith.constant 0 : i32
    %dma_wait3A_353 = tpu.memref_slice %arg5[%dma_wait3A_343, %dma_wait3A_351, %dma_wait3A_352] : memref<2x32x512xf32, #tpu.memory_space<vmem>> -> memref<1x32x512xf32, #tpu.memory_space<vmem>>
    %dma_wait3A_354 = tpu.memref_squeeze %dma_wait3A_353 : memref<1x32x512xf32, #tpu.memory_space<vmem>> -> memref<32x512xf32, #tpu.memory_space<vmem>>
    %dma_wait3A_355 = arith.constant 0 : i32
    %dma_wait3A_356 = tpu.memref_slice %arg2[%add3A_324, %mul3A_342, %dma_wait3A_355] : memref<32x512x512xf32, #tpu.memory_space<hbm>> -> memref<1x32x512xf32, #tpu.memory_space<hbm>>
    %dma_wait3A_357 = tpu.memref_squeeze %dma_wait3A_356 : memref<1x32x512xf32, #tpu.memory_space<hbm>> -> memref<32x512xf32, #tpu.memory_space<hbm>>
    tpu.wait_dma2 semaphore(%arg9 : memref<!tpu.dma_semaphore, #tpu.memory_space<semaphore_mem>>) src(%dma_wait3A_357 : memref<32x512xf32, #tpu.memory_space<hbm>>) dst(%dma_wait3A_354 : memref<32x512xf32, #tpu.memory_space<vmem>>)
    %dma_wait3A_358 = arith.constant 1 : i32
    %dma_wait3A_359 = arith.constant 0 : i32
    %dma_wait3A_360 = arith.constant 0 : i32
    %dma_wait3A_361 = tpu.memref_slice %arg6[%dma_wait3A_358, %dma_wait3A_359, %dma_wait3A_360] : memref<2x32x512xf32, #tpu.memory_space<vmem>> -> memref<1x32x512xf32, #tpu.memory_space<vmem>>
    %dma_wait3A_362 = tpu.memref_squeeze %dma_wait3A_361 : memref<1x32x512xf32, #tpu.memory_space<vmem>> -> memref<32x512xf32, #tpu.memory_space<vmem>>
    %dma_wait3A_363 = arith.constant 0 : i32
    %dma_wait3A_364 = tpu.memref_slice %arg3[%add3A_324, %mul3A_342, %dma_wait3A_363] : memref<32x512x512xf32, #tpu.memory_space<hbm>> -> memref<1x32x512xf32, #tpu.memory_space<hbm>>
    %dma_wait3A_365 = tpu.memref_squeeze %dma_wait3A_364 : memref<1x32x512xf32, #tpu.memory_space<hbm>> -> memref<32x512xf32, #tpu.memory_space<hbm>>
    %dma_wait3A_366 = arith.constant 0 : i32
    %dma_wait3A_367 = arith.constant 0 : i32
    %dma_wait3A_368 = tpu.memref_slice %arg6[%dma_wait3A_358, %dma_wait3A_366, %dma_wait3A_367] : memref<2x32x512xf32, #tpu.memory_space<vmem>> -> memref<1x32x512xf32, #tpu.memory_space<vmem>>
    %dma_wait3A_369 = tpu.memref_squeeze %dma_wait3A_368 : memref<1x32x512xf32, #tpu.memory_space<vmem>> -> memref<32x512xf32, #tpu.memory_space<vmem>>
    %dma_wait3A_370 = arith.constant 0 : i32
    %dma_wait3A_371 = tpu.memref_slice %arg3[%add3A_324, %mul3A_342, %dma_wait3A_370] : memref<32x512x512xf32, #tpu.memory_space<hbm>> -> memref<1x32x512xf32, #tpu.memory_space<hbm>>
    %dma_wait3A_372 = tpu.memref_squeeze %dma_wait3A_371 : memref<1x32x512xf32, #tpu.memory_space<hbm>> -> memref<32x512xf32, #tpu.memory_space<hbm>>
    tpu.wait_dma2 semaphore(%arg11 : memref<!tpu.dma_semaphore, #tpu.memory_space<semaphore_mem>>) src(%dma_wait3A_372 : memref<32x512xf32, #tpu.memory_space<hbm>>) dst(%dma_wait3A_369 : memref<32x512xf32, #tpu.memory_space<vmem>>)
    %parallel_loop3A_373 = arith.constant 0 : i32
    %parallel_loop3A_374 = arith.constant 256 : i32
    %parallel_loop3A_375 = arith.constant 1 : i32
    %parallel_loop3A_376:16 = scf.for %parallel_loop3A_960 = %parallel_loop3A_373 to %parallel_loop3A_374 step %parallel_loop3A_375 iter_args(%parallel_loop3A_961 = %parallel_loop3A_220#0, %parallel_loop3A_962 = %parallel_loop3A_220#1, %parallel_loop3A_963 = %parallel_loop3A_220#2, %parallel_loop3A_964 = %parallel_loop3A_220#3, %parallel_loop3A_965 = %parallel_loop3A_220#4, %parallel_loop3A_966 = %parallel_loop3A_220#5, %parallel_loop3A_967 = %parallel_loop3A_220#6, %parallel_loop3A_968 = %parallel_loop3A_220#7, %parallel_loop3A_969 = %parallel_loop3A_220#8, %parallel_loop3A_970 = %parallel_loop3A_220#9, %parallel_loop3A_971 = %parallel_loop3A_220#10, %parallel_loop3A_972 = %parallel_loop3A_220#11, %parallel_loop3A_973 = %parallel_loop3A_220#12, %parallel_loop3A_974 = %parallel_loop3A_220#13, %parallel_loop3A_975 = %parallel_loop3A_220#14, %parallel_loop3A_976 = %parallel_loop3A_220#15) -> (vector<16xf32>, vector<16xf32>, vector<16xf32>, vector<16xf32>, vector<16xf32>, vector<16xf32>, vector<16xf32>, vector<16xf32>, vector<16xf32>, vector<16xf32>, vector<16xf32>, vector<16xf32>, vector<16xf32>, vector<16xf32>, vector<16xf32>, vector<16xf32>)  : i32 {
      %parallel_loop3A_977 = arith.constant 4 : i32
      %parallel_loop3A_978 = arith.muli %parallel_loop3A_960, %parallel_loop3A_977 : i32
      %parallel_loop3A_979 = arith.constant 0 : i32
      %parallel_loop3A_980 = arith.addi %parallel_loop3A_978, %parallel_loop3A_979 : i32
      %parallel_loop3A_981 = arith.constant 5 : i32
      %parallel_loop3A_982 = arith.shrsi %parallel_loop3A_980, %parallel_loop3A_981 : i32
      %parallel_loop3A_983 = arith.constant 31 : i32
      %parallel_loop3A_984 = arith.andi %parallel_loop3A_980, %parallel_loop3A_983 : i32
      %parallel_loop3A_985 = arith.constant 16 : i32
      %parallel_loop3A_986 = arith.muli %parallel_loop3A_984, %parallel_loop3A_985 : i32
      %parallel_loop3A_987 = arith.constant 1 : i32
      %parallel_loop3A_988 = arith.index_cast %parallel_loop3A_987 : i32 to index
      %parallel_loop3A_989 = arith.index_cast %parallel_loop3A_982 : i32 to index
      %parallel_loop3A_990 = arith.index_cast %parallel_loop3A_986 : i32 to index
      %parallel_loop3A_991 = tpu.vector_load %arg5[%parallel_loop3A_988, %parallel_loop3A_989, %parallel_loop3A_990] {strides = array<i32>} : memref<2x32x512xf32, #tpu.memory_space<vmem>>, vector<1x1x16xf32>,
      %parallel_loop3A_992 = vector.shape_cast %parallel_loop3A_991 : vector<1x1x16xf32> to vector<16xf32>
      %parallel_loop3A_993 = arith.constant 1 : i32
      %parallel_loop3A_994 = arith.index_cast %parallel_loop3A_993 : i32 to index
      %parallel_loop3A_995 = arith.index_cast %parallel_loop3A_982 : i32 to index
      %parallel_loop3A_996 = arith.index_cast %parallel_loop3A_986 : i32 to index
      %parallel_loop3A_997 = tpu.vector_load %arg6[%parallel_loop3A_994, %parallel_loop3A_995, %parallel_loop3A_996] {strides = array<i32>} : memref<2x32x512xf32, #tpu.memory_space<vmem>>, vector<1x1x16xf32>,
      %parallel_loop3A_998 = vector.shape_cast %parallel_loop3A_997 : vector<1x1x16xf32> to vector<16xf32>
      %parallel_loop3A_999 = arith.constant 1.000000e-01 : f32
      %parallel_loop3A_1000 = vector.broadcast %parallel_loop3A_999 : f32 to vector<16xf32>
      %parallel_loop3A_1001 = arith.cmpf ogt, %parallel_loop3A_998, %parallel_loop3A_1000 : vector<16xf32>
      %parallel_loop3A_1002 = arith.addf %parallel_loop3A_961, %parallel_loop3A_992 : vector<16xf32>
      %parallel_loop3A_1003 = arith.mulf %parallel_loop3A_992, %parallel_loop3A_992 : vector<16xf32>
      %parallel_loop3A_1004 = arith.addf %parallel_loop3A_962, %parallel_loop3A_1003 : vector<16xf32>
      %parallel_loop3A_1005 = arith.constant 0.000000e+00 : f32
      %parallel_loop3A_1006 = vector.broadcast %parallel_loop3A_1005 : f32 to vector<16xf32>
      %parallel_loop3A_1007 = arith.select %parallel_loop3A_1001, %parallel_loop3A_992, %parallel_loop3A_1006 : vector<16xi1>, vector<16xf32>
      %parallel_loop3A_1008 = arith.addf %parallel_loop3A_963, %parallel_loop3A_1007 : vector<16xf32>
      %parallel_loop3A_1009 = arith.constant 1.000000e+00 : f32
      %parallel_loop3A_1010 = arith.constant 0.000000e+00 : f32
      %parallel_loop3A_1011 = vector.broadcast %parallel_loop3A_1009 : f32 to vector<16xf32>
      %parallel_loop3A_1012 = vector.broadcast %parallel_loop3A_1010 : f32 to vector<16xf32>
      %parallel_loop3A_1013 = arith.select %parallel_loop3A_1001, %parallel_loop3A_1011, %parallel_loop3A_1012 : vector<16xi1>, vector<16xf32>
      %parallel_loop3A_1014 = arith.addf %parallel_loop3A_964, %parallel_loop3A_1013 : vector<16xf32>
      %parallel_loop3A_1015 = arith.constant 4 : i32
      %parallel_loop3A_1016 = arith.muli %parallel_loop3A_960, %parallel_loop3A_1015 : i32
      %parallel_loop3A_1017 = arith.constant 1 : i32
      %parallel_loop3A_1018 = arith.addi %parallel_loop3A_1016, %parallel_loop3A_1017 : i32
      %parallel_loop3A_1019 = arith.constant 5 : i32
      %parallel_loop3A_1020 = arith.shrsi %parallel_loop3A_1018, %parallel_loop3A_1019 : i32
      %parallel_loop3A_1021 = arith.constant 31 : i32
      %parallel_loop3A_1022 = arith.andi %parallel_loop3A_1018, %parallel_loop3A_1021 : i32
      %parallel_loop3A_1023 = arith.constant 16 : i32
      %parallel_loop3A_1024 = arith.muli %parallel_loop3A_1022, %parallel_loop3A_1023 : i32
      %parallel_loop3A_1025 = arith.constant 1 : i32
      %parallel_loop3A_1026 = arith.index_cast %parallel_loop3A_1025 : i32 to index
      %parallel_loop3A_1027 = arith.index_cast %parallel_loop3A_1020 : i32 to index
      %parallel_loop3A_1028 = arith.index_cast %parallel_loop3A_1024 : i32 to index
      %parallel_loop3A_1029 = tpu.vector_load %arg5[%parallel_loop3A_1026, %parallel_loop3A_1027, %parallel_loop3A_1028] {strides = array<i32>} : memref<2x32x512xf32, #tpu.memory_space<vmem>>, vector<1x1x16xf32>,
      %parallel_loop3A_1030 = vector.shape_cast %parallel_loop3A_1029 : vector<1x1x16xf32> to vector<16xf32>
      %parallel_loop3A_1031 = arith.constant 1 : i32
      %parallel_loop3A_1032 = arith.index_cast %parallel_loop3A_1031 : i32 to index
      %parallel_loop3A_1033 = arith.index_cast %parallel_loop3A_1020 : i32 to index
      %parallel_loop3A_1034 = arith.index_cast %parallel_loop3A_1024 : i32 to index
      %parallel_loop3A_1035 = tpu.vector_load %arg6[%parallel_loop3A_1032, %parallel_loop3A_1033, %parallel_loop3A_1034] {strides = array<i32>} : memref<2x32x512xf32, #tpu.memory_space<vmem>>, vector<1x1x16xf32>,
      %parallel_loop3A_1036 = vector.shape_cast %parallel_loop3A_1035 : vector<1x1x16xf32> to vector<16xf32>
      %parallel_loop3A_1037 = arith.constant 1.000000e-01 : f32
      %parallel_loop3A_1038 = vector.broadcast %parallel_loop3A_1037 : f32 to vector<16xf32>
      %parallel_loop3A_1039 = arith.cmpf ogt, %parallel_loop3A_1036, %parallel_loop3A_1038 : vector<16xf32>
      %parallel_loop3A_1040 = arith.addf %parallel_loop3A_965, %parallel_loop3A_1030 : vector<16xf32>
      %parallel_loop3A_1041 = arith.mulf %parallel_loop3A_1030, %parallel_loop3A_1030 : vector<16xf32>
      %parallel_loop3A_1042 = arith.addf %parallel_loop3A_966, %parallel_loop3A_1041 : vector<16xf32>
      %parallel_loop3A_1043 = arith.constant 0.000000e+00 : f32
      %parallel_loop3A_1044 = vector.broadcast %parallel_loop3A_1043 : f32 to vector<16xf32>
      %parallel_loop3A_1045 = arith.select %parallel_loop3A_1039, %parallel_loop3A_1030, %parallel_loop3A_1044 : vector<16xi1>, vector<16xf32>
      %parallel_loop3A_1046 = arith.addf %parallel_loop3A_967, %parallel_loop3A_1045 : vector<16xf32>
      %parallel_loop3A_1047 = arith.constant 1.000000e+00 : f32
      %parallel_loop3A_1048 = arith.constant 0.000000e+00 : f32
      %parallel_loop3A_1049 = vector.broadcast %parallel_loop3A_1047 : f32 to vector<16xf32>
      %parallel_loop3A_1050 = vector.broadcast %parallel_loop3A_1048 : f32 to vector<16xf32>
      %parallel_loop3A_1051 = arith.select %parallel_loop3A_1039, %parallel_loop3A_1049, %parallel_loop3A_1050 : vector<16xi1>, vector<16xf32>
      %parallel_loop3A_1052 = arith.addf %parallel_loop3A_968, %parallel_loop3A_1051 : vector<16xf32>
      %parallel_loop3A_1053 = arith.constant 4 : i32
      %parallel_loop3A_1054 = arith.muli %parallel_loop3A_960, %parallel_loop3A_1053 : i32
      %parallel_loop3A_1055 = arith.constant 2 : i32
      %parallel_loop3A_1056 = arith.addi %parallel_loop3A_1054, %parallel_loop3A_1055 : i32
      %parallel_loop3A_1057 = arith.constant 5 : i32
      %parallel_loop3A_1058 = arith.shrsi %parallel_loop3A_1056, %parallel_loop3A_1057 : i32
      %parallel_loop3A_1059 = arith.constant 31 : i32
      %parallel_loop3A_1060 = arith.andi %parallel_loop3A_1056, %parallel_loop3A_1059 : i32
      %parallel_loop3A_1061 = arith.constant 16 : i32
      %parallel_loop3A_1062 = arith.muli %parallel_loop3A_1060, %parallel_loop3A_1061 : i32
      %parallel_loop3A_1063 = arith.constant 1 : i32
      %parallel_loop3A_1064 = arith.index_cast %parallel_loop3A_1063 : i32 to index
      %parallel_loop3A_1065 = arith.index_cast %parallel_loop3A_1058 : i32 to index
      %parallel_loop3A_1066 = arith.index_cast %parallel_loop3A_1062 : i32 to index
      %parallel_loop3A_1067 = tpu.vector_load %arg5[%parallel_loop3A_1064, %parallel_loop3A_1065, %parallel_loop3A_1066] {strides = array<i32>} : memref<2x32x512xf32, #tpu.memory_space<vmem>>, vector<1x1x16xf32>,
      %parallel_loop3A_1068 = vector.shape_cast %parallel_loop3A_1067 : vector<1x1x16xf32> to vector<16xf32>
      %parallel_loop3A_1069 = arith.constant 1 : i32
      %parallel_loop3A_1070 = arith.index_cast %parallel_loop3A_1069 : i32 to index
      %parallel_loop3A_1071 = arith.index_cast %parallel_loop3A_1058 : i32 to index
      %parallel_loop3A_1072 = arith.index_cast %parallel_loop3A_1062 : i32 to index
      %parallel_loop3A_1073 = tpu.vector_load %arg6[%parallel_loop3A_1070, %parallel_loop3A_1071, %parallel_loop3A_1072] {strides = array<i32>} : memref<2x32x512xf32, #tpu.memory_space<vmem>>, vector<1x1x16xf32>,
      %parallel_loop3A_1074 = vector.shape_cast %parallel_loop3A_1073 : vector<1x1x16xf32> to vector<16xf32>
      %parallel_loop3A_1075 = arith.constant 1.000000e-01 : f32
      %parallel_loop3A_1076 = vector.broadcast %parallel_loop3A_1075 : f32 to vector<16xf32>
      %parallel_loop3A_1077 = arith.cmpf ogt, %parallel_loop3A_1074, %parallel_loop3A_1076 : vector<16xf32>
      %parallel_loop3A_1078 = arith.addf %parallel_loop3A_969, %parallel_loop3A_1068 : vector<16xf32>
      %parallel_loop3A_1079 = arith.mulf %parallel_loop3A_1068, %parallel_loop3A_1068 : vector<16xf32>
      %parallel_loop3A_1080 = arith.addf %parallel_loop3A_970, %parallel_loop3A_1079 : vector<16xf32>
      %parallel_loop3A_1081 = arith.constant 0.000000e+00 : f32
      %parallel_loop3A_1082 = vector.broadcast %parallel_loop3A_1081 : f32 to vector<16xf32>
      %parallel_loop3A_1083 = arith.select %parallel_loop3A_1077, %parallel_loop3A_1068, %parallel_loop3A_1082 : vector<16xi1>, vector<16xf32>
      %parallel_loop3A_1084 = arith.addf %parallel_loop3A_971, %parallel_loop3A_1083 : vector<16xf32>
      %parallel_loop3A_1085 = arith.constant 1.000000e+00 : f32
      %parallel_loop3A_1086 = arith.constant 0.000000e+00 : f32
      %parallel_loop3A_1087 = vector.broadcast %parallel_loop3A_1085 : f32 to vector<16xf32>
      %parallel_loop3A_1088 = vector.broadcast %parallel_loop3A_1086 : f32 to vector<16xf32>
      %parallel_loop3A_1089 = arith.select %parallel_loop3A_1077, %parallel_loop3A_1087, %parallel_loop3A_1088 : vector<16xi1>, vector<16xf32>
      %parallel_loop3A_1090 = arith.addf %parallel_loop3A_972, %parallel_loop3A_1089 : vector<16xf32>
      %parallel_loop3A_1091 = arith.constant 4 : i32
      %parallel_loop3A_1092 = arith.muli %parallel_loop3A_960, %parallel_loop3A_1091 : i32
      %parallel_loop3A_1093 = arith.constant 3 : i32
      %parallel_loop3A_1094 = arith.addi %parallel_loop3A_1092, %parallel_loop3A_1093 : i32
      %parallel_loop3A_1095 = arith.constant 5 : i32
      %parallel_loop3A_1096 = arith.shrsi %parallel_loop3A_1094, %parallel_loop3A_1095 : i32
      %parallel_loop3A_1097 = arith.constant 31 : i32
      %parallel_loop3A_1098 = arith.andi %parallel_loop3A_1094, %parallel_loop3A_1097 : i32
      %parallel_loop3A_1099 = arith.constant 16 : i32
      %parallel_loop3A_1100 = arith.muli %parallel_loop3A_1098, %parallel_loop3A_1099 : i32
      %parallel_loop3A_1101 = arith.constant 1 : i32
      %parallel_loop3A_1102 = arith.index_cast %parallel_loop3A_1101 : i32 to index
      %parallel_loop3A_1103 = arith.index_cast %parallel_loop3A_1096 : i32 to index
      %parallel_loop3A_1104 = arith.index_cast %parallel_loop3A_1100 : i32 to index
      %parallel_loop3A_1105 = tpu.vector_load %arg5[%parallel_loop3A_1102, %parallel_loop3A_1103, %parallel_loop3A_1104] {strides = array<i32>} : memref<2x32x512xf32, #tpu.memory_space<vmem>>, vector<1x1x16xf32>,
      %parallel_loop3A_1106 = vector.shape_cast %parallel_loop3A_1105 : vector<1x1x16xf32> to vector<16xf32>
      %parallel_loop3A_1107 = arith.constant 1 : i32
      %parallel_loop3A_1108 = arith.index_cast %parallel_loop3A_1107 : i32 to index
      %parallel_loop3A_1109 = arith.index_cast %parallel_loop3A_1096 : i32 to index
      %parallel_loop3A_1110 = arith.index_cast %parallel_loop3A_1100 : i32 to index
      %parallel_loop3A_1111 = tpu.vector_load %arg6[%parallel_loop3A_1108, %parallel_loop3A_1109, %parallel_loop3A_1110] {strides = array<i32>} : memref<2x32x512xf32, #tpu.memory_space<vmem>>, vector<1x1x16xf32>,
      %parallel_loop3A_1112 = vector.shape_cast %parallel_loop3A_1111 : vector<1x1x16xf32> to vector<16xf32>
      %parallel_loop3A_1113 = arith.constant 1.000000e-01 : f32
      %parallel_loop3A_1114 = vector.broadcast %parallel_loop3A_1113 : f32 to vector<16xf32>
      %parallel_loop3A_1115 = arith.cmpf ogt, %parallel_loop3A_1112, %parallel_loop3A_1114 : vector<16xf32>
      %parallel_loop3A_1116 = arith.addf %parallel_loop3A_973, %parallel_loop3A_1106 : vector<16xf32>
      %parallel_loop3A_1117 = arith.mulf %parallel_loop3A_1106, %parallel_loop3A_1106 : vector<16xf32>
      %parallel_loop3A_1118 = arith.addf %parallel_loop3A_974, %parallel_loop3A_1117 : vector<16xf32>
      %parallel_loop3A_1119 = arith.constant 0.000000e+00 : f32
      %parallel_loop3A_1120 = vector.broadcast %parallel_loop3A_1119 : f32 to vector<16xf32>
      %parallel_loop3A_1121 = arith.select %parallel_loop3A_1115, %parallel_loop3A_1106, %parallel_loop3A_1120 : vector<16xi1>, vector<16xf32>
      %parallel_loop3A_1122 = arith.addf %parallel_loop3A_975, %parallel_loop3A_1121 : vector<16xf32>
      %parallel_loop3A_1123 = arith.constant 1.000000e+00 : f32
      %parallel_loop3A_1124 = arith.constant 0.000000e+00 : f32
      %parallel_loop3A_1125 = vector.broadcast %parallel_loop3A_1123 : f32 to vector<16xf32>
      %parallel_loop3A_1126 = vector.broadcast %parallel_loop3A_1124 : f32 to vector<16xf32>
      %parallel_loop3A_1127 = arith.select %parallel_loop3A_1115, %parallel_loop3A_1125, %parallel_loop3A_1126 : vector<16xi1>, vector<16xf32>
      %parallel_loop3A_1128 = arith.addf %parallel_loop3A_976, %parallel_loop3A_1127 : vector<16xf32>
      scf.yield %parallel_loop3A_1002, %parallel_loop3A_1004, %parallel_loop3A_1008, %parallel_loop3A_1014, %parallel_loop3A_1040, %parallel_loop3A_1042, %parallel_loop3A_1046, %parallel_loop3A_1052, %parallel_loop3A_1078, %parallel_loop3A_1080, %parallel_loop3A_1084, %parallel_loop3A_1090, %parallel_loop3A_1116, %parallel_loop3A_1118, %parallel_loop3A_1122, %parallel_loop3A_1128 : vector<16xf32>, vector<16xf32>, vector<16xf32>, vector<16xf32>, vector<16xf32>, vector<16xf32>, vector<16xf32>, vector<16xf32>, vector<16xf32>, vector<16xf32>, vector<16xf32>, vector<16xf32>, vector<16xf32>, vector<16xf32>, vector<16xf32>, vector<16xf32>
    } {sc.loop_unroll_factor = 2 : i64, sc.parallel_access}
    %add3A_377 = arith.constant 96 : i32
    %add3A_378 = arith.addi %add3A, %add3A_377 : i32
    %jit3A_379 = arith.constant 16 : i32
    %div3A_380 = arith.divsi %add3A_378, %jit3A_379 : i32
    %sign3A_381 = arith.constant 0 : i32
    %sign3A_382 = arith.cmpi sgt, %add3A_378, %sign3A_381 : i32
    %sign3A_383 = arith.extui %sign3A_382 : i1 to i32
    %sign3A_384 = arith.constant 0 : i32
    %sign3A_385 = arith.cmpi slt, %add3A_378, %sign3A_384 : i32
    %sign3A_386 = arith.extui %sign3A_385 : i1 to i32
    %sign3A_387 = arith.subi %sign3A_383, %sign3A_386 : i32
    %sign3A_388 = arith.constant 0 : i32
    %sign3A_389 = arith.cmpi sgt, %jit3A_379, %sign3A_388 : i32
    %sign3A_390 = arith.extui %sign3A_389 : i1 to i32
    %sign3A_391 = arith.constant 0 : i32
    %sign3A_392 = arith.cmpi slt, %jit3A_379, %sign3A_391 : i32
    %sign3A_393 = arith.extui %sign3A_392 : i1 to i32
    %sign3A_394 = arith.subi %sign3A_390, %sign3A_393 : i32
    %ne3A_395 = arith.cmpi ne, %sign3A_387, %sign3A_394 : i32
    %rem3A_396 = arith.remsi %add3A_378, %jit3A_379 : i32
    %ne3A_397 = arith.constant 0 : i32
    %ne3A_398 = arith.cmpi ne, %rem3A_396, %ne3A_397 : i32
    %and3A_399 = arith.andi %ne3A_395, %ne3A_398 : i1
    %sub3A_400 = arith.constant 1 : i32
    %sub3A_401 = arith.subi %div3A_380, %sub3A_400 : i32
    %select_n3A_402 = arith.select %and3A_399, %sub3A_401, %div3A_380 : i32
    %add3A_403 = arith.constant 20 : i32
    %add3A_404 = arith.addi %add3A_403, %select_n3A_402 : i32
    %jit3A_405 = arith.constant 16 : i32
    %eq3A_406 = arith.constant 0 : i32
    %eq3A_407 = arith.cmpi eq, %jit3A_405, %eq3A_406 : i32
    %jit3A_408 = arith.constant 1 : i32
    %select_n3A_409 = arith.select %eq3A_407, %jit3A_408, %jit3A_405 : i32
    %rem3A_410 = arith.remsi %add3A_378, %select_n3A_409 : i32
    %ne3A_411 = arith.constant 0 : i32
    %ne3A_412 = arith.cmpi ne, %rem3A_410, %ne3A_411 : i32
    %lt3A_413 = arith.constant 0 : i32
    %lt3A_414 = arith.cmpi slt, %rem3A_410, %lt3A_413 : i32
    %lt3A_415 = arith.constant 0 : i32
    %lt3A_416 = arith.cmpi slt, %select_n3A_409, %lt3A_415 : i32
    %ne3A_417 = arith.xori %lt3A_414, %lt3A_416 : i1
    %and3A_418 = arith.andi %ne3A_417, %ne3A_412 : i1
    %add3A_419 = arith.addi %rem3A_410, %select_n3A_409 : i32
    %select_n3A_420 = arith.select %and3A_418, %add3A_419, %rem3A_410 : i32
    %mul3A_421 = arith.constant 32 : i32
    %mul3A_422 = arith.muli %select_n3A_420, %mul3A_421 : i32
    %dma_start3A_423 = arith.constant 1 : i32
    %dma_start3A_424 = arith.constant 0 : i32
    %dma_start3A_425 = arith.constant 0 : i32
    %dma_start3A_426 = tpu.memref_slice %arg5[%dma_start3A_423, %dma_start3A_424, %dma_start3A_425] : memref<2x32x512xf32, #tpu.memory_space<vmem>> -> memref<1x32x512xf32, #tpu.memory_space<vmem>>
    %dma_start3A_427 = tpu.memref_squeeze %dma_start3A_426 : memref<1x32x512xf32, #tpu.memory_space<vmem>> -> memref<32x512xf32, #tpu.memory_space<vmem>>
    %dma_start3A_428 = arith.constant 0 : i32
    %dma_start3A_429 = tpu.memref_slice %arg2[%add3A_404, %mul3A_422, %dma_start3A_428] : memref<32x512x512xf32, #tpu.memory_space<hbm>> -> memref<1x32x512xf32, #tpu.memory_space<hbm>>
    %dma_start3A_430 = tpu.memref_squeeze %dma_start3A_429 : memref<1x32x512xf32, #tpu.memory_space<hbm>> -> memref<32x512xf32, #tpu.memory_space<hbm>>
    %dma_start3A_431 = arith.constant 0 : i32
    %dma_start3A_432 = arith.constant 0 : i32
    %dma_start3A_433 = tpu.memref_slice %arg5[%dma_start3A_423, %dma_start3A_431, %dma_start3A_432] : memref<2x32x512xf32, #tpu.memory_space<vmem>> -> memref<1x32x512xf32, #tpu.memory_space<vmem>>
    %dma_start3A_434 = tpu.memref_squeeze %dma_start3A_433 : memref<1x32x512xf32, #tpu.memory_space<vmem>> -> memref<32x512xf32, #tpu.memory_space<vmem>>
    %dma_start3A_435 = arith.constant 0 : i32
    %dma_start3A_436 = tpu.memref_slice %arg2[%add3A_404, %mul3A_422, %dma_start3A_435] : memref<32x512x512xf32, #tpu.memory_space<hbm>> -> memref<1x32x512xf32, #tpu.memory_space<hbm>>
    %dma_start3A_437 = tpu.memref_squeeze %dma_start3A_436 : memref<1x32x512xf32, #tpu.memory_space<hbm>> -> memref<32x512xf32, #tpu.memory_space<hbm>>
    tpu.enqueue_dma source(%dma_start3A_437 : memref<32x512xf32, #tpu.memory_space<hbm>>) target(%dma_start3A_434 : memref<32x512xf32, #tpu.memory_space<vmem>>) target_semaphore(%arg9 : memref<!tpu.dma_semaphore, #tpu.memory_space<semaphore_mem>>)
    %dma_start3A_438 = arith.constant 1 : i32
    %dma_start3A_439 = arith.constant 0 : i32
    %dma_start3A_440 = arith.constant 0 : i32
    %dma_start3A_441 = tpu.memref_slice %arg6[%dma_start3A_438, %dma_start3A_439, %dma_start3A_440] : memref<2x32x512xf32, #tpu.memory_space<vmem>> -> memref<1x32x512xf32, #tpu.memory_space<vmem>>
    %dma_start3A_442 = tpu.memref_squeeze %dma_start3A_441 : memref<1x32x512xf32, #tpu.memory_space<vmem>> -> memref<32x512xf32, #tpu.memory_space<vmem>>
    %dma_start3A_443 = arith.constant 0 : i32
    %dma_start3A_444 = tpu.memref_slice %arg3[%add3A_404, %mul3A_422, %dma_start3A_443] : memref<32x512x512xf32, #tpu.memory_space<hbm>> -> memref<1x32x512xf32, #tpu.memory_space<hbm>>
    %dma_start3A_445 = tpu.memref_squeeze %dma_start3A_444 : memref<1x32x512xf32, #tpu.memory_space<hbm>> -> memref<32x512xf32, #tpu.memory_space<hbm>>
    %dma_start3A_446 = arith.constant 0 : i32
    %dma_start3A_447 = arith.constant 0 : i32
    %dma_start3A_448 = tpu.memref_slice %arg6[%dma_start3A_438, %dma_start3A_446, %dma_start3A_447] : memref<2x32x512xf32, #tpu.memory_space<vmem>> -> memref<1x32x512xf32, #tpu.memory_space<vmem>>
    %dma_start3A_449 = tpu.memref_squeeze %dma_start3A_448 : memref<1x32x512xf32, #tpu.memory_space<vmem>> -> memref<32x512xf32, #tpu.memory_space<vmem>>
    %dma_start3A_450 = arith.constant 0 : i32
    %dma_start3A_451 = tpu.memref_slice %arg3[%add3A_404, %mul3A_422, %dma_start3A_450] : memref<32x512x512xf32, #tpu.memory_space<hbm>> -> memref<1x32x512xf32, #tpu.memory_space<hbm>>
    %dma_start3A_452 = tpu.memref_squeeze %dma_start3A_451 : memref<1x32x512xf32, #tpu.memory_space<hbm>> -> memref<32x512xf32, #tpu.memory_space<hbm>>
    tpu.enqueue_dma source(%dma_start3A_452 : memref<32x512xf32, #tpu.memory_space<hbm>>) target(%dma_start3A_449 : memref<32x512xf32, #tpu.memory_space<vmem>>) target_semaphore(%arg11 : memref<!tpu.dma_semaphore, #tpu.memory_space<semaphore_mem>>)
    %add3A_453 = arith.constant 64 : i32
    %add3A_454 = arith.addi %add3A, %add3A_453 : i32
    %jit3A_455 = arith.constant 16 : i32
    %div3A_456 = arith.divsi %add3A_454, %jit3A_455 : i32
    %sign3A_457 = arith.constant 0 : i32
    %sign3A_458 = arith.cmpi sgt, %add3A_454, %sign3A_457 : i32
    %sign3A_459 = arith.extui %sign3A_458 : i1 to i32
    %sign3A_460 = arith.constant 0 : i32
    %sign3A_461 = arith.cmpi slt, %add3A_454, %sign3A_460 : i32
    %sign3A_462 = arith.extui %sign3A_461 : i1 to i32
    %sign3A_463 = arith.subi %sign3A_459, %sign3A_462 : i32
    %sign3A_464 = arith.constant 0 : i32
    %sign3A_465 = arith.cmpi sgt, %jit3A_455, %sign3A_464 : i32
    %sign3A_466 = arith.extui %sign3A_465 : i1 to i32
    %sign3A_467 = arith.constant 0 : i32
    %sign3A_468 = arith.cmpi slt, %jit3A_455, %sign3A_467 : i32
    %sign3A_469 = arith.extui %sign3A_468 : i1 to i32
    %sign3A_470 = arith.subi %sign3A_466, %sign3A_469 : i32
    %ne3A_471 = arith.cmpi ne, %sign3A_463, %sign3A_470 : i32
    %rem3A_472 = arith.remsi %add3A_454, %jit3A_455 : i32
    %ne3A_473 = arith.constant 0 : i32
    %ne3A_474 = arith.cmpi ne, %rem3A_472, %ne3A_473 : i32
    %and3A_475 = arith.andi %ne3A_471, %ne3A_474 : i1
    %sub3A_476 = arith.constant 1 : i32
    %sub3A_477 = arith.subi %div3A_456, %sub3A_476 : i32
    %select_n3A_478 = arith.select %and3A_475, %sub3A_477, %div3A_456 : i32
    %add3A_479 = arith.constant 20 : i32
    %add3A_480 = arith.addi %add3A_479, %select_n3A_478 : i32
    %jit3A_481 = arith.constant 16 : i32
    %eq3A_482 = arith.constant 0 : i32
    %eq3A_483 = arith.cmpi eq, %jit3A_481, %eq3A_482 : i32
    %jit3A_484 = arith.constant 1 : i32
    %select_n3A_485 = arith.select %eq3A_483, %jit3A_484, %jit3A_481 : i32
    %rem3A_486 = arith.remsi %add3A_454, %select_n3A_485 : i32
    %ne3A_487 = arith.constant 0 : i32
    %ne3A_488 = arith.cmpi ne, %rem3A_486, %ne3A_487 : i32
    %lt3A_489 = arith.constant 0 : i32
    %lt3A_490 = arith.cmpi slt, %rem3A_486, %lt3A_489 : i32
    %lt3A_491 = arith.constant 0 : i32
    %lt3A_492 = arith.cmpi slt, %select_n3A_485, %lt3A_491 : i32
    %ne3A_493 = arith.xori %lt3A_490, %lt3A_492 : i1
    %and3A_494 = arith.andi %ne3A_493, %ne3A_488 : i1
    %add3A_495 = arith.addi %rem3A_486, %select_n3A_485 : i32
    %select_n3A_496 = arith.select %and3A_494, %add3A_495, %rem3A_486 : i32
    %mul3A_497 = arith.constant 32 : i32
    %mul3A_498 = arith.muli %select_n3A_496, %mul3A_497 : i32
    %dma_wait3A_499 = arith.constant 0 : i32
    %dma_wait3A_500 = arith.constant 0 : i32
    %dma_wait3A_501 = arith.constant 0 : i32
    %dma_wait3A_502 = tpu.memref_slice %arg5[%dma_wait3A_499, %dma_wait3A_500, %dma_wait3A_501] : memref<2x32x512xf32, #tpu.memory_space<vmem>> -> memref<1x32x512xf32, #tpu.memory_space<vmem>>
    %dma_wait3A_503 = tpu.memref_squeeze %dma_wait3A_502 : memref<1x32x512xf32, #tpu.memory_space<vmem>> -> memref<32x512xf32, #tpu.memory_space<vmem>>
    %dma_wait3A_504 = arith.constant 0 : i32
    %dma_wait3A_505 = tpu.memref_slice %arg2[%add3A_480, %mul3A_498, %dma_wait3A_504] : memref<32x512x512xf32, #tpu.memory_space<hbm>> -> memref<1x32x512xf32, #tpu.memory_space<hbm>>
    %dma_wait3A_506 = tpu.memref_squeeze %dma_wait3A_505 : memref<1x32x512xf32, #tpu.memory_space<hbm>> -> memref<32x512xf32, #tpu.memory_space<hbm>>
    %dma_wait3A_507 = arith.constant 0 : i32
    %dma_wait3A_508 = arith.constant 0 : i32
    %dma_wait3A_509 = tpu.memref_slice %arg5[%dma_wait3A_499, %dma_wait3A_507, %dma_wait3A_508] : memref<2x32x512xf32, #tpu.memory_space<vmem>> -> memref<1x32x512xf32, #tpu.memory_space<vmem>>
    %dma_wait3A_510 = tpu.memref_squeeze %dma_wait3A_509 : memref<1x32x512xf32, #tpu.memory_space<vmem>> -> memref<32x512xf32, #tpu.memory_space<vmem>>
    %dma_wait3A_511 = arith.constant 0 : i32
    %dma_wait3A_512 = tpu.memref_slice %arg2[%add3A_480, %mul3A_498, %dma_wait3A_511] : memref<32x512x512xf32, #tpu.memory_space<hbm>> -> memref<1x32x512xf32, #tpu.memory_space<hbm>>
    %dma_wait3A_513 = tpu.memref_squeeze %dma_wait3A_512 : memref<1x32x512xf32, #tpu.memory_space<hbm>> -> memref<32x512xf32, #tpu.memory_space<hbm>>
    tpu.wait_dma2 semaphore(%arg8 : memref<!tpu.dma_semaphore, #tpu.memory_space<semaphore_mem>>) src(%dma_wait3A_513 : memref<32x512xf32, #tpu.memory_space<hbm>>) dst(%dma_wait3A_510 : memref<32x512xf32, #tpu.memory_space<vmem>>)
    %dma_wait3A_514 = arith.constant 0 : i32
    %dma_wait3A_515 = arith.constant 0 : i32
    %dma_wait3A_516 = arith.constant 0 : i32
    %dma_wait3A_517 = tpu.memref_slice %arg6[%dma_wait3A_514, %dma_wait3A_515, %dma_wait3A_516] : memref<2x32x512xf32, #tpu.memory_space<vmem>> -> memref<1x32x512xf32, #tpu.memory_space<vmem>>
    %dma_wait3A_518 = tpu.memref_squeeze %dma_wait3A_517 : memref<1x32x512xf32, #tpu.memory_space<vmem>> -> memref<32x512xf32, #tpu.memory_space<vmem>>
    %dma_wait3A_519 = arith.constant 0 : i32
    %dma_wait3A_520 = tpu.memref_slice %arg3[%add3A_480, %mul3A_498, %dma_wait3A_519] : memref<32x512x512xf32, #tpu.memory_space<hbm>> -> memref<1x32x512xf32, #tpu.memory_space<hbm>>
    %dma_wait3A_521 = tpu.memref_squeeze %dma_wait3A_520 : memref<1x32x512xf32, #tpu.memory_space<hbm>> -> memref<32x512xf32, #tpu.memory_space<hbm>>
    %dma_wait3A_522 = arith.constant 0 : i32
    %dma_wait3A_523 = arith.constant 0 : i32
    %dma_wait3A_524 = tpu.memref_slice %arg6[%dma_wait3A_514, %dma_wait3A_522, %dma_wait3A_523] : memref<2x32x512xf32, #tpu.memory_space<vmem>> -> memref<1x32x512xf32, #tpu.memory_space<vmem>>
    %dma_wait3A_525 = tpu.memref_squeeze %dma_wait3A_524 : memref<1x32x512xf32, #tpu.memory_space<vmem>> -> memref<32x512xf32, #tpu.memory_space<vmem>>
    %dma_wait3A_526 = arith.constant 0 : i32
    %dma_wait3A_527 = tpu.memref_slice %arg3[%add3A_480, %mul3A_498, %dma_wait3A_526] : memref<32x512x512xf32, #tpu.memory_space<hbm>> -> memref<1x32x512xf32, #tpu.memory_space<hbm>>
    %dma_wait3A_528 = tpu.memref_squeeze %dma_wait3A_527 : memref<1x32x512xf32, #tpu.memory_space<hbm>> -> memref<32x512xf32, #tpu.memory_space<hbm>>
    tpu.wait_dma2 semaphore(%arg10 : memref<!tpu.dma_semaphore, #tpu.memory_space<semaphore_mem>>) src(%dma_wait3A_528 : memref<32x512xf32, #tpu.memory_space<hbm>>) dst(%dma_wait3A_525 : memref<32x512xf32, #tpu.memory_space<vmem>>)
    %parallel_loop3A_529 = arith.constant 0 : i32
    %parallel_loop3A_530 = arith.constant 256 : i32
    %parallel_loop3A_531 = arith.constant 1 : i32
    %parallel_loop3A_532:16 = scf.for %parallel_loop3A_960 = %parallel_loop3A_529 to %parallel_loop3A_530 step %parallel_loop3A_531 iter_args(%parallel_loop3A_961 = %parallel_loop3A_376#0, %parallel_loop3A_962 = %parallel_loop3A_376#1, %parallel_loop3A_963 = %parallel_loop3A_376#2, %parallel_loop3A_964 = %parallel_loop3A_376#3, %parallel_loop3A_965 = %parallel_loop3A_376#4, %parallel_loop3A_966 = %parallel_loop3A_376#5, %parallel_loop3A_967 = %parallel_loop3A_376#6, %parallel_loop3A_968 = %parallel_loop3A_376#7, %parallel_loop3A_969 = %parallel_loop3A_376#8, %parallel_loop3A_970 = %parallel_loop3A_376#9, %parallel_loop3A_971 = %parallel_loop3A_376#10, %parallel_loop3A_972 = %parallel_loop3A_376#11, %parallel_loop3A_973 = %parallel_loop3A_376#12, %parallel_loop3A_974 = %parallel_loop3A_376#13, %parallel_loop3A_975 = %parallel_loop3A_376#14, %parallel_loop3A_976 = %parallel_loop3A_376#15) -> (vector<16xf32>, vector<16xf32>, vector<16xf32>, vector<16xf32>, vector<16xf32>, vector<16xf32>, vector<16xf32>, vector<16xf32>, vector<16xf32>, vector<16xf32>, vector<16xf32>, vector<16xf32>, vector<16xf32>, vector<16xf32>, vector<16xf32>, vector<16xf32>)  : i32 {
      %parallel_loop3A_977 = arith.constant 4 : i32
      %parallel_loop3A_978 = arith.muli %parallel_loop3A_960, %parallel_loop3A_977 : i32
      %parallel_loop3A_979 = arith.constant 0 : i32
      %parallel_loop3A_980 = arith.addi %parallel_loop3A_978, %parallel_loop3A_979 : i32
      %parallel_loop3A_981 = arith.constant 5 : i32
      %parallel_loop3A_982 = arith.shrsi %parallel_loop3A_980, %parallel_loop3A_981 : i32
      %parallel_loop3A_983 = arith.constant 31 : i32
      %parallel_loop3A_984 = arith.andi %parallel_loop3A_980, %parallel_loop3A_983 : i32
      %parallel_loop3A_985 = arith.constant 16 : i32
      %parallel_loop3A_986 = arith.muli %parallel_loop3A_984, %parallel_loop3A_985 : i32
      %parallel_loop3A_987 = arith.constant 0 : i32
      %parallel_loop3A_988 = arith.index_cast %parallel_loop3A_987 : i32 to index
      %parallel_loop3A_989 = arith.index_cast %parallel_loop3A_982 : i32 to index
      %parallel_loop3A_990 = arith.index_cast %parallel_loop3A_986 : i32 to index
      %parallel_loop3A_991 = tpu.vector_load %arg5[%parallel_loop3A_988, %parallel_loop3A_989, %parallel_loop3A_990] {strides = array<i32>} : memref<2x32x512xf32, #tpu.memory_space<vmem>>, vector<1x1x16xf32>,
      %parallel_loop3A_992 = vector.shape_cast %parallel_loop3A_991 : vector<1x1x16xf32> to vector<16xf32>
      %parallel_loop3A_993 = arith.constant 0 : i32
      %parallel_loop3A_994 = arith.index_cast %parallel_loop3A_993 : i32 to index
      %parallel_loop3A_995 = arith.index_cast %parallel_loop3A_982 : i32 to index
      %parallel_loop3A_996 = arith.index_cast %parallel_loop3A_986 : i32 to index
      %parallel_loop3A_997 = tpu.vector_load %arg6[%parallel_loop3A_994, %parallel_loop3A_995, %parallel_loop3A_996] {strides = array<i32>} : memref<2x32x512xf32, #tpu.memory_space<vmem>>, vector<1x1x16xf32>,
      %parallel_loop3A_998 = vector.shape_cast %parallel_loop3A_997 : vector<1x1x16xf32> to vector<16xf32>
      %parallel_loop3A_999 = arith.constant 1.000000e-01 : f32
      %parallel_loop3A_1000 = vector.broadcast %parallel_loop3A_999 : f32 to vector<16xf32>
      %parallel_loop3A_1001 = arith.cmpf ogt, %parallel_loop3A_998, %parallel_loop3A_1000 : vector<16xf32>
      %parallel_loop3A_1002 = arith.addf %parallel_loop3A_961, %parallel_loop3A_992 : vector<16xf32>
      %parallel_loop3A_1003 = arith.mulf %parallel_loop3A_992, %parallel_loop3A_992 : vector<16xf32>
      %parallel_loop3A_1004 = arith.addf %parallel_loop3A_962, %parallel_loop3A_1003 : vector<16xf32>
      %parallel_loop3A_1005 = arith.constant 0.000000e+00 : f32
      %parallel_loop3A_1006 = vector.broadcast %parallel_loop3A_1005 : f32 to vector<16xf32>
      %parallel_loop3A_1007 = arith.select %parallel_loop3A_1001, %parallel_loop3A_992, %parallel_loop3A_1006 : vector<16xi1>, vector<16xf32>
      %parallel_loop3A_1008 = arith.addf %parallel_loop3A_963, %parallel_loop3A_1007 : vector<16xf32>
      %parallel_loop3A_1009 = arith.constant 1.000000e+00 : f32
      %parallel_loop3A_1010 = arith.constant 0.000000e+00 : f32
      %parallel_loop3A_1011 = vector.broadcast %parallel_loop3A_1009 : f32 to vector<16xf32>
      %parallel_loop3A_1012 = vector.broadcast %parallel_loop3A_1010 : f32 to vector<16xf32>
      %parallel_loop3A_1013 = arith.select %parallel_loop3A_1001, %parallel_loop3A_1011, %parallel_loop3A_1012 : vector<16xi1>, vector<16xf32>
      %parallel_loop3A_1014 = arith.addf %parallel_loop3A_964, %parallel_loop3A_1013 : vector<16xf32>
      %parallel_loop3A_1015 = arith.constant 4 : i32
      %parallel_loop3A_1016 = arith.muli %parallel_loop3A_960, %parallel_loop3A_1015 : i32
      %parallel_loop3A_1017 = arith.constant 1 : i32
      %parallel_loop3A_1018 = arith.addi %parallel_loop3A_1016, %parallel_loop3A_1017 : i32
      %parallel_loop3A_1019 = arith.constant 5 : i32
      %parallel_loop3A_1020 = arith.shrsi %parallel_loop3A_1018, %parallel_loop3A_1019 : i32
      %parallel_loop3A_1021 = arith.constant 31 : i32
      %parallel_loop3A_1022 = arith.andi %parallel_loop3A_1018, %parallel_loop3A_1021 : i32
      %parallel_loop3A_1023 = arith.constant 16 : i32
      %parallel_loop3A_1024 = arith.muli %parallel_loop3A_1022, %parallel_loop3A_1023 : i32
      %parallel_loop3A_1025 = arith.constant 0 : i32
      %parallel_loop3A_1026 = arith.index_cast %parallel_loop3A_1025 : i32 to index
      %parallel_loop3A_1027 = arith.index_cast %parallel_loop3A_1020 : i32 to index
      %parallel_loop3A_1028 = arith.index_cast %parallel_loop3A_1024 : i32 to index
      %parallel_loop3A_1029 = tpu.vector_load %arg5[%parallel_loop3A_1026, %parallel_loop3A_1027, %parallel_loop3A_1028] {strides = array<i32>} : memref<2x32x512xf32, #tpu.memory_space<vmem>>, vector<1x1x16xf32>,
      %parallel_loop3A_1030 = vector.shape_cast %parallel_loop3A_1029 : vector<1x1x16xf32> to vector<16xf32>
      %parallel_loop3A_1031 = arith.constant 0 : i32
      %parallel_loop3A_1032 = arith.index_cast %parallel_loop3A_1031 : i32 to index
      %parallel_loop3A_1033 = arith.index_cast %parallel_loop3A_1020 : i32 to index
      %parallel_loop3A_1034 = arith.index_cast %parallel_loop3A_1024 : i32 to index
      %parallel_loop3A_1035 = tpu.vector_load %arg6[%parallel_loop3A_1032, %parallel_loop3A_1033, %parallel_loop3A_1034] {strides = array<i32>} : memref<2x32x512xf32, #tpu.memory_space<vmem>>, vector<1x1x16xf32>,
      %parallel_loop3A_1036 = vector.shape_cast %parallel_loop3A_1035 : vector<1x1x16xf32> to vector<16xf32>
      %parallel_loop3A_1037 = arith.constant 1.000000e-01 : f32
      %parallel_loop3A_1038 = vector.broadcast %parallel_loop3A_1037 : f32 to vector<16xf32>
      %parallel_loop3A_1039 = arith.cmpf ogt, %parallel_loop3A_1036, %parallel_loop3A_1038 : vector<16xf32>
      %parallel_loop3A_1040 = arith.addf %parallel_loop3A_965, %parallel_loop3A_1030 : vector<16xf32>
      %parallel_loop3A_1041 = arith.mulf %parallel_loop3A_1030, %parallel_loop3A_1030 : vector<16xf32>
      %parallel_loop3A_1042 = arith.addf %parallel_loop3A_966, %parallel_loop3A_1041 : vector<16xf32>
      %parallel_loop3A_1043 = arith.constant 0.000000e+00 : f32
      %parallel_loop3A_1044 = vector.broadcast %parallel_loop3A_1043 : f32 to vector<16xf32>
      %parallel_loop3A_1045 = arith.select %parallel_loop3A_1039, %parallel_loop3A_1030, %parallel_loop3A_1044 : vector<16xi1>, vector<16xf32>
      %parallel_loop3A_1046 = arith.addf %parallel_loop3A_967, %parallel_loop3A_1045 : vector<16xf32>
      %parallel_loop3A_1047 = arith.constant 1.000000e+00 : f32
      %parallel_loop3A_1048 = arith.constant 0.000000e+00 : f32
      %parallel_loop3A_1049 = vector.broadcast %parallel_loop3A_1047 : f32 to vector<16xf32>
      %parallel_loop3A_1050 = vector.broadcast %parallel_loop3A_1048 : f32 to vector<16xf32>
      %parallel_loop3A_1051 = arith.select %parallel_loop3A_1039, %parallel_loop3A_1049, %parallel_loop3A_1050 : vector<16xi1>, vector<16xf32>
      %parallel_loop3A_1052 = arith.addf %parallel_loop3A_968, %parallel_loop3A_1051 : vector<16xf32>
      %parallel_loop3A_1053 = arith.constant 4 : i32
      %parallel_loop3A_1054 = arith.muli %parallel_loop3A_960, %parallel_loop3A_1053 : i32
      %parallel_loop3A_1055 = arith.constant 2 : i32
      %parallel_loop3A_1056 = arith.addi %parallel_loop3A_1054, %parallel_loop3A_1055 : i32
      %parallel_loop3A_1057 = arith.constant 5 : i32
      %parallel_loop3A_1058 = arith.shrsi %parallel_loop3A_1056, %parallel_loop3A_1057 : i32
      %parallel_loop3A_1059 = arith.constant 31 : i32
      %parallel_loop3A_1060 = arith.andi %parallel_loop3A_1056, %parallel_loop3A_1059 : i32
      %parallel_loop3A_1061 = arith.constant 16 : i32
      %parallel_loop3A_1062 = arith.muli %parallel_loop3A_1060, %parallel_loop3A_1061 : i32
      %parallel_loop3A_1063 = arith.constant 0 : i32
      %parallel_loop3A_1064 = arith.index_cast %parallel_loop3A_1063 : i32 to index
      %parallel_loop3A_1065 = arith.index_cast %parallel_loop3A_1058 : i32 to index
      %parallel_loop3A_1066 = arith.index_cast %parallel_loop3A_1062 : i32 to index
      %parallel_loop3A_1067 = tpu.vector_load %arg5[%parallel_loop3A_1064, %parallel_loop3A_1065, %parallel_loop3A_1066] {strides = array<i32>} : memref<2x32x512xf32, #tpu.memory_space<vmem>>, vector<1x1x16xf32>,
      %parallel_loop3A_1068 = vector.shape_cast %parallel_loop3A_1067 : vector<1x1x16xf32> to vector<16xf32>
      %parallel_loop3A_1069 = arith.constant 0 : i32
      %parallel_loop3A_1070 = arith.index_cast %parallel_loop3A_1069 : i32 to index
      %parallel_loop3A_1071 = arith.index_cast %parallel_loop3A_1058 : i32 to index
      %parallel_loop3A_1072 = arith.index_cast %parallel_loop3A_1062 : i32 to index
      %parallel_loop3A_1073 = tpu.vector_load %arg6[%parallel_loop3A_1070, %parallel_loop3A_1071, %parallel_loop3A_1072] {strides = array<i32>} : memref<2x32x512xf32, #tpu.memory_space<vmem>>, vector<1x1x16xf32>,
      %parallel_loop3A_1074 = vector.shape_cast %parallel_loop3A_1073 : vector<1x1x16xf32> to vector<16xf32>
      %parallel_loop3A_1075 = arith.constant 1.000000e-01 : f32
      %parallel_loop3A_1076 = vector.broadcast %parallel_loop3A_1075 : f32 to vector<16xf32>
      %parallel_loop3A_1077 = arith.cmpf ogt, %parallel_loop3A_1074, %parallel_loop3A_1076 : vector<16xf32>
      %parallel_loop3A_1078 = arith.addf %parallel_loop3A_969, %parallel_loop3A_1068 : vector<16xf32>
      %parallel_loop3A_1079 = arith.mulf %parallel_loop3A_1068, %parallel_loop3A_1068 : vector<16xf32>
      %parallel_loop3A_1080 = arith.addf %parallel_loop3A_970, %parallel_loop3A_1079 : vector<16xf32>
      %parallel_loop3A_1081 = arith.constant 0.000000e+00 : f32
      %parallel_loop3A_1082 = vector.broadcast %parallel_loop3A_1081 : f32 to vector<16xf32>
      %parallel_loop3A_1083 = arith.select %parallel_loop3A_1077, %parallel_loop3A_1068, %parallel_loop3A_1082 : vector<16xi1>, vector<16xf32>
      %parallel_loop3A_1084 = arith.addf %parallel_loop3A_971, %parallel_loop3A_1083 : vector<16xf32>
      %parallel_loop3A_1085 = arith.constant 1.000000e+00 : f32
      %parallel_loop3A_1086 = arith.constant 0.000000e+00 : f32
      %parallel_loop3A_1087 = vector.broadcast %parallel_loop3A_1085 : f32 to vector<16xf32>
      %parallel_loop3A_1088 = vector.broadcast %parallel_loop3A_1086 : f32 to vector<16xf32>
      %parallel_loop3A_1089 = arith.select %parallel_loop3A_1077, %parallel_loop3A_1087, %parallel_loop3A_1088 : vector<16xi1>, vector<16xf32>
      %parallel_loop3A_1090 = arith.addf %parallel_loop3A_972, %parallel_loop3A_1089 : vector<16xf32>
      %parallel_loop3A_1091 = arith.constant 4 : i32
      %parallel_loop3A_1092 = arith.muli %parallel_loop3A_960, %parallel_loop3A_1091 : i32
      %parallel_loop3A_1093 = arith.constant 3 : i32
      %parallel_loop3A_1094 = arith.addi %parallel_loop3A_1092, %parallel_loop3A_1093 : i32
      %parallel_loop3A_1095 = arith.constant 5 : i32
      %parallel_loop3A_1096 = arith.shrsi %parallel_loop3A_1094, %parallel_loop3A_1095 : i32
      %parallel_loop3A_1097 = arith.constant 31 : i32
      %parallel_loop3A_1098 = arith.andi %parallel_loop3A_1094, %parallel_loop3A_1097 : i32
      %parallel_loop3A_1099 = arith.constant 16 : i32
      %parallel_loop3A_1100 = arith.muli %parallel_loop3A_1098, %parallel_loop3A_1099 : i32
      %parallel_loop3A_1101 = arith.constant 0 : i32
      %parallel_loop3A_1102 = arith.index_cast %parallel_loop3A_1101 : i32 to index
      %parallel_loop3A_1103 = arith.index_cast %parallel_loop3A_1096 : i32 to index
      %parallel_loop3A_1104 = arith.index_cast %parallel_loop3A_1100 : i32 to index
      %parallel_loop3A_1105 = tpu.vector_load %arg5[%parallel_loop3A_1102, %parallel_loop3A_1103, %parallel_loop3A_1104] {strides = array<i32>} : memref<2x32x512xf32, #tpu.memory_space<vmem>>, vector<1x1x16xf32>,
      %parallel_loop3A_1106 = vector.shape_cast %parallel_loop3A_1105 : vector<1x1x16xf32> to vector<16xf32>
      %parallel_loop3A_1107 = arith.constant 0 : i32
      %parallel_loop3A_1108 = arith.index_cast %parallel_loop3A_1107 : i32 to index
      %parallel_loop3A_1109 = arith.index_cast %parallel_loop3A_1096 : i32 to index
      %parallel_loop3A_1110 = arith.index_cast %parallel_loop3A_1100 : i32 to index
      %parallel_loop3A_1111 = tpu.vector_load %arg6[%parallel_loop3A_1108, %parallel_loop3A_1109, %parallel_loop3A_1110] {strides = array<i32>} : memref<2x32x512xf32, #tpu.memory_space<vmem>>, vector<1x1x16xf32>,
      %parallel_loop3A_1112 = vector.shape_cast %parallel_loop3A_1111 : vector<1x1x16xf32> to vector<16xf32>
      %parallel_loop3A_1113 = arith.constant 1.000000e-01 : f32
      %parallel_loop3A_1114 = vector.broadcast %parallel_loop3A_1113 : f32 to vector<16xf32>
      %parallel_loop3A_1115 = arith.cmpf ogt, %parallel_loop3A_1112, %parallel_loop3A_1114 : vector<16xf32>
      %parallel_loop3A_1116 = arith.addf %parallel_loop3A_973, %parallel_loop3A_1106 : vector<16xf32>
      %parallel_loop3A_1117 = arith.mulf %parallel_loop3A_1106, %parallel_loop3A_1106 : vector<16xf32>
      %parallel_loop3A_1118 = arith.addf %parallel_loop3A_974, %parallel_loop3A_1117 : vector<16xf32>
      %parallel_loop3A_1119 = arith.constant 0.000000e+00 : f32
      %parallel_loop3A_1120 = vector.broadcast %parallel_loop3A_1119 : f32 to vector<16xf32>
      %parallel_loop3A_1121 = arith.select %parallel_loop3A_1115, %parallel_loop3A_1106, %parallel_loop3A_1120 : vector<16xi1>, vector<16xf32>
      %parallel_loop3A_1122 = arith.addf %parallel_loop3A_975, %parallel_loop3A_1121 : vector<16xf32>
      %parallel_loop3A_1123 = arith.constant 1.000000e+00 : f32
      %parallel_loop3A_1124 = arith.constant 0.000000e+00 : f32
      %parallel_loop3A_1125 = vector.broadcast %parallel_loop3A_1123 : f32 to vector<16xf32>
      %parallel_loop3A_1126 = vector.broadcast %parallel_loop3A_1124 : f32 to vector<16xf32>
      %parallel_loop3A_1127 = arith.select %parallel_loop3A_1115, %parallel_loop3A_1125, %parallel_loop3A_1126 : vector<16xi1>, vector<16xf32>
      %parallel_loop3A_1128 = arith.addf %parallel_loop3A_976, %parallel_loop3A_1127 : vector<16xf32>
      scf.yield %parallel_loop3A_1002, %parallel_loop3A_1004, %parallel_loop3A_1008, %parallel_loop3A_1014, %parallel_loop3A_1040, %parallel_loop3A_1042, %parallel_loop3A_1046, %parallel_loop3A_1052, %parallel_loop3A_1078, %parallel_loop3A_1080, %parallel_loop3A_1084, %parallel_loop3A_1090, %parallel_loop3A_1116, %parallel_loop3A_1118, %parallel_loop3A_1122, %parallel_loop3A_1128 : vector<16xf32>, vector<16xf32>, vector<16xf32>, vector<16xf32>, vector<16xf32>, vector<16xf32>, vector<16xf32>, vector<16xf32>, vector<16xf32>, vector<16xf32>, vector<16xf32>, vector<16xf32>, vector<16xf32>, vector<16xf32>, vector<16xf32>, vector<16xf32>
    } {sc.loop_unroll_factor = 2 : i64, sc.parallel_access}
    %add3A_533 = arith.constant 128 : i32
    %add3A_534 = arith.addi %add3A, %add3A_533 : i32
    %jit3A_535 = arith.constant 16 : i32
    %div3A_536 = arith.divsi %add3A_534, %jit3A_535 : i32
    %sign3A_537 = arith.constant 0 : i32
    %sign3A_538 = arith.cmpi sgt, %add3A_534, %sign3A_537 : i32
    %sign3A_539 = arith.extui %sign3A_538 : i1 to i32
    %sign3A_540 = arith.constant 0 : i32
    %sign3A_541 = arith.cmpi slt, %add3A_534, %sign3A_540 : i32
    %sign3A_542 = arith.extui %sign3A_541 : i1 to i32
    %sign3A_543 = arith.subi %sign3A_539, %sign3A_542 : i32
    %sign3A_544 = arith.constant 0 : i32
    %sign3A_545 = arith.cmpi sgt, %jit3A_535, %sign3A_544 : i32
    %sign3A_546 = arith.extui %sign3A_545 : i1 to i32
    %sign3A_547 = arith.constant 0 : i32
    %sign3A_548 = arith.cmpi slt, %jit3A_535, %sign3A_547 : i32
    %sign3A_549 = arith.extui %sign3A_548 : i1 to i32
    %sign3A_550 = arith.subi %sign3A_546, %sign3A_549 : i32
    %ne3A_551 = arith.cmpi ne, %sign3A_543, %sign3A_550 : i32
    %rem3A_552 = arith.remsi %add3A_534, %jit3A_535 : i32
    %ne3A_553 = arith.constant 0 : i32
    %ne3A_554 = arith.cmpi ne, %rem3A_552, %ne3A_553 : i32
    %and3A_555 = arith.andi %ne3A_551, %ne3A_554 : i1
    %sub3A_556 = arith.constant 1 : i32
    %sub3A_557 = arith.subi %div3A_536, %sub3A_556 : i32
    %select_n3A_558 = arith.select %and3A_555, %sub3A_557, %div3A_536 : i32
    %add3A_559 = arith.constant 20 : i32
    %add3A_560 = arith.addi %add3A_559, %select_n3A_558 : i32
    %jit3A_561 = arith.constant 16 : i32
    %eq3A_562 = arith.constant 0 : i32
    %eq3A_563 = arith.cmpi eq, %jit3A_561, %eq3A_562 : i32
    %jit3A_564 = arith.constant 1 : i32
    %select_n3A_565 = arith.select %eq3A_563, %jit3A_564, %jit3A_561 : i32
    %rem3A_566 = arith.remsi %add3A_534, %select_n3A_565 : i32
    %ne3A_567 = arith.constant 0 : i32
    %ne3A_568 = arith.cmpi ne, %rem3A_566, %ne3A_567 : i32
    %lt3A_569 = arith.constant 0 : i32
    %lt3A_570 = arith.cmpi slt, %rem3A_566, %lt3A_569 : i32
    %lt3A_571 = arith.constant 0 : i32
    %lt3A_572 = arith.cmpi slt, %select_n3A_565, %lt3A_571 : i32
    %ne3A_573 = arith.xori %lt3A_570, %lt3A_572 : i1
    %and3A_574 = arith.andi %ne3A_573, %ne3A_568 : i1
    %add3A_575 = arith.addi %rem3A_566, %select_n3A_565 : i32
    %select_n3A_576 = arith.select %and3A_574, %add3A_575, %rem3A_566 : i32
    %mul3A_577 = arith.constant 32 : i32
    %mul3A_578 = arith.muli %select_n3A_576, %mul3A_577 : i32
    %dma_start3A_579 = arith.constant 0 : i32
    %dma_start3A_580 = arith.constant 0 : i32
    %dma_start3A_581 = arith.constant 0 : i32
    %dma_start3A_582 = tpu.memref_slice %arg5[%dma_start3A_579, %dma_start3A_580, %dma_start3A_581] : memref<2x32x512xf32, #tpu.memory_space<vmem>> -> memref<1x32x512xf32, #tpu.memory_space<vmem>>
    %dma_start3A_583 = tpu.memref_squeeze %dma_start3A_582 : memref<1x32x512xf32, #tpu.memory_space<vmem>> -> memref<32x512xf32, #tpu.memory_space<vmem>>
    %dma_start3A_584 = arith.constant 0 : i32
    %dma_start3A_585 = tpu.memref_slice %arg2[%add3A_560, %mul3A_578, %dma_start3A_584] : memref<32x512x512xf32, #tpu.memory_space<hbm>> -> memref<1x32x512xf32, #tpu.memory_space<hbm>>
    %dma_start3A_586 = tpu.memref_squeeze %dma_start3A_585 : memref<1x32x512xf32, #tpu.memory_space<hbm>> -> memref<32x512xf32, #tpu.memory_space<hbm>>
    %dma_start3A_587 = arith.constant 0 : i32
    %dma_start3A_588 = arith.constant 0 : i32
    %dma_start3A_589 = tpu.memref_slice %arg5[%dma_start3A_579, %dma_start3A_587, %dma_start3A_588] : memref<2x32x512xf32, #tpu.memory_space<vmem>> -> memref<1x32x512xf32, #tpu.memory_space<vmem>>
    %dma_start3A_590 = tpu.memref_squeeze %dma_start3A_589 : memref<1x32x512xf32, #tpu.memory_space<vmem>> -> memref<32x512xf32, #tpu.memory_space<vmem>>
    %dma_start3A_591 = arith.constant 0 : i32
    %dma_start3A_592 = tpu.memref_slice %arg2[%add3A_560, %mul3A_578, %dma_start3A_591] : memref<32x512x512xf32, #tpu.memory_space<hbm>> -> memref<1x32x512xf32, #tpu.memory_space<hbm>>
    %dma_start3A_593 = tpu.memref_squeeze %dma_start3A_592 : memref<1x32x512xf32, #tpu.memory_space<hbm>> -> memref<32x512xf32, #tpu.memory_space<hbm>>
    tpu.enqueue_dma source(%dma_start3A_593 : memref<32x512xf32, #tpu.memory_space<hbm>>) target(%dma_start3A_590 : memref<32x512xf32, #tpu.memory_space<vmem>>) target_semaphore(%arg8 : memref<!tpu.dma_semaphore, #tpu.memory_space<semaphore_mem>>)
    %dma_start3A_594 = arith.constant 0 : i32
    %dma_start3A_595 = arith.constant 0 : i32
    %dma_start3A_596 = arith.constant 0 : i32
    %dma_start3A_597 = tpu.memref_slice %arg6[%dma_start3A_594, %dma_start3A_595, %dma_start3A_596] : memref<2x32x512xf32, #tpu.memory_space<vmem>> -> memref<1x32x512xf32, #tpu.memory_space<vmem>>
    %dma_start3A_598 = tpu.memref_squeeze %dma_start3A_597 : memref<1x32x512xf32, #tpu.memory_space<vmem>> -> memref<32x512xf32, #tpu.memory_space<vmem>>
    %dma_start3A_599 = arith.constant 0 : i32
    %dma_start3A_600 = tpu.memref_slice %arg3[%add3A_560, %mul3A_578, %dma_start3A_599] : memref<32x512x512xf32, #tpu.memory_space<hbm>> -> memref<1x32x512xf32, #tpu.memory_space<hbm>>
    %dma_start3A_601 = tpu.memref_squeeze %dma_start3A_600 : memref<1x32x512xf32, #tpu.memory_space<hbm>> -> memref<32x512xf32, #tpu.memory_space<hbm>>
    %dma_start3A_602 = arith.constant 0 : i32
    %dma_start3A_603 = arith.constant 0 : i32
    %dma_start3A_604 = tpu.memref_slice %arg6[%dma_start3A_594, %dma_start3A_602, %dma_start3A_603] : memref<2x32x512xf32, #tpu.memory_space<vmem>> -> memref<1x32x512xf32, #tpu.memory_space<vmem>>
    %dma_start3A_605 = tpu.memref_squeeze %dma_start3A_604 : memref<1x32x512xf32, #tpu.memory_space<vmem>> -> memref<32x512xf32, #tpu.memory_space<vmem>>
    %dma_start3A_606 = arith.constant 0 : i32
    %dma_start3A_607 = tpu.memref_slice %arg3[%add3A_560, %mul3A_578, %dma_start3A_606] : memref<32x512x512xf32, #tpu.memory_space<hbm>> -> memref<1x32x512xf32, #tpu.memory_space<hbm>>
    %dma_start3A_608 = tpu.memref_squeeze %dma_start3A_607 : memref<1x32x512xf32, #tpu.memory_space<hbm>> -> memref<32x512xf32, #tpu.memory_space<hbm>>
    tpu.enqueue_dma source(%dma_start3A_608 : memref<32x512xf32, #tpu.memory_space<hbm>>) target(%dma_start3A_605 : memref<32x512xf32, #tpu.memory_space<vmem>>) target_semaphore(%arg10 : memref<!tpu.dma_semaphore, #tpu.memory_space<semaphore_mem>>)
    %add3A_609 = arith.constant 96 : i32
    %add3A_610 = arith.addi %add3A, %add3A_609 : i32
    %jit3A_611 = arith.constant 16 : i32
    %div3A_612 = arith.divsi %add3A_610, %jit3A_611 : i32
    %sign3A_613 = arith.constant 0 : i32
    %sign3A_614 = arith.cmpi sgt, %add3A_610, %sign3A_613 : i32
    %sign3A_615 = arith.extui %sign3A_614 : i1 to i32
    %sign3A_616 = arith.constant 0 : i32
    %sign3A_617 = arith.cmpi slt, %add3A_610, %sign3A_616 : i32
    %sign3A_618 = arith.extui %sign3A_617 : i1 to i32
    %sign3A_619 = arith.subi %sign3A_615, %sign3A_618 : i32
    %sign3A_620 = arith.constant 0 : i32
    %sign3A_621 = arith.cmpi sgt, %jit3A_611, %sign3A_620 : i32
    %sign3A_622 = arith.extui %sign3A_621 : i1 to i32
    %sign3A_623 = arith.constant 0 : i32
    %sign3A_624 = arith.cmpi slt, %jit3A_611, %sign3A_623 : i32
    %sign3A_625 = arith.extui %sign3A_624 : i1 to i32
    %sign3A_626 = arith.subi %sign3A_622, %sign3A_625 : i32
    %ne3A_627 = arith.cmpi ne, %sign3A_619, %sign3A_626 : i32
    %rem3A_628 = arith.remsi %add3A_610, %jit3A_611 : i32
    %ne3A_629 = arith.constant 0 : i32
    %ne3A_630 = arith.cmpi ne, %rem3A_628, %ne3A_629 : i32
    %and3A_631 = arith.andi %ne3A_627, %ne3A_630 : i1
    %sub3A_632 = arith.constant 1 : i32
    %sub3A_633 = arith.subi %div3A_612, %sub3A_632 : i32
    %select_n3A_634 = arith.select %and3A_631, %sub3A_633, %div3A_612 : i32
    %add3A_635 = arith.constant 20 : i32
    %add3A_636 = arith.addi %add3A_635, %select_n3A_634 : i32
    %jit3A_637 = arith.constant 16 : i32
    %eq3A_638 = arith.constant 0 : i32
    %eq3A_639 = arith.cmpi eq, %jit3A_637, %eq3A_638 : i32
    %jit3A_640 = arith.constant 1 : i32
    %select_n3A_641 = arith.select %eq3A_639, %jit3A_640, %jit3A_637 : i32
    %rem3A_642 = arith.remsi %add3A_610, %select_n3A_641 : i32
    %ne3A_643 = arith.constant 0 : i32
    %ne3A_644 = arith.cmpi ne, %rem3A_642, %ne3A_643 : i32
    %lt3A_645 = arith.constant 0 : i32
    %lt3A_646 = arith.cmpi slt, %rem3A_642, %lt3A_645 : i32
    %lt3A_647 = arith.constant 0 : i32
    %lt3A_648 = arith.cmpi slt, %select_n3A_641, %lt3A_647 : i32
    %ne3A_649 = arith.xori %lt3A_646, %lt3A_648 : i1
    %and3A_650 = arith.andi %ne3A_649, %ne3A_644 : i1
    %add3A_651 = arith.addi %rem3A_642, %select_n3A_641 : i32
    %select_n3A_652 = arith.select %and3A_650, %add3A_651, %rem3A_642 : i32
    %mul3A_653 = arith.constant 32 : i32
    %mul3A_654 = arith.muli %select_n3A_652, %mul3A_653 : i32
    %dma_wait3A_655 = arith.constant 1 : i32
    %dma_wait3A_656 = arith.constant 0 : i32
    %dma_wait3A_657 = arith.constant 0 : i32
    %dma_wait3A_658 = tpu.memref_slice %arg5[%dma_wait3A_655, %dma_wait3A_656, %dma_wait3A_657] : memref<2x32x512xf32, #tpu.memory_space<vmem>> -> memref<1x32x512xf32, #tpu.memory_space<vmem>>
    %dma_wait3A_659 = tpu.memref_squeeze %dma_wait3A_658 : memref<1x32x512xf32, #tpu.memory_space<vmem>> -> memref<32x512xf32, #tpu.memory_space<vmem>>
    %dma_wait3A_660 = arith.constant 0 : i32
    %dma_wait3A_661 = tpu.memref_slice %arg2[%add3A_636, %mul3A_654, %dma_wait3A_660] : memref<32x512x512xf32, #tpu.memory_space<hbm>> -> memref<1x32x512xf32, #tpu.memory_space<hbm>>
    %dma_wait3A_662 = tpu.memref_squeeze %dma_wait3A_661 : memref<1x32x512xf32, #tpu.memory_space<hbm>> -> memref<32x512xf32, #tpu.memory_space<hbm>>
    %dma_wait3A_663 = arith.constant 0 : i32
    %dma_wait3A_664 = arith.constant 0 : i32
    %dma_wait3A_665 = tpu.memref_slice %arg5[%dma_wait3A_655, %dma_wait3A_663, %dma_wait3A_664] : memref<2x32x512xf32, #tpu.memory_space<vmem>> -> memref<1x32x512xf32, #tpu.memory_space<vmem>>
    %dma_wait3A_666 = tpu.memref_squeeze %dma_wait3A_665 : memref<1x32x512xf32, #tpu.memory_space<vmem>> -> memref<32x512xf32, #tpu.memory_space<vmem>>
    %dma_wait3A_667 = arith.constant 0 : i32
    %dma_wait3A_668 = tpu.memref_slice %arg2[%add3A_636, %mul3A_654, %dma_wait3A_667] : memref<32x512x512xf32, #tpu.memory_space<hbm>> -> memref<1x32x512xf32, #tpu.memory_space<hbm>>
    %dma_wait3A_669 = tpu.memref_squeeze %dma_wait3A_668 : memref<1x32x512xf32, #tpu.memory_space<hbm>> -> memref<32x512xf32, #tpu.memory_space<hbm>>
    tpu.wait_dma2 semaphore(%arg9 : memref<!tpu.dma_semaphore, #tpu.memory_space<semaphore_mem>>) src(%dma_wait3A_669 : memref<32x512xf32, #tpu.memory_space<hbm>>) dst(%dma_wait3A_666 : memref<32x512xf32, #tpu.memory_space<vmem>>)
    %dma_wait3A_670 = arith.constant 1 : i32
    %dma_wait3A_671 = arith.constant 0 : i32
    %dma_wait3A_672 = arith.constant 0 : i32
    %dma_wait3A_673 = tpu.memref_slice %arg6[%dma_wait3A_670, %dma_wait3A_671, %dma_wait3A_672] : memref<2x32x512xf32, #tpu.memory_space<vmem>> -> memref<1x32x512xf32, #tpu.memory_space<vmem>>
    %dma_wait3A_674 = tpu.memref_squeeze %dma_wait3A_673 : memref<1x32x512xf32, #tpu.memory_space<vmem>> -> memref<32x512xf32, #tpu.memory_space<vmem>>
    %dma_wait3A_675 = arith.constant 0 : i32
    %dma_wait3A_676 = tpu.memref_slice %arg3[%add3A_636, %mul3A_654, %dma_wait3A_675] : memref<32x512x512xf32, #tpu.memory_space<hbm>> -> memref<1x32x512xf32, #tpu.memory_space<hbm>>
    %dma_wait3A_677 = tpu.memref_squeeze %dma_wait3A_676 : memref<1x32x512xf32, #tpu.memory_space<hbm>> -> memref<32x512xf32, #tpu.memory_space<hbm>>
    %dma_wait3A_678 = arith.constant 0 : i32
    %dma_wait3A_679 = arith.constant 0 : i32
    %dma_wait3A_680 = tpu.memref_slice %arg6[%dma_wait3A_670, %dma_wait3A_678, %dma_wait3A_679] : memref<2x32x512xf32, #tpu.memory_space<vmem>> -> memref<1x32x512xf32, #tpu.memory_space<vmem>>
    %dma_wait3A_681 = tpu.memref_squeeze %dma_wait3A_680 : memref<1x32x512xf32, #tpu.memory_space<vmem>> -> memref<32x512xf32, #tpu.memory_space<vmem>>
    %dma_wait3A_682 = arith.constant 0 : i32
    %dma_wait3A_683 = tpu.memref_slice %arg3[%add3A_636, %mul3A_654, %dma_wait3A_682] : memref<32x512x512xf32, #tpu.memory_space<hbm>> -> memref<1x32x512xf32, #tpu.memory_space<hbm>>
    %dma_wait3A_684 = tpu.memref_squeeze %dma_wait3A_683 : memref<1x32x512xf32, #tpu.memory_space<hbm>> -> memref<32x512xf32, #tpu.memory_space<hbm>>
    tpu.wait_dma2 semaphore(%arg11 : memref<!tpu.dma_semaphore, #tpu.memory_space<semaphore_mem>>) src(%dma_wait3A_684 : memref<32x512xf32, #tpu.memory_space<hbm>>) dst(%dma_wait3A_681 : memref<32x512xf32, #tpu.memory_space<vmem>>)
    %parallel_loop3A_685 = arith.constant 0 : i32
    %parallel_loop3A_686 = arith.constant 256 : i32
    %parallel_loop3A_687 = arith.constant 1 : i32
    %parallel_loop3A_688:16 = scf.for %parallel_loop3A_960 = %parallel_loop3A_685 to %parallel_loop3A_686 step %parallel_loop3A_687 iter_args(%parallel_loop3A_961 = %parallel_loop3A_532#0, %parallel_loop3A_962 = %parallel_loop3A_532#1, %parallel_loop3A_963 = %parallel_loop3A_532#2, %parallel_loop3A_964 = %parallel_loop3A_532#3, %parallel_loop3A_965 = %parallel_loop3A_532#4, %parallel_loop3A_966 = %parallel_loop3A_532#5, %parallel_loop3A_967 = %parallel_loop3A_532#6, %parallel_loop3A_968 = %parallel_loop3A_532#7, %parallel_loop3A_969 = %parallel_loop3A_532#8, %parallel_loop3A_970 = %parallel_loop3A_532#9, %parallel_loop3A_971 = %parallel_loop3A_532#10, %parallel_loop3A_972 = %parallel_loop3A_532#11, %parallel_loop3A_973 = %parallel_loop3A_532#12, %parallel_loop3A_974 = %parallel_loop3A_532#13, %parallel_loop3A_975 = %parallel_loop3A_532#14, %parallel_loop3A_976 = %parallel_loop3A_532#15) -> (vector<16xf32>, vector<16xf32>, vector<16xf32>, vector<16xf32>, vector<16xf32>, vector<16xf32>, vector<16xf32>, vector<16xf32>, vector<16xf32>, vector<16xf32>, vector<16xf32>, vector<16xf32>, vector<16xf32>, vector<16xf32>, vector<16xf32>, vector<16xf32>)  : i32 {
      %parallel_loop3A_977 = arith.constant 4 : i32
      %parallel_loop3A_978 = arith.muli %parallel_loop3A_960, %parallel_loop3A_977 : i32
      %parallel_loop3A_979 = arith.constant 0 : i32
      %parallel_loop3A_980 = arith.addi %parallel_loop3A_978, %parallel_loop3A_979 : i32
      %parallel_loop3A_981 = arith.constant 5 : i32
      %parallel_loop3A_982 = arith.shrsi %parallel_loop3A_980, %parallel_loop3A_981 : i32
      %parallel_loop3A_983 = arith.constant 31 : i32
      %parallel_loop3A_984 = arith.andi %parallel_loop3A_980, %parallel_loop3A_983 : i32
      %parallel_loop3A_985 = arith.constant 16 : i32
      %parallel_loop3A_986 = arith.muli %parallel_loop3A_984, %parallel_loop3A_985 : i32
      %parallel_loop3A_987 = arith.constant 1 : i32
      %parallel_loop3A_988 = arith.index_cast %parallel_loop3A_987 : i32 to index
      %parallel_loop3A_989 = arith.index_cast %parallel_loop3A_982 : i32 to index
      %parallel_loop3A_990 = arith.index_cast %parallel_loop3A_986 : i32 to index
      %parallel_loop3A_991 = tpu.vector_load %arg5[%parallel_loop3A_988, %parallel_loop3A_989, %parallel_loop3A_990] {strides = array<i32>} : memref<2x32x512xf32, #tpu.memory_space<vmem>>, vector<1x1x16xf32>,
      %parallel_loop3A_992 = vector.shape_cast %parallel_loop3A_991 : vector<1x1x16xf32> to vector<16xf32>
      %parallel_loop3A_993 = arith.constant 1 : i32
      %parallel_loop3A_994 = arith.index_cast %parallel_loop3A_993 : i32 to index
      %parallel_loop3A_995 = arith.index_cast %parallel_loop3A_982 : i32 to index
      %parallel_loop3A_996 = arith.index_cast %parallel_loop3A_986 : i32 to index
      %parallel_loop3A_997 = tpu.vector_load %arg6[%parallel_loop3A_994, %parallel_loop3A_995, %parallel_loop3A_996] {strides = array<i32>} : memref<2x32x512xf32, #tpu.memory_space<vmem>>, vector<1x1x16xf32>,
      %parallel_loop3A_998 = vector.shape_cast %parallel_loop3A_997 : vector<1x1x16xf32> to vector<16xf32>
      %parallel_loop3A_999 = arith.constant 1.000000e-01 : f32
      %parallel_loop3A_1000 = vector.broadcast %parallel_loop3A_999 : f32 to vector<16xf32>
      %parallel_loop3A_1001 = arith.cmpf ogt, %parallel_loop3A_998, %parallel_loop3A_1000 : vector<16xf32>
      %parallel_loop3A_1002 = arith.addf %parallel_loop3A_961, %parallel_loop3A_992 : vector<16xf32>
      %parallel_loop3A_1003 = arith.mulf %parallel_loop3A_992, %parallel_loop3A_992 : vector<16xf32>
      %parallel_loop3A_1004 = arith.addf %parallel_loop3A_962, %parallel_loop3A_1003 : vector<16xf32>
      %parallel_loop3A_1005 = arith.constant 0.000000e+00 : f32
      %parallel_loop3A_1006 = vector.broadcast %parallel_loop3A_1005 : f32 to vector<16xf32>
      %parallel_loop3A_1007 = arith.select %parallel_loop3A_1001, %parallel_loop3A_992, %parallel_loop3A_1006 : vector<16xi1>, vector<16xf32>
      %parallel_loop3A_1008 = arith.addf %parallel_loop3A_963, %parallel_loop3A_1007 : vector<16xf32>
      %parallel_loop3A_1009 = arith.constant 1.000000e+00 : f32
      %parallel_loop3A_1010 = arith.constant 0.000000e+00 : f32
      %parallel_loop3A_1011 = vector.broadcast %parallel_loop3A_1009 : f32 to vector<16xf32>
      %parallel_loop3A_1012 = vector.broadcast %parallel_loop3A_1010 : f32 to vector<16xf32>
      %parallel_loop3A_1013 = arith.select %parallel_loop3A_1001, %parallel_loop3A_1011, %parallel_loop3A_1012 : vector<16xi1>, vector<16xf32>
      %parallel_loop3A_1014 = arith.addf %parallel_loop3A_964, %parallel_loop3A_1013 : vector<16xf32>
      %parallel_loop3A_1015 = arith.constant 4 : i32
      %parallel_loop3A_1016 = arith.muli %parallel_loop3A_960, %parallel_loop3A_1015 : i32
      %parallel_loop3A_1017 = arith.constant 1 : i32
      %parallel_loop3A_1018 = arith.addi %parallel_loop3A_1016, %parallel_loop3A_1017 : i32
      %parallel_loop3A_1019 = arith.constant 5 : i32
      %parallel_loop3A_1020 = arith.shrsi %parallel_loop3A_1018, %parallel_loop3A_1019 : i32
      %parallel_loop3A_1021 = arith.constant 31 : i32
      %parallel_loop3A_1022 = arith.andi %parallel_loop3A_1018, %parallel_loop3A_1021 : i32
      %parallel_loop3A_1023 = arith.constant 16 : i32
      %parallel_loop3A_1024 = arith.muli %parallel_loop3A_1022, %parallel_loop3A_1023 : i32
      %parallel_loop3A_1025 = arith.constant 1 : i32
      %parallel_loop3A_1026 = arith.index_cast %parallel_loop3A_1025 : i32 to index
      %parallel_loop3A_1027 = arith.index_cast %parallel_loop3A_1020 : i32 to index
      %parallel_loop3A_1028 = arith.index_cast %parallel_loop3A_1024 : i32 to index
      %parallel_loop3A_1029 = tpu.vector_load %arg5[%parallel_loop3A_1026, %parallel_loop3A_1027, %parallel_loop3A_1028] {strides = array<i32>} : memref<2x32x512xf32, #tpu.memory_space<vmem>>, vector<1x1x16xf32>,
      %parallel_loop3A_1030 = vector.shape_cast %parallel_loop3A_1029 : vector<1x1x16xf32> to vector<16xf32>
      %parallel_loop3A_1031 = arith.constant 1 : i32
      %parallel_loop3A_1032 = arith.index_cast %parallel_loop3A_1031 : i32 to index
      %parallel_loop3A_1033 = arith.index_cast %parallel_loop3A_1020 : i32 to index
      %parallel_loop3A_1034 = arith.index_cast %parallel_loop3A_1024 : i32 to index
      %parallel_loop3A_1035 = tpu.vector_load %arg6[%parallel_loop3A_1032, %parallel_loop3A_1033, %parallel_loop3A_1034] {strides = array<i32>} : memref<2x32x512xf32, #tpu.memory_space<vmem>>, vector<1x1x16xf32>,
      %parallel_loop3A_1036 = vector.shape_cast %parallel_loop3A_1035 : vector<1x1x16xf32> to vector<16xf32>
      %parallel_loop3A_1037 = arith.constant 1.000000e-01 : f32
      %parallel_loop3A_1038 = vector.broadcast %parallel_loop3A_1037 : f32 to vector<16xf32>
      %parallel_loop3A_1039 = arith.cmpf ogt, %parallel_loop3A_1036, %parallel_loop3A_1038 : vector<16xf32>
      %parallel_loop3A_1040 = arith.addf %parallel_loop3A_965, %parallel_loop3A_1030 : vector<16xf32>
      %parallel_loop3A_1041 = arith.mulf %parallel_loop3A_1030, %parallel_loop3A_1030 : vector<16xf32>
      %parallel_loop3A_1042 = arith.addf %parallel_loop3A_966, %parallel_loop3A_1041 : vector<16xf32>
      %parallel_loop3A_1043 = arith.constant 0.000000e+00 : f32
      %parallel_loop3A_1044 = vector.broadcast %parallel_loop3A_1043 : f32 to vector<16xf32>
      %parallel_loop3A_1045 = arith.select %parallel_loop3A_1039, %parallel_loop3A_1030, %parallel_loop3A_1044 : vector<16xi1>, vector<16xf32>
      %parallel_loop3A_1046 = arith.addf %parallel_loop3A_967, %parallel_loop3A_1045 : vector<16xf32>
      %parallel_loop3A_1047 = arith.constant 1.000000e+00 : f32
      %parallel_loop3A_1048 = arith.constant 0.000000e+00 : f32
      %parallel_loop3A_1049 = vector.broadcast %parallel_loop3A_1047 : f32 to vector<16xf32>
      %parallel_loop3A_1050 = vector.broadcast %parallel_loop3A_1048 : f32 to vector<16xf32>
      %parallel_loop3A_1051 = arith.select %parallel_loop3A_1039, %parallel_loop3A_1049, %parallel_loop3A_1050 : vector<16xi1>, vector<16xf32>
      %parallel_loop3A_1052 = arith.addf %parallel_loop3A_968, %parallel_loop3A_1051 : vector<16xf32>
      %parallel_loop3A_1053 = arith.constant 4 : i32
      %parallel_loop3A_1054 = arith.muli %parallel_loop3A_960, %parallel_loop3A_1053 : i32
      %parallel_loop3A_1055 = arith.constant 2 : i32
      %parallel_loop3A_1056 = arith.addi %parallel_loop3A_1054, %parallel_loop3A_1055 : i32
      %parallel_loop3A_1057 = arith.constant 5 : i32
      %parallel_loop3A_1058 = arith.shrsi %parallel_loop3A_1056, %parallel_loop3A_1057 : i32
      %parallel_loop3A_1059 = arith.constant 31 : i32
      %parallel_loop3A_1060 = arith.andi %parallel_loop3A_1056, %parallel_loop3A_1059 : i32
      %parallel_loop3A_1061 = arith.constant 16 : i32
      %parallel_loop3A_1062 = arith.muli %parallel_loop3A_1060, %parallel_loop3A_1061 : i32
      %parallel_loop3A_1063 = arith.constant 1 : i32
      %parallel_loop3A_1064 = arith.index_cast %parallel_loop3A_1063 : i32 to index
      %parallel_loop3A_1065 = arith.index_cast %parallel_loop3A_1058 : i32 to index
      %parallel_loop3A_1066 = arith.index_cast %parallel_loop3A_1062 : i32 to index
      %parallel_loop3A_1067 = tpu.vector_load %arg5[%parallel_loop3A_1064, %parallel_loop3A_1065, %parallel_loop3A_1066] {strides = array<i32>} : memref<2x32x512xf32, #tpu.memory_space<vmem>>, vector<1x1x16xf32>,
      %parallel_loop3A_1068 = vector.shape_cast %parallel_loop3A_1067 : vector<1x1x16xf32> to vector<16xf32>
      %parallel_loop3A_1069 = arith.constant 1 : i32
      %parallel_loop3A_1070 = arith.index_cast %parallel_loop3A_1069 : i32 to index
      %parallel_loop3A_1071 = arith.index_cast %parallel_loop3A_1058 : i32 to index
      %parallel_loop3A_1072 = arith.index_cast %parallel_loop3A_1062 : i32 to index
      %parallel_loop3A_1073 = tpu.vector_load %arg6[%parallel_loop3A_1070, %parallel_loop3A_1071, %parallel_loop3A_1072] {strides = array<i32>} : memref<2x32x512xf32, #tpu.memory_space<vmem>>, vector<1x1x16xf32>,
      %parallel_loop3A_1074 = vector.shape_cast %parallel_loop3A_1073 : vector<1x1x16xf32> to vector<16xf32>
      %parallel_loop3A_1075 = arith.constant 1.000000e-01 : f32
      %parallel_loop3A_1076 = vector.broadcast %parallel_loop3A_1075 : f32 to vector<16xf32>
      %parallel_loop3A_1077 = arith.cmpf ogt, %parallel_loop3A_1074, %parallel_loop3A_1076 : vector<16xf32>
      %parallel_loop3A_1078 = arith.addf %parallel_loop3A_969, %parallel_loop3A_1068 : vector<16xf32>
      %parallel_loop3A_1079 = arith.mulf %parallel_loop3A_1068, %parallel_loop3A_1068 : vector<16xf32>
      %parallel_loop3A_1080 = arith.addf %parallel_loop3A_970, %parallel_loop3A_1079 : vector<16xf32>
      %parallel_loop3A_1081 = arith.constant 0.000000e+00 : f32
      %parallel_loop3A_1082 = vector.broadcast %parallel_loop3A_1081 : f32 to vector<16xf32>
      %parallel_loop3A_1083 = arith.select %parallel_loop3A_1077, %parallel_loop3A_1068, %parallel_loop3A_1082 : vector<16xi1>, vector<16xf32>
      %parallel_loop3A_1084 = arith.addf %parallel_loop3A_971, %parallel_loop3A_1083 : vector<16xf32>
      %parallel_loop3A_1085 = arith.constant 1.000000e+00 : f32
      %parallel_loop3A_1086 = arith.constant 0.000000e+00 : f32
      %parallel_loop3A_1087 = vector.broadcast %parallel_loop3A_1085 : f32 to vector<16xf32>
      %parallel_loop3A_1088 = vector.broadcast %parallel_loop3A_1086 : f32 to vector<16xf32>
      %parallel_loop3A_1089 = arith.select %parallel_loop3A_1077, %parallel_loop3A_1087, %parallel_loop3A_1088 : vector<16xi1>, vector<16xf32>
      %parallel_loop3A_1090 = arith.addf %parallel_loop3A_972, %parallel_loop3A_1089 : vector<16xf32>
      %parallel_loop3A_1091 = arith.constant 4 : i32
      %parallel_loop3A_1092 = arith.muli %parallel_loop3A_960, %parallel_loop3A_1091 : i32
      %parallel_loop3A_1093 = arith.constant 3 : i32
      %parallel_loop3A_1094 = arith.addi %parallel_loop3A_1092, %parallel_loop3A_1093 : i32
      %parallel_loop3A_1095 = arith.constant 5 : i32
      %parallel_loop3A_1096 = arith.shrsi %parallel_loop3A_1094, %parallel_loop3A_1095 : i32
      %parallel_loop3A_1097 = arith.constant 31 : i32
      %parallel_loop3A_1098 = arith.andi %parallel_loop3A_1094, %parallel_loop3A_1097 : i32
      %parallel_loop3A_1099 = arith.constant 16 : i32
      %parallel_loop3A_1100 = arith.muli %parallel_loop3A_1098, %parallel_loop3A_1099 : i32
      %parallel_loop3A_1101 = arith.constant 1 : i32
      %parallel_loop3A_1102 = arith.index_cast %parallel_loop3A_1101 : i32 to index
      %parallel_loop3A_1103 = arith.index_cast %parallel_loop3A_1096 : i32 to index
      %parallel_loop3A_1104 = arith.index_cast %parallel_loop3A_1100 : i32 to index
      %parallel_loop3A_1105 = tpu.vector_load %arg5[%parallel_loop3A_1102, %parallel_loop3A_1103, %parallel_loop3A_1104] {strides = array<i32>} : memref<2x32x512xf32, #tpu.memory_space<vmem>>, vector<1x1x16xf32>,
      %parallel_loop3A_1106 = vector.shape_cast %parallel_loop3A_1105 : vector<1x1x16xf32> to vector<16xf32>
      %parallel_loop3A_1107 = arith.constant 1 : i32
      %parallel_loop3A_1108 = arith.index_cast %parallel_loop3A_1107 : i32 to index
      %parallel_loop3A_1109 = arith.index_cast %parallel_loop3A_1096 : i32 to index
      %parallel_loop3A_1110 = arith.index_cast %parallel_loop3A_1100 : i32 to index
      %parallel_loop3A_1111 = tpu.vector_load %arg6[%parallel_loop3A_1108, %parallel_loop3A_1109, %parallel_loop3A_1110] {strides = array<i32>} : memref<2x32x512xf32, #tpu.memory_space<vmem>>, vector<1x1x16xf32>,
      %parallel_loop3A_1112 = vector.shape_cast %parallel_loop3A_1111 : vector<1x1x16xf32> to vector<16xf32>
      %parallel_loop3A_1113 = arith.constant 1.000000e-01 : f32
      %parallel_loop3A_1114 = vector.broadcast %parallel_loop3A_1113 : f32 to vector<16xf32>
      %parallel_loop3A_1115 = arith.cmpf ogt, %parallel_loop3A_1112, %parallel_loop3A_1114 : vector<16xf32>
      %parallel_loop3A_1116 = arith.addf %parallel_loop3A_973, %parallel_loop3A_1106 : vector<16xf32>
      %parallel_loop3A_1117 = arith.mulf %parallel_loop3A_1106, %parallel_loop3A_1106 : vector<16xf32>
      %parallel_loop3A_1118 = arith.addf %parallel_loop3A_974, %parallel_loop3A_1117 : vector<16xf32>
      %parallel_loop3A_1119 = arith.constant 0.000000e+00 : f32
      %parallel_loop3A_1120 = vector.broadcast %parallel_loop3A_1119 : f32 to vector<16xf32>
      %parallel_loop3A_1121 = arith.select %parallel_loop3A_1115, %parallel_loop3A_1106, %parallel_loop3A_1120 : vector<16xi1>, vector<16xf32>
      %parallel_loop3A_1122 = arith.addf %parallel_loop3A_975, %parallel_loop3A_1121 : vector<16xf32>
      %parallel_loop3A_1123 = arith.constant 1.000000e+00 : f32
      %parallel_loop3A_1124 = arith.constant 0.000000e+00 : f32
      %parallel_loop3A_1125 = vector.broadcast %parallel_loop3A_1123 : f32 to vector<16xf32>
      %parallel_loop3A_1126 = vector.broadcast %parallel_loop3A_1124 : f32 to vector<16xf32>
      %parallel_loop3A_1127 = arith.select %parallel_loop3A_1115, %parallel_loop3A_1125, %parallel_loop3A_1126 : vector<16xi1>, vector<16xf32>
      %parallel_loop3A_1128 = arith.addf %parallel_loop3A_976, %parallel_loop3A_1127 : vector<16xf32>
      scf.yield %parallel_loop3A_1002, %parallel_loop3A_1004, %parallel_loop3A_1008, %parallel_loop3A_1014, %parallel_loop3A_1040, %parallel_loop3A_1042, %parallel_loop3A_1046, %parallel_loop3A_1052, %parallel_loop3A_1078, %parallel_loop3A_1080, %parallel_loop3A_1084, %parallel_loop3A_1090, %parallel_loop3A_1116, %parallel_loop3A_1118, %parallel_loop3A_1122, %parallel_loop3A_1128 : vector<16xf32>, vector<16xf32>, vector<16xf32>, vector<16xf32>, vector<16xf32>, vector<16xf32>, vector<16xf32>, vector<16xf32>, vector<16xf32>, vector<16xf32>, vector<16xf32>, vector<16xf32>, vector<16xf32>, vector<16xf32>, vector<16xf32>, vector<16xf32>
    } {sc.loop_unroll_factor = 2 : i64, sc.parallel_access}
    %add3A_689 = arith.constant 160 : i32
    %add3A_690 = arith.addi %add3A, %add3A_689 : i32
    %jit3A_691 = arith.constant 16 : i32
    %div3A_692 = arith.divsi %add3A_690, %jit3A_691 : i32
    %sign3A_693 = arith.constant 0 : i32
    %sign3A_694 = arith.cmpi sgt, %add3A_690, %sign3A_693 : i32
    %sign3A_695 = arith.extui %sign3A_694 : i1 to i32
    %sign3A_696 = arith.constant 0 : i32
    %sign3A_697 = arith.cmpi slt, %add3A_690, %sign3A_696 : i32
    %sign3A_698 = arith.extui %sign3A_697 : i1 to i32
    %sign3A_699 = arith.subi %sign3A_695, %sign3A_698 : i32
    %sign3A_700 = arith.constant 0 : i32
    %sign3A_701 = arith.cmpi sgt, %jit3A_691, %sign3A_700 : i32
    %sign3A_702 = arith.extui %sign3A_701 : i1 to i32
    %sign3A_703 = arith.constant 0 : i32
    %sign3A_704 = arith.cmpi slt, %jit3A_691, %sign3A_703 : i32
    %sign3A_705 = arith.extui %sign3A_704 : i1 to i32
    %sign3A_706 = arith.subi %sign3A_702, %sign3A_705 : i32
    %ne3A_707 = arith.cmpi ne, %sign3A_699, %sign3A_706 : i32
    %rem3A_708 = arith.remsi %add3A_690, %jit3A_691 : i32
    %ne3A_709 = arith.constant 0 : i32
    %ne3A_710 = arith.cmpi ne, %rem3A_708, %ne3A_709 : i32
    %and3A_711 = arith.andi %ne3A_707, %ne3A_710 : i1
    %sub3A_712 = arith.constant 1 : i32
    %sub3A_713 = arith.subi %div3A_692, %sub3A_712 : i32
    %select_n3A_714 = arith.select %and3A_711, %sub3A_713, %div3A_692 : i32
    %add3A_715 = arith.constant 20 : i32
    %add3A_716 = arith.addi %add3A_715, %select_n3A_714 : i32
    %jit3A_717 = arith.constant 16 : i32
    %eq3A_718 = arith.constant 0 : i32
    %eq3A_719 = arith.cmpi eq, %jit3A_717, %eq3A_718 : i32
    %jit3A_720 = arith.constant 1 : i32
    %select_n3A_721 = arith.select %eq3A_719, %jit3A_720, %jit3A_717 : i32
    %rem3A_722 = arith.remsi %add3A_690, %select_n3A_721 : i32
    %ne3A_723 = arith.constant 0 : i32
    %ne3A_724 = arith.cmpi ne, %rem3A_722, %ne3A_723 : i32
    %lt3A_725 = arith.constant 0 : i32
    %lt3A_726 = arith.cmpi slt, %rem3A_722, %lt3A_725 : i32
    %lt3A_727 = arith.constant 0 : i32
    %lt3A_728 = arith.cmpi slt, %select_n3A_721, %lt3A_727 : i32
    %ne3A_729 = arith.xori %lt3A_726, %lt3A_728 : i1
    %and3A_730 = arith.andi %ne3A_729, %ne3A_724 : i1
    %add3A_731 = arith.addi %rem3A_722, %select_n3A_721 : i32
    %select_n3A_732 = arith.select %and3A_730, %add3A_731, %rem3A_722 : i32
    %mul3A_733 = arith.constant 32 : i32
    %mul3A_734 = arith.muli %select_n3A_732, %mul3A_733 : i32
    %dma_start3A_735 = arith.constant 1 : i32
    %dma_start3A_736 = arith.constant 0 : i32
    %dma_start3A_737 = arith.constant 0 : i32
    %dma_start3A_738 = tpu.memref_slice %arg5[%dma_start3A_735, %dma_start3A_736, %dma_start3A_737] : memref<2x32x512xf32, #tpu.memory_space<vmem>> -> memref<1x32x512xf32, #tpu.memory_space<vmem>>
    %dma_start3A_739 = tpu.memref_squeeze %dma_start3A_738 : memref<1x32x512xf32, #tpu.memory_space<vmem>> -> memref<32x512xf32, #tpu.memory_space<vmem>>
    %dma_start3A_740 = arith.constant 0 : i32
    %dma_start3A_741 = tpu.memref_slice %arg2[%add3A_716, %mul3A_734, %dma_start3A_740] : memref<32x512x512xf32, #tpu.memory_space<hbm>> -> memref<1x32x512xf32, #tpu.memory_space<hbm>>
    %dma_start3A_742 = tpu.memref_squeeze %dma_start3A_741 : memref<1x32x512xf32, #tpu.memory_space<hbm>> -> memref<32x512xf32, #tpu.memory_space<hbm>>
    %dma_start3A_743 = arith.constant 0 : i32
    %dma_start3A_744 = arith.constant 0 : i32
    %dma_start3A_745 = tpu.memref_slice %arg5[%dma_start3A_735, %dma_start3A_743, %dma_start3A_744] : memref<2x32x512xf32, #tpu.memory_space<vmem>> -> memref<1x32x512xf32, #tpu.memory_space<vmem>>
    %dma_start3A_746 = tpu.memref_squeeze %dma_start3A_745 : memref<1x32x512xf32, #tpu.memory_space<vmem>> -> memref<32x512xf32, #tpu.memory_space<vmem>>
    %dma_start3A_747 = arith.constant 0 : i32
    %dma_start3A_748 = tpu.memref_slice %arg2[%add3A_716, %mul3A_734, %dma_start3A_747] : memref<32x512x512xf32, #tpu.memory_space<hbm>> -> memref<1x32x512xf32, #tpu.memory_space<hbm>>
    %dma_start3A_749 = tpu.memref_squeeze %dma_start3A_748 : memref<1x32x512xf32, #tpu.memory_space<hbm>> -> memref<32x512xf32, #tpu.memory_space<hbm>>
    tpu.enqueue_dma source(%dma_start3A_749 : memref<32x512xf32, #tpu.memory_space<hbm>>) target(%dma_start3A_746 : memref<32x512xf32, #tpu.memory_space<vmem>>) target_semaphore(%arg9 : memref<!tpu.dma_semaphore, #tpu.memory_space<semaphore_mem>>)
    %dma_start3A_750 = arith.constant 1 : i32
    %dma_start3A_751 = arith.constant 0 : i32
    %dma_start3A_752 = arith.constant 0 : i32
    %dma_start3A_753 = tpu.memref_slice %arg6[%dma_start3A_750, %dma_start3A_751, %dma_start3A_752] : memref<2x32x512xf32, #tpu.memory_space<vmem>> -> memref<1x32x512xf32, #tpu.memory_space<vmem>>
    %dma_start3A_754 = tpu.memref_squeeze %dma_start3A_753 : memref<1x32x512xf32, #tpu.memory_space<vmem>> -> memref<32x512xf32, #tpu.memory_space<vmem>>
    %dma_start3A_755 = arith.constant 0 : i32
    %dma_start3A_756 = tpu.memref_slice %arg3[%add3A_716, %mul3A_734, %dma_start3A_755] : memref<32x512x512xf32, #tpu.memory_space<hbm>> -> memref<1x32x512xf32, #tpu.memory_space<hbm>>
    %dma_start3A_757 = tpu.memref_squeeze %dma_start3A_756 : memref<1x32x512xf32, #tpu.memory_space<hbm>> -> memref<32x512xf32, #tpu.memory_space<hbm>>
    %dma_start3A_758 = arith.constant 0 : i32
    %dma_start3A_759 = arith.constant 0 : i32
    %dma_start3A_760 = tpu.memref_slice %arg6[%dma_start3A_750, %dma_start3A_758, %dma_start3A_759] : memref<2x32x512xf32, #tpu.memory_space<vmem>> -> memref<1x32x512xf32, #tpu.memory_space<vmem>>
    %dma_start3A_761 = tpu.memref_squeeze %dma_start3A_760 : memref<1x32x512xf32, #tpu.memory_space<vmem>> -> memref<32x512xf32, #tpu.memory_space<vmem>>
    %dma_start3A_762 = arith.constant 0 : i32
    %dma_start3A_763 = tpu.memref_slice %arg3[%add3A_716, %mul3A_734, %dma_start3A_762] : memref<32x512x512xf32, #tpu.memory_space<hbm>> -> memref<1x32x512xf32, #tpu.memory_space<hbm>>
    %dma_start3A_764 = tpu.memref_squeeze %dma_start3A_763 : memref<1x32x512xf32, #tpu.memory_space<hbm>> -> memref<32x512xf32, #tpu.memory_space<hbm>>
    tpu.enqueue_dma source(%dma_start3A_764 : memref<32x512xf32, #tpu.memory_space<hbm>>) target(%dma_start3A_761 : memref<32x512xf32, #tpu.memory_space<vmem>>) target_semaphore(%arg11 : memref<!tpu.dma_semaphore, #tpu.memory_space<semaphore_mem>>)
    %add3A_765 = arith.constant 128 : i32
    %add3A_766 = arith.addi %add3A, %add3A_765 : i32
    %jit3A_767 = arith.constant 16 : i32
    %div3A_768 = arith.divsi %add3A_766, %jit3A_767 : i32
    %sign3A_769 = arith.constant 0 : i32
    %sign3A_770 = arith.cmpi sgt, %add3A_766, %sign3A_769 : i32
    %sign3A_771 = arith.extui %sign3A_770 : i1 to i32
    %sign3A_772 = arith.constant 0 : i32
    %sign3A_773 = arith.cmpi slt, %add3A_766, %sign3A_772 : i32
    %sign3A_774 = arith.extui %sign3A_773 : i1 to i32
    %sign3A_775 = arith.subi %sign3A_771, %sign3A_774 : i32
    %sign3A_776 = arith.constant 0 : i32
    %sign3A_777 = arith.cmpi sgt, %jit3A_767, %sign3A_776 : i32
    %sign3A_778 = arith.extui %sign3A_777 : i1 to i32
    %sign3A_779 = arith.constant 0 : i32
    %sign3A_780 = arith.cmpi slt, %jit3A_767, %sign3A_779 : i32
    %sign3A_781 = arith.extui %sign3A_780 : i1 to i32
    %sign3A_782 = arith.subi %sign3A_778, %sign3A_781 : i32
    %ne3A_783 = arith.cmpi ne, %sign3A_775, %sign3A_782 : i32
    %rem3A_784 = arith.remsi %add3A_766, %jit3A_767 : i32
    %ne3A_785 = arith.constant 0 : i32
    %ne3A_786 = arith.cmpi ne, %rem3A_784, %ne3A_785 : i32
    %and3A_787 = arith.andi %ne3A_783, %ne3A_786 : i1
    %sub3A_788 = arith.constant 1 : i32
    %sub3A_789 = arith.subi %div3A_768, %sub3A_788 : i32
    %select_n3A_790 = arith.select %and3A_787, %sub3A_789, %div3A_768 : i32
    %add3A_791 = arith.constant 20 : i32
    %add3A_792 = arith.addi %add3A_791, %select_n3A_790 : i32
    %jit3A_793 = arith.constant 16 : i32
    %eq3A_794 = arith.constant 0 : i32
    %eq3A_795 = arith.cmpi eq, %jit3A_793, %eq3A_794 : i32
    %jit3A_796 = arith.constant 1 : i32
    %select_n3A_797 = arith.select %eq3A_795, %jit3A_796, %jit3A_793 : i32
    %rem3A_798 = arith.remsi %add3A_766, %select_n3A_797 : i32
    %ne3A_799 = arith.constant 0 : i32
    %ne3A_800 = arith.cmpi ne, %rem3A_798, %ne3A_799 : i32
    %lt3A_801 = arith.constant 0 : i32
    %lt3A_802 = arith.cmpi slt, %rem3A_798, %lt3A_801 : i32
    %lt3A_803 = arith.constant 0 : i32
    %lt3A_804 = arith.cmpi slt, %select_n3A_797, %lt3A_803 : i32
    %ne3A_805 = arith.xori %lt3A_802, %lt3A_804 : i1
    %and3A_806 = arith.andi %ne3A_805, %ne3A_800 : i1
    %add3A_807 = arith.addi %rem3A_798, %select_n3A_797 : i32
    %select_n3A_808 = arith.select %and3A_806, %add3A_807, %rem3A_798 : i32
    %mul3A_809 = arith.constant 32 : i32
    %mul3A_810 = arith.muli %select_n3A_808, %mul3A_809 : i32
    %dma_wait3A_811 = arith.constant 0 : i32
    %dma_wait3A_812 = arith.constant 0 : i32
    %dma_wait3A_813 = arith.constant 0 : i32
    %dma_wait3A_814 = tpu.memref_slice %arg5[%dma_wait3A_811, %dma_wait3A_812, %dma_wait3A_813] : memref<2x32x512xf32, #tpu.memory_space<vmem>> -> memref<1x32x512xf32, #tpu.memory_space<vmem>>
    %dma_wait3A_815 = tpu.memref_squeeze %dma_wait3A_814 : memref<1x32x512xf32, #tpu.memory_space<vmem>> -> memref<32x512xf32, #tpu.memory_space<vmem>>
    %dma_wait3A_816 = arith.constant 0 : i32
    %dma_wait3A_817 = tpu.memref_slice %arg2[%add3A_792, %mul3A_810, %dma_wait3A_816] : memref<32x512x512xf32, #tpu.memory_space<hbm>> -> memref<1x32x512xf32, #tpu.memory_space<hbm>>
    %dma_wait3A_818 = tpu.memref_squeeze %dma_wait3A_817 : memref<1x32x512xf32, #tpu.memory_space<hbm>> -> memref<32x512xf32, #tpu.memory_space<hbm>>
    %dma_wait3A_819 = arith.constant 0 : i32
    %dma_wait3A_820 = arith.constant 0 : i32
    %dma_wait3A_821 = tpu.memref_slice %arg5[%dma_wait3A_811, %dma_wait3A_819, %dma_wait3A_820] : memref<2x32x512xf32, #tpu.memory_space<vmem>> -> memref<1x32x512xf32, #tpu.memory_space<vmem>>
    %dma_wait3A_822 = tpu.memref_squeeze %dma_wait3A_821 : memref<1x32x512xf32, #tpu.memory_space<vmem>> -> memref<32x512xf32, #tpu.memory_space<vmem>>
    %dma_wait3A_823 = arith.constant 0 : i32
    %dma_wait3A_824 = tpu.memref_slice %arg2[%add3A_792, %mul3A_810, %dma_wait3A_823] : memref<32x512x512xf32, #tpu.memory_space<hbm>> -> memref<1x32x512xf32, #tpu.memory_space<hbm>>
    %dma_wait3A_825 = tpu.memref_squeeze %dma_wait3A_824 : memref<1x32x512xf32, #tpu.memory_space<hbm>> -> memref<32x512xf32, #tpu.memory_space<hbm>>
    tpu.wait_dma2 semaphore(%arg8 : memref<!tpu.dma_semaphore, #tpu.memory_space<semaphore_mem>>) src(%dma_wait3A_825 : memref<32x512xf32, #tpu.memory_space<hbm>>) dst(%dma_wait3A_822 : memref<32x512xf32, #tpu.memory_space<vmem>>)
    %dma_wait3A_826 = arith.constant 0 : i32
    %dma_wait3A_827 = arith.constant 0 : i32
    %dma_wait3A_828 = arith.constant 0 : i32
    %dma_wait3A_829 = tpu.memref_slice %arg6[%dma_wait3A_826, %dma_wait3A_827, %dma_wait3A_828] : memref<2x32x512xf32, #tpu.memory_space<vmem>> -> memref<1x32x512xf32, #tpu.memory_space<vmem>>
    %dma_wait3A_830 = tpu.memref_squeeze %dma_wait3A_829 : memref<1x32x512xf32, #tpu.memory_space<vmem>> -> memref<32x512xf32, #tpu.memory_space<vmem>>
    %dma_wait3A_831 = arith.constant 0 : i32
    %dma_wait3A_832 = tpu.memref_slice %arg3[%add3A_792, %mul3A_810, %dma_wait3A_831] : memref<32x512x512xf32, #tpu.memory_space<hbm>> -> memref<1x32x512xf32, #tpu.memory_space<hbm>>
    %dma_wait3A_833 = tpu.memref_squeeze %dma_wait3A_832 : memref<1x32x512xf32, #tpu.memory_space<hbm>> -> memref<32x512xf32, #tpu.memory_space<hbm>>
    %dma_wait3A_834 = arith.constant 0 : i32
    %dma_wait3A_835 = arith.constant 0 : i32
    %dma_wait3A_836 = tpu.memref_slice %arg6[%dma_wait3A_826, %dma_wait3A_834, %dma_wait3A_835] : memref<2x32x512xf32, #tpu.memory_space<vmem>> -> memref<1x32x512xf32, #tpu.memory_space<vmem>>
    %dma_wait3A_837 = tpu.memref_squeeze %dma_wait3A_836 : memref<1x32x512xf32, #tpu.memory_space<vmem>> -> memref<32x512xf32, #tpu.memory_space<vmem>>
    %dma_wait3A_838 = arith.constant 0 : i32
    %dma_wait3A_839 = tpu.memref_slice %arg3[%add3A_792, %mul3A_810, %dma_wait3A_838] : memref<32x512x512xf32, #tpu.memory_space<hbm>> -> memref<1x32x512xf32, #tpu.memory_space<hbm>>
    %dma_wait3A_840 = tpu.memref_squeeze %dma_wait3A_839 : memref<1x32x512xf32, #tpu.memory_space<hbm>> -> memref<32x512xf32, #tpu.memory_space<hbm>>
    tpu.wait_dma2 semaphore(%arg10 : memref<!tpu.dma_semaphore, #tpu.memory_space<semaphore_mem>>) src(%dma_wait3A_840 : memref<32x512xf32, #tpu.memory_space<hbm>>) dst(%dma_wait3A_837 : memref<32x512xf32, #tpu.memory_space<vmem>>)
    %parallel_loop3A_841 = arith.constant 0 : i32
    %parallel_loop3A_842 = arith.constant 256 : i32
    %parallel_loop3A_843 = arith.constant 1 : i32
    %parallel_loop3A_844:16 = scf.for %parallel_loop3A_960 = %parallel_loop3A_841 to %parallel_loop3A_842 step %parallel_loop3A_843 iter_args(%parallel_loop3A_961 = %parallel_loop3A_688#0, %parallel_loop3A_962 = %parallel_loop3A_688#1, %parallel_loop3A_963 = %parallel_loop3A_688#2, %parallel_loop3A_964 = %parallel_loop3A_688#3, %parallel_loop3A_965 = %parallel_loop3A_688#4, %parallel_loop3A_966 = %parallel_loop3A_688#5, %parallel_loop3A_967 = %parallel_loop3A_688#6, %parallel_loop3A_968 = %parallel_loop3A_688#7, %parallel_loop3A_969 = %parallel_loop3A_688#8, %parallel_loop3A_970 = %parallel_loop3A_688#9, %parallel_loop3A_971 = %parallel_loop3A_688#10, %parallel_loop3A_972 = %parallel_loop3A_688#11, %parallel_loop3A_973 = %parallel_loop3A_688#12, %parallel_loop3A_974 = %parallel_loop3A_688#13, %parallel_loop3A_975 = %parallel_loop3A_688#14, %parallel_loop3A_976 = %parallel_loop3A_688#15) -> (vector<16xf32>, vector<16xf32>, vector<16xf32>, vector<16xf32>, vector<16xf32>, vector<16xf32>, vector<16xf32>, vector<16xf32>, vector<16xf32>, vector<16xf32>, vector<16xf32>, vector<16xf32>, vector<16xf32>, vector<16xf32>, vector<16xf32>, vector<16xf32>)  : i32 {
      %parallel_loop3A_977 = arith.constant 4 : i32
      %parallel_loop3A_978 = arith.muli %parallel_loop3A_960, %parallel_loop3A_977 : i32
      %parallel_loop3A_979 = arith.constant 0 : i32
      %parallel_loop3A_980 = arith.addi %parallel_loop3A_978, %parallel_loop3A_979 : i32
      %parallel_loop3A_981 = arith.constant 5 : i32
      %parallel_loop3A_982 = arith.shrsi %parallel_loop3A_980, %parallel_loop3A_981 : i32
      %parallel_loop3A_983 = arith.constant 31 : i32
      %parallel_loop3A_984 = arith.andi %parallel_loop3A_980, %parallel_loop3A_983 : i32
      %parallel_loop3A_985 = arith.constant 16 : i32
      %parallel_loop3A_986 = arith.muli %parallel_loop3A_984, %parallel_loop3A_985 : i32
      %parallel_loop3A_987 = arith.constant 0 : i32
      %parallel_loop3A_988 = arith.index_cast %parallel_loop3A_987 : i32 to index
      %parallel_loop3A_989 = arith.index_cast %parallel_loop3A_982 : i32 to index
      %parallel_loop3A_990 = arith.index_cast %parallel_loop3A_986 : i32 to index
      %parallel_loop3A_991 = tpu.vector_load %arg5[%parallel_loop3A_988, %parallel_loop3A_989, %parallel_loop3A_990] {strides = array<i32>} : memref<2x32x512xf32, #tpu.memory_space<vmem>>, vector<1x1x16xf32>,
      %parallel_loop3A_992 = vector.shape_cast %parallel_loop3A_991 : vector<1x1x16xf32> to vector<16xf32>
      %parallel_loop3A_993 = arith.constant 0 : i32
      %parallel_loop3A_994 = arith.index_cast %parallel_loop3A_993 : i32 to index
      %parallel_loop3A_995 = arith.index_cast %parallel_loop3A_982 : i32 to index
      %parallel_loop3A_996 = arith.index_cast %parallel_loop3A_986 : i32 to index
      %parallel_loop3A_997 = tpu.vector_load %arg6[%parallel_loop3A_994, %parallel_loop3A_995, %parallel_loop3A_996] {strides = array<i32>} : memref<2x32x512xf32, #tpu.memory_space<vmem>>, vector<1x1x16xf32>,
      %parallel_loop3A_998 = vector.shape_cast %parallel_loop3A_997 : vector<1x1x16xf32> to vector<16xf32>
      %parallel_loop3A_999 = arith.constant 1.000000e-01 : f32
      %parallel_loop3A_1000 = vector.broadcast %parallel_loop3A_999 : f32 to vector<16xf32>
      %parallel_loop3A_1001 = arith.cmpf ogt, %parallel_loop3A_998, %parallel_loop3A_1000 : vector<16xf32>
      %parallel_loop3A_1002 = arith.addf %parallel_loop3A_961, %parallel_loop3A_992 : vector<16xf32>
      %parallel_loop3A_1003 = arith.mulf %parallel_loop3A_992, %parallel_loop3A_992 : vector<16xf32>
      %parallel_loop3A_1004 = arith.addf %parallel_loop3A_962, %parallel_loop3A_1003 : vector<16xf32>
      %parallel_loop3A_1005 = arith.constant 0.000000e+00 : f32
      %parallel_loop3A_1006 = vector.broadcast %parallel_loop3A_1005 : f32 to vector<16xf32>
      %parallel_loop3A_1007 = arith.select %parallel_loop3A_1001, %parallel_loop3A_992, %parallel_loop3A_1006 : vector<16xi1>, vector<16xf32>
      %parallel_loop3A_1008 = arith.addf %parallel_loop3A_963, %parallel_loop3A_1007 : vector<16xf32>
      %parallel_loop3A_1009 = arith.constant 1.000000e+00 : f32
      %parallel_loop3A_1010 = arith.constant 0.000000e+00 : f32
      %parallel_loop3A_1011 = vector.broadcast %parallel_loop3A_1009 : f32 to vector<16xf32>
      %parallel_loop3A_1012 = vector.broadcast %parallel_loop3A_1010 : f32 to vector<16xf32>
      %parallel_loop3A_1013 = arith.select %parallel_loop3A_1001, %parallel_loop3A_1011, %parallel_loop3A_1012 : vector<16xi1>, vector<16xf32>
      %parallel_loop3A_1014 = arith.addf %parallel_loop3A_964, %parallel_loop3A_1013 : vector<16xf32>
      %parallel_loop3A_1015 = arith.constant 4 : i32
      %parallel_loop3A_1016 = arith.muli %parallel_loop3A_960, %parallel_loop3A_1015 : i32
      %parallel_loop3A_1017 = arith.constant 1 : i32
      %parallel_loop3A_1018 = arith.addi %parallel_loop3A_1016, %parallel_loop3A_1017 : i32
      %parallel_loop3A_1019 = arith.constant 5 : i32
      %parallel_loop3A_1020 = arith.shrsi %parallel_loop3A_1018, %parallel_loop3A_1019 : i32
      %parallel_loop3A_1021 = arith.constant 31 : i32
      %parallel_loop3A_1022 = arith.andi %parallel_loop3A_1018, %parallel_loop3A_1021 : i32
      %parallel_loop3A_1023 = arith.constant 16 : i32
      %parallel_loop3A_1024 = arith.muli %parallel_loop3A_1022, %parallel_loop3A_1023 : i32
      %parallel_loop3A_1025 = arith.constant 0 : i32
      %parallel_loop3A_1026 = arith.index_cast %parallel_loop3A_1025 : i32 to index
      %parallel_loop3A_1027 = arith.index_cast %parallel_loop3A_1020 : i32 to index
      %parallel_loop3A_1028 = arith.index_cast %parallel_loop3A_1024 : i32 to index
      %parallel_loop3A_1029 = tpu.vector_load %arg5[%parallel_loop3A_1026, %parallel_loop3A_1027, %parallel_loop3A_1028] {strides = array<i32>} : memref<2x32x512xf32, #tpu.memory_space<vmem>>, vector<1x1x16xf32>,
      %parallel_loop3A_1030 = vector.shape_cast %parallel_loop3A_1029 : vector<1x1x16xf32> to vector<16xf32>
      %parallel_loop3A_1031 = arith.constant 0 : i32
      %parallel_loop3A_1032 = arith.index_cast %parallel_loop3A_1031 : i32 to index
      %parallel_loop3A_1033 = arith.index_cast %parallel_loop3A_1020 : i32 to index
      %parallel_loop3A_1034 = arith.index_cast %parallel_loop3A_1024 : i32 to index
      %parallel_loop3A_1035 = tpu.vector_load %arg6[%parallel_loop3A_1032, %parallel_loop3A_1033, %parallel_loop3A_1034] {strides = array<i32>} : memref<2x32x512xf32, #tpu.memory_space<vmem>>, vector<1x1x16xf32>,
      %parallel_loop3A_1036 = vector.shape_cast %parallel_loop3A_1035 : vector<1x1x16xf32> to vector<16xf32>
      %parallel_loop3A_1037 = arith.constant 1.000000e-01 : f32
      %parallel_loop3A_1038 = vector.broadcast %parallel_loop3A_1037 : f32 to vector<16xf32>
      %parallel_loop3A_1039 = arith.cmpf ogt, %parallel_loop3A_1036, %parallel_loop3A_1038 : vector<16xf32>
      %parallel_loop3A_1040 = arith.addf %parallel_loop3A_965, %parallel_loop3A_1030 : vector<16xf32>
      %parallel_loop3A_1041 = arith.mulf %parallel_loop3A_1030, %parallel_loop3A_1030 : vector<16xf32>
      %parallel_loop3A_1042 = arith.addf %parallel_loop3A_966, %parallel_loop3A_1041 : vector<16xf32>
      %parallel_loop3A_1043 = arith.constant 0.000000e+00 : f32
      %parallel_loop3A_1044 = vector.broadcast %parallel_loop3A_1043 : f32 to vector<16xf32>
      %parallel_loop3A_1045 = arith.select %parallel_loop3A_1039, %parallel_loop3A_1030, %parallel_loop3A_1044 : vector<16xi1>, vector<16xf32>
      %parallel_loop3A_1046 = arith.addf %parallel_loop3A_967, %parallel_loop3A_1045 : vector<16xf32>
      %parallel_loop3A_1047 = arith.constant 1.000000e+00 : f32
      %parallel_loop3A_1048 = arith.constant 0.000000e+00 : f32
      %parallel_loop3A_1049 = vector.broadcast %parallel_loop3A_1047 : f32 to vector<16xf32>
      %parallel_loop3A_1050 = vector.broadcast %parallel_loop3A_1048 : f32 to vector<16xf32>
      %parallel_loop3A_1051 = arith.select %parallel_loop3A_1039, %parallel_loop3A_1049, %parallel_loop3A_1050 : vector<16xi1>, vector<16xf32>
      %parallel_loop3A_1052 = arith.addf %parallel_loop3A_968, %parallel_loop3A_1051 : vector<16xf32>
      %parallel_loop3A_1053 = arith.constant 4 : i32
      %parallel_loop3A_1054 = arith.muli %parallel_loop3A_960, %parallel_loop3A_1053 : i32
      %parallel_loop3A_1055 = arith.constant 2 : i32
      %parallel_loop3A_1056 = arith.addi %parallel_loop3A_1054, %parallel_loop3A_1055 : i32
      %parallel_loop3A_1057 = arith.constant 5 : i32
      %parallel_loop3A_1058 = arith.shrsi %parallel_loop3A_1056, %parallel_loop3A_1057 : i32
      %parallel_loop3A_1059 = arith.constant 31 : i32
      %parallel_loop3A_1060 = arith.andi %parallel_loop3A_1056, %parallel_loop3A_1059 : i32
      %parallel_loop3A_1061 = arith.constant 16 : i32
      %parallel_loop3A_1062 = arith.muli %parallel_loop3A_1060, %parallel_loop3A_1061 : i32
      %parallel_loop3A_1063 = arith.constant 0 : i32
      %parallel_loop3A_1064 = arith.index_cast %parallel_loop3A_1063 : i32 to index
      %parallel_loop3A_1065 = arith.index_cast %parallel_loop3A_1058 : i32 to index
      %parallel_loop3A_1066 = arith.index_cast %parallel_loop3A_1062 : i32 to index
      %parallel_loop3A_1067 = tpu.vector_load %arg5[%parallel_loop3A_1064, %parallel_loop3A_1065, %parallel_loop3A_1066] {strides = array<i32>} : memref<2x32x512xf32, #tpu.memory_space<vmem>>, vector<1x1x16xf32>,
      %parallel_loop3A_1068 = vector.shape_cast %parallel_loop3A_1067 : vector<1x1x16xf32> to vector<16xf32>
      %parallel_loop3A_1069 = arith.constant 0 : i32
      %parallel_loop3A_1070 = arith.index_cast %parallel_loop3A_1069 : i32 to index
      %parallel_loop3A_1071 = arith.index_cast %parallel_loop3A_1058 : i32 to index
      %parallel_loop3A_1072 = arith.index_cast %parallel_loop3A_1062 : i32 to index
      %parallel_loop3A_1073 = tpu.vector_load %arg6[%parallel_loop3A_1070, %parallel_loop3A_1071, %parallel_loop3A_1072] {strides = array<i32>} : memref<2x32x512xf32, #tpu.memory_space<vmem>>, vector<1x1x16xf32>,
      %parallel_loop3A_1074 = vector.shape_cast %parallel_loop3A_1073 : vector<1x1x16xf32> to vector<16xf32>
      %parallel_loop3A_1075 = arith.constant 1.000000e-01 : f32
      %parallel_loop3A_1076 = vector.broadcast %parallel_loop3A_1075 : f32 to vector<16xf32>
      %parallel_loop3A_1077 = arith.cmpf ogt, %parallel_loop3A_1074, %parallel_loop3A_1076 : vector<16xf32>
      %parallel_loop3A_1078 = arith.addf %parallel_loop3A_969, %parallel_loop3A_1068 : vector<16xf32>
      %parallel_loop3A_1079 = arith.mulf %parallel_loop3A_1068, %parallel_loop3A_1068 : vector<16xf32>
      %parallel_loop3A_1080 = arith.addf %parallel_loop3A_970, %parallel_loop3A_1079 : vector<16xf32>
      %parallel_loop3A_1081 = arith.constant 0.000000e+00 : f32
      %parallel_loop3A_1082 = vector.broadcast %parallel_loop3A_1081 : f32 to vector<16xf32>
      %parallel_loop3A_1083 = arith.select %parallel_loop3A_1077, %parallel_loop3A_1068, %parallel_loop3A_1082 : vector<16xi1>, vector<16xf32>
      %parallel_loop3A_1084 = arith.addf %parallel_loop3A_971, %parallel_loop3A_1083 : vector<16xf32>
      %parallel_loop3A_1085 = arith.constant 1.000000e+00 : f32
      %parallel_loop3A_1086 = arith.constant 0.000000e+00 : f32
      %parallel_loop3A_1087 = vector.broadcast %parallel_loop3A_1085 : f32 to vector<16xf32>
      %parallel_loop3A_1088 = vector.broadcast %parallel_loop3A_1086 : f32 to vector<16xf32>
      %parallel_loop3A_1089 = arith.select %parallel_loop3A_1077, %parallel_loop3A_1087, %parallel_loop3A_1088 : vector<16xi1>, vector<16xf32>
      %parallel_loop3A_1090 = arith.addf %parallel_loop3A_972, %parallel_loop3A_1089 : vector<16xf32>
      %parallel_loop3A_1091 = arith.constant 4 : i32
      %parallel_loop3A_1092 = arith.muli %parallel_loop3A_960, %parallel_loop3A_1091 : i32
      %parallel_loop3A_1093 = arith.constant 3 : i32
      %parallel_loop3A_1094 = arith.addi %parallel_loop3A_1092, %parallel_loop3A_1093 : i32
      %parallel_loop3A_1095 = arith.constant 5 : i32
      %parallel_loop3A_1096 = arith.shrsi %parallel_loop3A_1094, %parallel_loop3A_1095 : i32
      %parallel_loop3A_1097 = arith.constant 31 : i32
      %parallel_loop3A_1098 = arith.andi %parallel_loop3A_1094, %parallel_loop3A_1097 : i32
      %parallel_loop3A_1099 = arith.constant 16 : i32
      %parallel_loop3A_1100 = arith.muli %parallel_loop3A_1098, %parallel_loop3A_1099 : i32
      %parallel_loop3A_1101 = arith.constant 0 : i32
      %parallel_loop3A_1102 = arith.index_cast %parallel_loop3A_1101 : i32 to index
      %parallel_loop3A_1103 = arith.index_cast %parallel_loop3A_1096 : i32 to index
      %parallel_loop3A_1104 = arith.index_cast %parallel_loop3A_1100 : i32 to index
      %parallel_loop3A_1105 = tpu.vector_load %arg5[%parallel_loop3A_1102, %parallel_loop3A_1103, %parallel_loop3A_1104] {strides = array<i32>} : memref<2x32x512xf32, #tpu.memory_space<vmem>>, vector<1x1x16xf32>,
      %parallel_loop3A_1106 = vector.shape_cast %parallel_loop3A_1105 : vector<1x1x16xf32> to vector<16xf32>
      %parallel_loop3A_1107 = arith.constant 0 : i32
      %parallel_loop3A_1108 = arith.index_cast %parallel_loop3A_1107 : i32 to index
      %parallel_loop3A_1109 = arith.index_cast %parallel_loop3A_1096 : i32 to index
      %parallel_loop3A_1110 = arith.index_cast %parallel_loop3A_1100 : i32 to index
      %parallel_loop3A_1111 = tpu.vector_load %arg6[%parallel_loop3A_1108, %parallel_loop3A_1109, %parallel_loop3A_1110] {strides = array<i32>} : memref<2x32x512xf32, #tpu.memory_space<vmem>>, vector<1x1x16xf32>,
      %parallel_loop3A_1112 = vector.shape_cast %parallel_loop3A_1111 : vector<1x1x16xf32> to vector<16xf32>
      %parallel_loop3A_1113 = arith.constant 1.000000e-01 : f32
      %parallel_loop3A_1114 = vector.broadcast %parallel_loop3A_1113 : f32 to vector<16xf32>
      %parallel_loop3A_1115 = arith.cmpf ogt, %parallel_loop3A_1112, %parallel_loop3A_1114 : vector<16xf32>
      %parallel_loop3A_1116 = arith.addf %parallel_loop3A_973, %parallel_loop3A_1106 : vector<16xf32>
      %parallel_loop3A_1117 = arith.mulf %parallel_loop3A_1106, %parallel_loop3A_1106 : vector<16xf32>
      %parallel_loop3A_1118 = arith.addf %parallel_loop3A_974, %parallel_loop3A_1117 : vector<16xf32>
      %parallel_loop3A_1119 = arith.constant 0.000000e+00 : f32
      %parallel_loop3A_1120 = vector.broadcast %parallel_loop3A_1119 : f32 to vector<16xf32>
      %parallel_loop3A_1121 = arith.select %parallel_loop3A_1115, %parallel_loop3A_1106, %parallel_loop3A_1120 : vector<16xi1>, vector<16xf32>
      %parallel_loop3A_1122 = arith.addf %parallel_loop3A_975, %parallel_loop3A_1121 : vector<16xf32>
      %parallel_loop3A_1123 = arith.constant 1.000000e+00 : f32
      %parallel_loop3A_1124 = arith.constant 0.000000e+00 : f32
      %parallel_loop3A_1125 = vector.broadcast %parallel_loop3A_1123 : f32 to vector<16xf32>
      %parallel_loop3A_1126 = vector.broadcast %parallel_loop3A_1124 : f32 to vector<16xf32>
      %parallel_loop3A_1127 = arith.select %parallel_loop3A_1115, %parallel_loop3A_1125, %parallel_loop3A_1126 : vector<16xi1>, vector<16xf32>
      %parallel_loop3A_1128 = arith.addf %parallel_loop3A_976, %parallel_loop3A_1127 : vector<16xf32>
      scf.yield %parallel_loop3A_1002, %parallel_loop3A_1004, %parallel_loop3A_1008, %parallel_loop3A_1014, %parallel_loop3A_1040, %parallel_loop3A_1042, %parallel_loop3A_1046, %parallel_loop3A_1052, %parallel_loop3A_1078, %parallel_loop3A_1080, %parallel_loop3A_1084, %parallel_loop3A_1090, %parallel_loop3A_1116, %parallel_loop3A_1118, %parallel_loop3A_1122, %parallel_loop3A_1128 : vector<16xf32>, vector<16xf32>, vector<16xf32>, vector<16xf32>, vector<16xf32>, vector<16xf32>, vector<16xf32>, vector<16xf32>, vector<16xf32>, vector<16xf32>, vector<16xf32>, vector<16xf32>, vector<16xf32>, vector<16xf32>, vector<16xf32>, vector<16xf32>
    } {sc.loop_unroll_factor = 2 : i64, sc.parallel_access}
    %add3A_845 = arith.constant 160 : i32
    %add3A_846 = arith.addi %add3A, %add3A_845 : i32
    %jit3A_847 = arith.constant 16 : i32
    %div3A_848 = arith.divsi %add3A_846, %jit3A_847 : i32
    %sign3A_849 = arith.constant 0 : i32
    %sign3A_850 = arith.cmpi sgt, %add3A_846, %sign3A_849 : i32
    %sign3A_851 = arith.extui %sign3A_850 : i1 to i32
    %sign3A_852 = arith.constant 0 : i32
    %sign3A_853 = arith.cmpi slt, %add3A_846, %sign3A_852 : i32
    %sign3A_854 = arith.extui %sign3A_853 : i1 to i32
    %sign3A_855 = arith.subi %sign3A_851, %sign3A_854 : i32
    %sign3A_856 = arith.constant 0 : i32
    %sign3A_857 = arith.cmpi sgt, %jit3A_847, %sign3A_856 : i32
    %sign3A_858 = arith.extui %sign3A_857 : i1 to i32
    %sign3A_859 = arith.constant 0 : i32
    %sign3A_860 = arith.cmpi slt, %jit3A_847, %sign3A_859 : i32
    %sign3A_861 = arith.extui %sign3A_860 : i1 to i32
    %sign3A_862 = arith.subi %sign3A_858, %sign3A_861 : i32
    %ne3A_863 = arith.cmpi ne, %sign3A_855, %sign3A_862 : i32
    %rem3A_864 = arith.remsi %add3A_846, %jit3A_847 : i32
    %ne3A_865 = arith.constant 0 : i32
    %ne3A_866 = arith.cmpi ne, %rem3A_864, %ne3A_865 : i32
    %and3A_867 = arith.andi %ne3A_863, %ne3A_866 : i1
    %sub3A_868 = arith.constant 1 : i32
    %sub3A_869 = arith.subi %div3A_848, %sub3A_868 : i32
    %select_n3A_870 = arith.select %and3A_867, %sub3A_869, %div3A_848 : i32
    %add3A_871 = arith.constant 20 : i32
    %add3A_872 = arith.addi %add3A_871, %select_n3A_870 : i32
    %jit3A_873 = arith.constant 16 : i32
    %eq3A_874 = arith.constant 0 : i32
    %eq3A_875 = arith.cmpi eq, %jit3A_873, %eq3A_874 : i32
    %jit3A_876 = arith.constant 1 : i32
    %select_n3A_877 = arith.select %eq3A_875, %jit3A_876, %jit3A_873 : i32
    %rem3A_878 = arith.remsi %add3A_846, %select_n3A_877 : i32
    %ne3A_879 = arith.constant 0 : i32
    %ne3A_880 = arith.cmpi ne, %rem3A_878, %ne3A_879 : i32
    %lt3A_881 = arith.constant 0 : i32
    %lt3A_882 = arith.cmpi slt, %rem3A_878, %lt3A_881 : i32
    %lt3A_883 = arith.constant 0 : i32
    %lt3A_884 = arith.cmpi slt, %select_n3A_877, %lt3A_883 : i32
    %ne3A_885 = arith.xori %lt3A_882, %lt3A_884 : i1
    %and3A_886 = arith.andi %ne3A_885, %ne3A_880 : i1
    %add3A_887 = arith.addi %rem3A_878, %select_n3A_877 : i32
    %select_n3A_888 = arith.select %and3A_886, %add3A_887, %rem3A_878 : i32
    %mul3A_889 = arith.constant 32 : i32
    %mul3A_890 = arith.muli %select_n3A_888, %mul3A_889 : i32
    %dma_wait3A_891 = arith.constant 1 : i32
    %dma_wait3A_892 = arith.constant 0 : i32
    %dma_wait3A_893 = arith.constant 0 : i32
    %dma_wait3A_894 = tpu.memref_slice %arg5[%dma_wait3A_891, %dma_wait3A_892, %dma_wait3A_893] : memref<2x32x512xf32, #tpu.memory_space<vmem>> -> memref<1x32x512xf32, #tpu.memory_space<vmem>>
    %dma_wait3A_895 = tpu.memref_squeeze %dma_wait3A_894 : memref<1x32x512xf32, #tpu.memory_space<vmem>> -> memref<32x512xf32, #tpu.memory_space<vmem>>
    %dma_wait3A_896 = arith.constant 0 : i32
    %dma_wait3A_897 = tpu.memref_slice %arg2[%add3A_872, %mul3A_890, %dma_wait3A_896] : memref<32x512x512xf32, #tpu.memory_space<hbm>> -> memref<1x32x512xf32, #tpu.memory_space<hbm>>
    %dma_wait3A_898 = tpu.memref_squeeze %dma_wait3A_897 : memref<1x32x512xf32, #tpu.memory_space<hbm>> -> memref<32x512xf32, #tpu.memory_space<hbm>>
    %dma_wait3A_899 = arith.constant 0 : i32
    %dma_wait3A_900 = arith.constant 0 : i32
    %dma_wait3A_901 = tpu.memref_slice %arg5[%dma_wait3A_891, %dma_wait3A_899, %dma_wait3A_900] : memref<2x32x512xf32, #tpu.memory_space<vmem>> -> memref<1x32x512xf32, #tpu.memory_space<vmem>>
    %dma_wait3A_902 = tpu.memref_squeeze %dma_wait3A_901 : memref<1x32x512xf32, #tpu.memory_space<vmem>> -> memref<32x512xf32, #tpu.memory_space<vmem>>
    %dma_wait3A_903 = arith.constant 0 : i32
    %dma_wait3A_904 = tpu.memref_slice %arg2[%add3A_872, %mul3A_890, %dma_wait3A_903] : memref<32x512x512xf32, #tpu.memory_space<hbm>> -> memref<1x32x512xf32, #tpu.memory_space<hbm>>
    %dma_wait3A_905 = tpu.memref_squeeze %dma_wait3A_904 : memref<1x32x512xf32, #tpu.memory_space<hbm>> -> memref<32x512xf32, #tpu.memory_space<hbm>>
    tpu.wait_dma2 semaphore(%arg9 : memref<!tpu.dma_semaphore, #tpu.memory_space<semaphore_mem>>) src(%dma_wait3A_905 : memref<32x512xf32, #tpu.memory_space<hbm>>) dst(%dma_wait3A_902 : memref<32x512xf32, #tpu.memory_space<vmem>>)
    %dma_wait3A_906 = arith.constant 1 : i32
    %dma_wait3A_907 = arith.constant 0 : i32
    %dma_wait3A_908 = arith.constant 0 : i32
    %dma_wait3A_909 = tpu.memref_slice %arg6[%dma_wait3A_906, %dma_wait3A_907, %dma_wait3A_908] : memref<2x32x512xf32, #tpu.memory_space<vmem>> -> memref<1x32x512xf32, #tpu.memory_space<vmem>>
    %dma_wait3A_910 = tpu.memref_squeeze %dma_wait3A_909 : memref<1x32x512xf32, #tpu.memory_space<vmem>> -> memref<32x512xf32, #tpu.memory_space<vmem>>
    %dma_wait3A_911 = arith.constant 0 : i32
    %dma_wait3A_912 = tpu.memref_slice %arg3[%add3A_872, %mul3A_890, %dma_wait3A_911] : memref<32x512x512xf32, #tpu.memory_space<hbm>> -> memref<1x32x512xf32, #tpu.memory_space<hbm>>
    %dma_wait3A_913 = tpu.memref_squeeze %dma_wait3A_912 : memref<1x32x512xf32, #tpu.memory_space<hbm>> -> memref<32x512xf32, #tpu.memory_space<hbm>>
    %dma_wait3A_914 = arith.constant 0 : i32
    %dma_wait3A_915 = arith.constant 0 : i32
    %dma_wait3A_916 = tpu.memref_slice %arg6[%dma_wait3A_906, %dma_wait3A_914, %dma_wait3A_915] : memref<2x32x512xf32, #tpu.memory_space<vmem>> -> memref<1x32x512xf32, #tpu.memory_space<vmem>>
    %dma_wait3A_917 = tpu.memref_squeeze %dma_wait3A_916 : memref<1x32x512xf32, #tpu.memory_space<vmem>> -> memref<32x512xf32, #tpu.memory_space<vmem>>
    %dma_wait3A_918 = arith.constant 0 : i32
    %dma_wait3A_919 = tpu.memref_slice %arg3[%add3A_872, %mul3A_890, %dma_wait3A_918] : memref<32x512x512xf32, #tpu.memory_space<hbm>> -> memref<1x32x512xf32, #tpu.memory_space<hbm>>
    %dma_wait3A_920 = tpu.memref_squeeze %dma_wait3A_919 : memref<1x32x512xf32, #tpu.memory_space<hbm>> -> memref<32x512xf32, #tpu.memory_space<hbm>>
    tpu.wait_dma2 semaphore(%arg11 : memref<!tpu.dma_semaphore, #tpu.memory_space<semaphore_mem>>) src(%dma_wait3A_920 : memref<32x512xf32, #tpu.memory_space<hbm>>) dst(%dma_wait3A_917 : memref<32x512xf32, #tpu.memory_space<vmem>>)
    %parallel_loop3A_921 = arith.constant 0 : i32
    %parallel_loop3A_922 = arith.constant 256 : i32
    %parallel_loop3A_923 = arith.constant 1 : i32
    %parallel_loop3A_924:16 = scf.for %parallel_loop3A_960 = %parallel_loop3A_921 to %parallel_loop3A_922 step %parallel_loop3A_923 iter_args(%parallel_loop3A_961 = %parallel_loop3A_844#0, %parallel_loop3A_962 = %parallel_loop3A_844#1, %parallel_loop3A_963 = %parallel_loop3A_844#2, %parallel_loop3A_964 = %parallel_loop3A_844#3, %parallel_loop3A_965 = %parallel_loop3A_844#4, %parallel_loop3A_966 = %parallel_loop3A_844#5, %parallel_loop3A_967 = %parallel_loop3A_844#6, %parallel_loop3A_968 = %parallel_loop3A_844#7, %parallel_loop3A_969 = %parallel_loop3A_844#8, %parallel_loop3A_970 = %parallel_loop3A_844#9, %parallel_loop3A_971 = %parallel_loop3A_844#10, %parallel_loop3A_972 = %parallel_loop3A_844#11, %parallel_loop3A_973 = %parallel_loop3A_844#12, %parallel_loop3A_974 = %parallel_loop3A_844#13, %parallel_loop3A_975 = %parallel_loop3A_844#14, %parallel_loop3A_976 = %parallel_loop3A_844#15) -> (vector<16xf32>, vector<16xf32>, vector<16xf32>, vector<16xf32>, vector<16xf32>, vector<16xf32>, vector<16xf32>, vector<16xf32>, vector<16xf32>, vector<16xf32>, vector<16xf32>, vector<16xf32>, vector<16xf32>, vector<16xf32>, vector<16xf32>, vector<16xf32>)  : i32 {
      %parallel_loop3A_977 = arith.constant 4 : i32
      %parallel_loop3A_978 = arith.muli %parallel_loop3A_960, %parallel_loop3A_977 : i32
      %parallel_loop3A_979 = arith.constant 0 : i32
      %parallel_loop3A_980 = arith.addi %parallel_loop3A_978, %parallel_loop3A_979 : i32
      %parallel_loop3A_981 = arith.constant 5 : i32
      %parallel_loop3A_982 = arith.shrsi %parallel_loop3A_980, %parallel_loop3A_981 : i32
      %parallel_loop3A_983 = arith.constant 31 : i32
      %parallel_loop3A_984 = arith.andi %parallel_loop3A_980, %parallel_loop3A_983 : i32
      %parallel_loop3A_985 = arith.constant 16 : i32
      %parallel_loop3A_986 = arith.muli %parallel_loop3A_984, %parallel_loop3A_985 : i32
      %parallel_loop3A_987 = arith.constant 1 : i32
      %parallel_loop3A_988 = arith.index_cast %parallel_loop3A_987 : i32 to index
      %parallel_loop3A_989 = arith.index_cast %parallel_loop3A_982 : i32 to index
      %parallel_loop3A_990 = arith.index_cast %parallel_loop3A_986 : i32 to index
      %parallel_loop3A_991 = tpu.vector_load %arg5[%parallel_loop3A_988, %parallel_loop3A_989, %parallel_loop3A_990] {strides = array<i32>} : memref<2x32x512xf32, #tpu.memory_space<vmem>>, vector<1x1x16xf32>,
      %parallel_loop3A_992 = vector.shape_cast %parallel_loop3A_991 : vector<1x1x16xf32> to vector<16xf32>
      %parallel_loop3A_993 = arith.constant 1 : i32
      %parallel_loop3A_994 = arith.index_cast %parallel_loop3A_993 : i32 to index
      %parallel_loop3A_995 = arith.index_cast %parallel_loop3A_982 : i32 to index
      %parallel_loop3A_996 = arith.index_cast %parallel_loop3A_986 : i32 to index
      %parallel_loop3A_997 = tpu.vector_load %arg6[%parallel_loop3A_994, %parallel_loop3A_995, %parallel_loop3A_996] {strides = array<i32>} : memref<2x32x512xf32, #tpu.memory_space<vmem>>, vector<1x1x16xf32>,
      %parallel_loop3A_998 = vector.shape_cast %parallel_loop3A_997 : vector<1x1x16xf32> to vector<16xf32>
      %parallel_loop3A_999 = arith.constant 1.000000e-01 : f32
      %parallel_loop3A_1000 = vector.broadcast %parallel_loop3A_999 : f32 to vector<16xf32>
      %parallel_loop3A_1001 = arith.cmpf ogt, %parallel_loop3A_998, %parallel_loop3A_1000 : vector<16xf32>
      %parallel_loop3A_1002 = arith.addf %parallel_loop3A_961, %parallel_loop3A_992 : vector<16xf32>
      %parallel_loop3A_1003 = arith.mulf %parallel_loop3A_992, %parallel_loop3A_992 : vector<16xf32>
      %parallel_loop3A_1004 = arith.addf %parallel_loop3A_962, %parallel_loop3A_1003 : vector<16xf32>
      %parallel_loop3A_1005 = arith.constant 0.000000e+00 : f32
      %parallel_loop3A_1006 = vector.broadcast %parallel_loop3A_1005 : f32 to vector<16xf32>
      %parallel_loop3A_1007 = arith.select %parallel_loop3A_1001, %parallel_loop3A_992, %parallel_loop3A_1006 : vector<16xi1>, vector<16xf32>
      %parallel_loop3A_1008 = arith.addf %parallel_loop3A_963, %parallel_loop3A_1007 : vector<16xf32>
      %parallel_loop3A_1009 = arith.constant 1.000000e+00 : f32
      %parallel_loop3A_1010 = arith.constant 0.000000e+00 : f32
      %parallel_loop3A_1011 = vector.broadcast %parallel_loop3A_1009 : f32 to vector<16xf32>
      %parallel_loop3A_1012 = vector.broadcast %parallel_loop3A_1010 : f32 to vector<16xf32>
      %parallel_loop3A_1013 = arith.select %parallel_loop3A_1001, %parallel_loop3A_1011, %parallel_loop3A_1012 : vector<16xi1>, vector<16xf32>
      %parallel_loop3A_1014 = arith.addf %parallel_loop3A_964, %parallel_loop3A_1013 : vector<16xf32>
      %parallel_loop3A_1015 = arith.constant 4 : i32
      %parallel_loop3A_1016 = arith.muli %parallel_loop3A_960, %parallel_loop3A_1015 : i32
      %parallel_loop3A_1017 = arith.constant 1 : i32
      %parallel_loop3A_1018 = arith.addi %parallel_loop3A_1016, %parallel_loop3A_1017 : i32
      %parallel_loop3A_1019 = arith.constant 5 : i32
      %parallel_loop3A_1020 = arith.shrsi %parallel_loop3A_1018, %parallel_loop3A_1019 : i32
      %parallel_loop3A_1021 = arith.constant 31 : i32
      %parallel_loop3A_1022 = arith.andi %parallel_loop3A_1018, %parallel_loop3A_1021 : i32
      %parallel_loop3A_1023 = arith.constant 16 : i32
      %parallel_loop3A_1024 = arith.muli %parallel_loop3A_1022, %parallel_loop3A_1023 : i32
      %parallel_loop3A_1025 = arith.constant 1 : i32
      %parallel_loop3A_1026 = arith.index_cast %parallel_loop3A_1025 : i32 to index
      %parallel_loop3A_1027 = arith.index_cast %parallel_loop3A_1020 : i32 to index
      %parallel_loop3A_1028 = arith.index_cast %parallel_loop3A_1024 : i32 to index
      %parallel_loop3A_1029 = tpu.vector_load %arg5[%parallel_loop3A_1026, %parallel_loop3A_1027, %parallel_loop3A_1028] {strides = array<i32>} : memref<2x32x512xf32, #tpu.memory_space<vmem>>, vector<1x1x16xf32>,
      %parallel_loop3A_1030 = vector.shape_cast %parallel_loop3A_1029 : vector<1x1x16xf32> to vector<16xf32>
      %parallel_loop3A_1031 = arith.constant 1 : i32
      %parallel_loop3A_1032 = arith.index_cast %parallel_loop3A_1031 : i32 to index
      %parallel_loop3A_1033 = arith.index_cast %parallel_loop3A_1020 : i32 to index
      %parallel_loop3A_1034 = arith.index_cast %parallel_loop3A_1024 : i32 to index
      %parallel_loop3A_1035 = tpu.vector_load %arg6[%parallel_loop3A_1032, %parallel_loop3A_1033, %parallel_loop3A_1034] {strides = array<i32>} : memref<2x32x512xf32, #tpu.memory_space<vmem>>, vector<1x1x16xf32>,
      %parallel_loop3A_1036 = vector.shape_cast %parallel_loop3A_1035 : vector<1x1x16xf32> to vector<16xf32>
      %parallel_loop3A_1037 = arith.constant 1.000000e-01 : f32
      %parallel_loop3A_1038 = vector.broadcast %parallel_loop3A_1037 : f32 to vector<16xf32>
      %parallel_loop3A_1039 = arith.cmpf ogt, %parallel_loop3A_1036, %parallel_loop3A_1038 : vector<16xf32>
      %parallel_loop3A_1040 = arith.addf %parallel_loop3A_965, %parallel_loop3A_1030 : vector<16xf32>
      %parallel_loop3A_1041 = arith.mulf %parallel_loop3A_1030, %parallel_loop3A_1030 : vector<16xf32>
      %parallel_loop3A_1042 = arith.addf %parallel_loop3A_966, %parallel_loop3A_1041 : vector<16xf32>
      %parallel_loop3A_1043 = arith.constant 0.000000e+00 : f32
      %parallel_loop3A_1044 = vector.broadcast %parallel_loop3A_1043 : f32 to vector<16xf32>
      %parallel_loop3A_1045 = arith.select %parallel_loop3A_1039, %parallel_loop3A_1030, %parallel_loop3A_1044 : vector<16xi1>, vector<16xf32>
      %parallel_loop3A_1046 = arith.addf %parallel_loop3A_967, %parallel_loop3A_1045 : vector<16xf32>
      %parallel_loop3A_1047 = arith.constant 1.000000e+00 : f32
      %parallel_loop3A_1048 = arith.constant 0.000000e+00 : f32
      %parallel_loop3A_1049 = vector.broadcast %parallel_loop3A_1047 : f32 to vector<16xf32>
      %parallel_loop3A_1050 = vector.broadcast %parallel_loop3A_1048 : f32 to vector<16xf32>
      %parallel_loop3A_1051 = arith.select %parallel_loop3A_1039, %parallel_loop3A_1049, %parallel_loop3A_1050 : vector<16xi1>, vector<16xf32>
      %parallel_loop3A_1052 = arith.addf %parallel_loop3A_968, %parallel_loop3A_1051 : vector<16xf32>
      %parallel_loop3A_1053 = arith.constant 4 : i32
      %parallel_loop3A_1054 = arith.muli %parallel_loop3A_960, %parallel_loop3A_1053 : i32
      %parallel_loop3A_1055 = arith.constant 2 : i32
      %parallel_loop3A_1056 = arith.addi %parallel_loop3A_1054, %parallel_loop3A_1055 : i32
      %parallel_loop3A_1057 = arith.constant 5 : i32
      %parallel_loop3A_1058 = arith.shrsi %parallel_loop3A_1056, %parallel_loop3A_1057 : i32
      %parallel_loop3A_1059 = arith.constant 31 : i32
      %parallel_loop3A_1060 = arith.andi %parallel_loop3A_1056, %parallel_loop3A_1059 : i32
      %parallel_loop3A_1061 = arith.constant 16 : i32
      %parallel_loop3A_1062 = arith.muli %parallel_loop3A_1060, %parallel_loop3A_1061 : i32
      %parallel_loop3A_1063 = arith.constant 1 : i32
      %parallel_loop3A_1064 = arith.index_cast %parallel_loop3A_1063 : i32 to index
      %parallel_loop3A_1065 = arith.index_cast %parallel_loop3A_1058 : i32 to index
      %parallel_loop3A_1066 = arith.index_cast %parallel_loop3A_1062 : i32 to index
      %parallel_loop3A_1067 = tpu.vector_load %arg5[%parallel_loop3A_1064, %parallel_loop3A_1065, %parallel_loop3A_1066] {strides = array<i32>} : memref<2x32x512xf32, #tpu.memory_space<vmem>>, vector<1x1x16xf32>,
      %parallel_loop3A_1068 = vector.shape_cast %parallel_loop3A_1067 : vector<1x1x16xf32> to vector<16xf32>
      %parallel_loop3A_1069 = arith.constant 1 : i32
      %parallel_loop3A_1070 = arith.index_cast %parallel_loop3A_1069 : i32 to index
      %parallel_loop3A_1071 = arith.index_cast %parallel_loop3A_1058 : i32 to index
      %parallel_loop3A_1072 = arith.index_cast %parallel_loop3A_1062 : i32 to index
      %parallel_loop3A_1073 = tpu.vector_load %arg6[%parallel_loop3A_1070, %parallel_loop3A_1071, %parallel_loop3A_1072] {strides = array<i32>} : memref<2x32x512xf32, #tpu.memory_space<vmem>>, vector<1x1x16xf32>,
      %parallel_loop3A_1074 = vector.shape_cast %parallel_loop3A_1073 : vector<1x1x16xf32> to vector<16xf32>
      %parallel_loop3A_1075 = arith.constant 1.000000e-01 : f32
      %parallel_loop3A_1076 = vector.broadcast %parallel_loop3A_1075 : f32 to vector<16xf32>
      %parallel_loop3A_1077 = arith.cmpf ogt, %parallel_loop3A_1074, %parallel_loop3A_1076 : vector<16xf32>
      %parallel_loop3A_1078 = arith.addf %parallel_loop3A_969, %parallel_loop3A_1068 : vector<16xf32>
      %parallel_loop3A_1079 = arith.mulf %parallel_loop3A_1068, %parallel_loop3A_1068 : vector<16xf32>
      %parallel_loop3A_1080 = arith.addf %parallel_loop3A_970, %parallel_loop3A_1079 : vector<16xf32>
      %parallel_loop3A_1081 = arith.constant 0.000000e+00 : f32
      %parallel_loop3A_1082 = vector.broadcast %parallel_loop3A_1081 : f32 to vector<16xf32>
      %parallel_loop3A_1083 = arith.select %parallel_loop3A_1077, %parallel_loop3A_1068, %parallel_loop3A_1082 : vector<16xi1>, vector<16xf32>
      %parallel_loop3A_1084 = arith.addf %parallel_loop3A_971, %parallel_loop3A_1083 : vector<16xf32>
      %parallel_loop3A_1085 = arith.constant 1.000000e+00 : f32
      %parallel_loop3A_1086 = arith.constant 0.000000e+00 : f32
      %parallel_loop3A_1087 = vector.broadcast %parallel_loop3A_1085 : f32 to vector<16xf32>
      %parallel_loop3A_1088 = vector.broadcast %parallel_loop3A_1086 : f32 to vector<16xf32>
      %parallel_loop3A_1089 = arith.select %parallel_loop3A_1077, %parallel_loop3A_1087, %parallel_loop3A_1088 : vector<16xi1>, vector<16xf32>
      %parallel_loop3A_1090 = arith.addf %parallel_loop3A_972, %parallel_loop3A_1089 : vector<16xf32>
      %parallel_loop3A_1091 = arith.constant 4 : i32
      %parallel_loop3A_1092 = arith.muli %parallel_loop3A_960, %parallel_loop3A_1091 : i32
      %parallel_loop3A_1093 = arith.constant 3 : i32
      %parallel_loop3A_1094 = arith.addi %parallel_loop3A_1092, %parallel_loop3A_1093 : i32
      %parallel_loop3A_1095 = arith.constant 5 : i32
      %parallel_loop3A_1096 = arith.shrsi %parallel_loop3A_1094, %parallel_loop3A_1095 : i32
      %parallel_loop3A_1097 = arith.constant 31 : i32
      %parallel_loop3A_1098 = arith.andi %parallel_loop3A_1094, %parallel_loop3A_1097 : i32
      %parallel_loop3A_1099 = arith.constant 16 : i32
      %parallel_loop3A_1100 = arith.muli %parallel_loop3A_1098, %parallel_loop3A_1099 : i32
      %parallel_loop3A_1101 = arith.constant 1 : i32
      %parallel_loop3A_1102 = arith.index_cast %parallel_loop3A_1101 : i32 to index
      %parallel_loop3A_1103 = arith.index_cast %parallel_loop3A_1096 : i32 to index
      %parallel_loop3A_1104 = arith.index_cast %parallel_loop3A_1100 : i32 to index
      %parallel_loop3A_1105 = tpu.vector_load %arg5[%parallel_loop3A_1102, %parallel_loop3A_1103, %parallel_loop3A_1104] {strides = array<i32>} : memref<2x32x512xf32, #tpu.memory_space<vmem>>, vector<1x1x16xf32>,
      %parallel_loop3A_1106 = vector.shape_cast %parallel_loop3A_1105 : vector<1x1x16xf32> to vector<16xf32>
      %parallel_loop3A_1107 = arith.constant 1 : i32
      %parallel_loop3A_1108 = arith.index_cast %parallel_loop3A_1107 : i32 to index
      %parallel_loop3A_1109 = arith.index_cast %parallel_loop3A_1096 : i32 to index
      %parallel_loop3A_1110 = arith.index_cast %parallel_loop3A_1100 : i32 to index
      %parallel_loop3A_1111 = tpu.vector_load %arg6[%parallel_loop3A_1108, %parallel_loop3A_1109, %parallel_loop3A_1110] {strides = array<i32>} : memref<2x32x512xf32, #tpu.memory_space<vmem>>, vector<1x1x16xf32>,
      %parallel_loop3A_1112 = vector.shape_cast %parallel_loop3A_1111 : vector<1x1x16xf32> to vector<16xf32>
      %parallel_loop3A_1113 = arith.constant 1.000000e-01 : f32
      %parallel_loop3A_1114 = vector.broadcast %parallel_loop3A_1113 : f32 to vector<16xf32>
      %parallel_loop3A_1115 = arith.cmpf ogt, %parallel_loop3A_1112, %parallel_loop3A_1114 : vector<16xf32>
      %parallel_loop3A_1116 = arith.addf %parallel_loop3A_973, %parallel_loop3A_1106 : vector<16xf32>
      %parallel_loop3A_1117 = arith.mulf %parallel_loop3A_1106, %parallel_loop3A_1106 : vector<16xf32>
      %parallel_loop3A_1118 = arith.addf %parallel_loop3A_974, %parallel_loop3A_1117 : vector<16xf32>
      %parallel_loop3A_1119 = arith.constant 0.000000e+00 : f32
      %parallel_loop3A_1120 = vector.broadcast %parallel_loop3A_1119 : f32 to vector<16xf32>
      %parallel_loop3A_1121 = arith.select %parallel_loop3A_1115, %parallel_loop3A_1106, %parallel_loop3A_1120 : vector<16xi1>, vector<16xf32>
      %parallel_loop3A_1122 = arith.addf %parallel_loop3A_975, %parallel_loop3A_1121 : vector<16xf32>
      %parallel_loop3A_1123 = arith.constant 1.000000e+00 : f32
      %parallel_loop3A_1124 = arith.constant 0.000000e+00 : f32
      %parallel_loop3A_1125 = vector.broadcast %parallel_loop3A_1123 : f32 to vector<16xf32>
      %parallel_loop3A_1126 = vector.broadcast %parallel_loop3A_1124 : f32 to vector<16xf32>
      %parallel_loop3A_1127 = arith.select %parallel_loop3A_1115, %parallel_loop3A_1125, %parallel_loop3A_1126 : vector<16xi1>, vector<16xf32>
      %parallel_loop3A_1128 = arith.addf %parallel_loop3A_976, %parallel_loop3A_1127 : vector<16xf32>
      scf.yield %parallel_loop3A_1002, %parallel_loop3A_1004, %parallel_loop3A_1008, %parallel_loop3A_1014, %parallel_loop3A_1040, %parallel_loop3A_1042, %parallel_loop3A_1046, %parallel_loop3A_1052, %parallel_loop3A_1078, %parallel_loop3A_1080, %parallel_loop3A_1084, %parallel_loop3A_1090, %parallel_loop3A_1116, %parallel_loop3A_1118, %parallel_loop3A_1122, %parallel_loop3A_1128 : vector<16xf32>, vector<16xf32>, vector<16xf32>, vector<16xf32>, vector<16xf32>, vector<16xf32>, vector<16xf32>, vector<16xf32>, vector<16xf32>, vector<16xf32>, vector<16xf32>, vector<16xf32>, vector<16xf32>, vector<16xf32>, vector<16xf32>, vector<16xf32>
    } {sc.loop_unroll_factor = 2 : i64, sc.parallel_access}
    %add3A_925 = arith.addf %parallel_loop3A_924#0, %parallel_loop3A_924#4 : vector<16xf32>
    %add3A_926 = arith.addf %parallel_loop3A_924#1, %parallel_loop3A_924#5 : vector<16xf32>
    %add3A_927 = arith.addf %parallel_loop3A_924#2, %parallel_loop3A_924#6 : vector<16xf32>
    %add3A_928 = arith.addf %parallel_loop3A_924#3, %parallel_loop3A_924#7 : vector<16xf32>
    %add3A_929 = arith.addf %add3A_925, %parallel_loop3A_924#8 : vector<16xf32>
    %add3A_930 = arith.addf %add3A_926, %parallel_loop3A_924#9 : vector<16xf32>
    %add3A_931 = arith.addf %add3A_927, %parallel_loop3A_924#10 : vector<16xf32>
    %add3A_932 = arith.addf %add3A_928, %parallel_loop3A_924#11 : vector<16xf32>
    %add3A_933 = arith.addf %add3A_929, %parallel_loop3A_924#12 : vector<16xf32>
    %add3A_934 = arith.addf %add3A_930, %parallel_loop3A_924#13 : vector<16xf32>
    %add3A_935 = arith.addf %add3A_931, %parallel_loop3A_924#14 : vector<16xf32>
    %add3A_936 = arith.addf %add3A_932, %parallel_loop3A_924#15 : vector<16xf32>
    %swap3A = arith.constant 0 : i32
    %swap3A_937 = arith.index_cast %swap3A : i32 to index
    %swap3A_938 = arith.constant 0 : index
    %swap3A_939 = tpu.vector_load %arg7[%swap3A_937, %swap3A_938] {strides = array<i32>} : memref<4x16xf32, #tpu.memory_space<vmem>>, vector<1x16xf32>,
    %swap3A_940 = vector.shape_cast %swap3A_939 : vector<1x16xf32> to vector<16xf32>
    %swap3A_941 = vector.shape_cast %add3A_933 : vector<16xf32> to vector<1x16xf32>
    tpu.vector_store %arg7[%swap3A_937, %swap3A_938], %swap3A_941 {strides = array<i32>} : memref<4x16xf32, #tpu.memory_space<vmem>>, vector<1x16xf32>,
    %swap3A_942 = arith.constant 1 : i32
    %swap3A_943 = arith.index_cast %swap3A_942 : i32 to index
    %swap3A_944 = arith.constant 0 : index
    %swap3A_945 = tpu.vector_load %arg7[%swap3A_943, %swap3A_944] {strides = array<i32>} : memref<4x16xf32, #tpu.memory_space<vmem>>, vector<1x16xf32>,
    %swap3A_946 = vector.shape_cast %swap3A_945 : vector<1x16xf32> to vector<16xf32>
    %swap3A_947 = vector.shape_cast %add3A_934 : vector<16xf32> to vector<1x16xf32>
    tpu.vector_store %arg7[%swap3A_943, %swap3A_944], %swap3A_947 {strides = array<i32>} : memref<4x16xf32, #tpu.memory_space<vmem>>, vector<1x16xf32>,
    %swap3A_948 = arith.constant 2 : i32
    %swap3A_949 = arith.index_cast %swap3A_948 : i32 to index
    %swap3A_950 = arith.constant 0 : index
    %swap3A_951 = tpu.vector_load %arg7[%swap3A_949, %swap3A_950] {strides = array<i32>} : memref<4x16xf32, #tpu.memory_space<vmem>>, vector<1x16xf32>,
    %swap3A_952 = vector.shape_cast %swap3A_951 : vector<1x16xf32> to vector<16xf32>
    %swap3A_953 = vector.shape_cast %add3A_935 : vector<16xf32> to vector<1x16xf32>
    tpu.vector_store %arg7[%swap3A_949, %swap3A_950], %swap3A_953 {strides = array<i32>} : memref<4x16xf32, #tpu.memory_space<vmem>>, vector<1x16xf32>,
    %swap3A_954 = arith.constant 3 : i32
    %swap3A_955 = arith.index_cast %swap3A_954 : i32 to index
    %swap3A_956 = arith.constant 0 : index
    %swap3A_957 = tpu.vector_load %arg7[%swap3A_955, %swap3A_956] {strides = array<i32>} : memref<4x16xf32, #tpu.memory_space<vmem>>, vector<1x16xf32>,
    %swap3A_958 = vector.shape_cast %swap3A_957 : vector<1x16xf32> to vector<16xf32>
    %swap3A_959 = vector.shape_cast %add3A_936 : vector<16xf32> to vector<1x16xf32>
    tpu.vector_store %arg7[%swap3A_955, %swap3A_956], %swap3A_959 {strides = array<i32>} : memref<4x16xf32, #tpu.memory_space<vmem>>, vector<1x16xf32>,
    "tpu.region"() ({
      %run_scoped3A = tpu.sem_alloc : memref<!tpu.dma_semaphore, #tpu.memory_space<semaphore_mem>>
      %dma_start3A_960 = arith.constant 0 : i32
      %dma_start3A_961 = arith.constant 0 : i32
      %dma_start3A_962 = tpu.memref_slice %arg4[%add3A, %dma_start3A_960, %dma_start3A_961] : memref<32x4x16xf32, #tpu.memory_space<hbm>> -> memref<1x4x16xf32, #tpu.memory_space<hbm>>
      %dma_start3A_963 = tpu.memref_squeeze %dma_start3A_962 : memref<1x4x16xf32, #tpu.memory_space<hbm>> -> memref<4x16xf32, #tpu.memory_space<hbm>>
      %dma_start3A_964 = arith.constant 0 : i32
      %dma_start3A_965 = arith.constant 0 : i32
      %dma_start3A_966 = tpu.memref_slice %arg4[%add3A, %dma_start3A_964, %dma_start3A_965] : memref<32x4x16xf32, #tpu.memory_space<hbm>> -> memref<1x4x16xf32, #tpu.memory_space<hbm>>
      %dma_start3A_967 = tpu.memref_squeeze %dma_start3A_966 : memref<1x4x16xf32, #tpu.memory_space<hbm>> -> memref<4x16xf32, #tpu.memory_space<hbm>>
      tpu.enqueue_dma source(%arg7 : memref<4x16xf32, #tpu.memory_space<vmem>>) target(%dma_start3A_967 : memref<4x16xf32, #tpu.memory_space<hbm>>) target_semaphore(%run_scoped3A : memref<!tpu.dma_semaphore, #tpu.memory_space<semaphore_mem>>)
      %dma_wait3A_968 = arith.constant 0 : i32
      %dma_wait3A_969 = arith.constant 0 : i32
      %dma_wait3A_970 = tpu.memref_slice %arg4[%add3A, %dma_wait3A_968, %dma_wait3A_969] : memref<32x4x16xf32, #tpu.memory_space<hbm>> -> memref<1x4x16xf32, #tpu.memory_space<hbm>>
      %dma_wait3A_971 = tpu.memref_squeeze %dma_wait3A_970 : memref<1x4x16xf32, #tpu.memory_space<hbm>> -> memref<4x16xf32, #tpu.memory_space<hbm>>
      %dma_wait3A_972 = arith.constant 0 : i32
      %dma_wait3A_973 = arith.constant 0 : i32
      %dma_wait3A_974 = tpu.memref_slice %arg4[%add3A, %dma_wait3A_972, %dma_wait3A_973] : memref<32x4x16xf32, #tpu.memory_space<hbm>> -> memref<1x4x16xf32, #tpu.memory_space<hbm>>
      %dma_wait3A_975 = tpu.memref_squeeze %dma_wait3A_974 : memref<1x4x16xf32, #tpu.memory_space<hbm>> -> memref<4x16xf32, #tpu.memory_space<hbm>>
      tpu.wait_dma2 semaphore(%run_scoped3A : memref<!tpu.dma_semaphore, #tpu.memory_space<semaphore_mem>>) src(%arg7 : memref<4x16xf32, #tpu.memory_space<vmem>>) dst(%dma_wait3A_975 : memref<4x16xf32, #tpu.memory_space<hbm>>)
      tpu.yield
    }) : () -> ()
    return
  }
}

module attributes {stable_mosaic.version = 14 : i64} {
  func.func @_tc_body(%arg0: i32, %arg1: i32, %arg2: memref<4x512x512xf32, #tpu.memory_space<vmem>>, %arg3: memref<4x512x512xf32, #tpu.memory_space<vmem>>, %arg4: memref<4xf32, #tpu.memory_space<smem>>) attributes {dimension_semantics = [#tpu.dimension_semantics<arbitrary>, #tpu.dimension_semantics<arbitrary>], iteration_bounds = array<i64: 5, 1>, scalar_prefetch = 0 : i64, scratch_operands = 0 : i64, tpu.core_type = #tpu.core_type<tc>, window_params = [{transform_indices = @transform_0, window_bounds = array<i64: 4, 512, 512>}, {transform_indices = @transform_1, window_bounds = array<i64: 4, 512, 512>}, {transform_indices = @transform_2, window_bounds = array<i64: 4>}]} {
    %add3A = arith.addi %arg0, %arg1 : i32
    %get3A = arith.constant 0 : index
    %get3A_0 = arith.constant 0 : index
    %get3A_1 = arith.constant 0 : index
    %get3A_2 = vector.load %arg2[%get3A, %get3A_0, %get3A_1] : memref<4x512x512xf32, #tpu.memory_space<vmem>>, vector<4x512x512xf32>
    %get3A_3 = arith.constant 0 : index
    %get3A_4 = arith.constant 0 : index
    %get3A_5 = arith.constant 0 : index
    %get3A_6 = vector.load %arg3[%get3A_3, %get3A_4, %get3A_5] : memref<4x512x512xf32, #tpu.memory_space<vmem>>, vector<4x512x512xf32>
    %gt3A = arith.constant 1.000000e-01 : f32
    %gt3A_7 = vector.broadcast %gt3A : f32 to vector<4x512x512xf32>
    %gt3A_8 = arith.cmpf ogt, %get3A_6, %gt3A_7 : vector<4x512x512xf32>
    %reduce_sum3A = vector.shape_cast %get3A_2 : vector<4x512x512xf32> to vector<1x4x512x512xf32>
    %reduce_sum3A_9 = arith.constant dense<0.000000e+00> : vector<1xf32>
    %reduce_sum3A_10 = vector.multi_reduction <add>, %reduce_sum3A, %reduce_sum3A_9 [1, 2, 3] : vector<1x4x512x512xf32> to vector<1xf32>
    %reduce_sum3A_11 = vector.shape_cast %reduce_sum3A_10 : vector<1xf32> to vector<1x1x1x1xf32>
    %reduce_sum3A_12 = vector.extract %reduce_sum3A_11[0, 0, 0, 0] : f32 from vector<1x1x1x1xf32>
    %mul3A = arith.mulf %get3A_2, %get3A_2 : vector<4x512x512xf32>
    %reduce_sum3A_13 = vector.shape_cast %mul3A : vector<4x512x512xf32> to vector<1x4x512x512xf32>
    %reduce_sum3A_14 = arith.constant dense<0.000000e+00> : vector<1xf32>
    %reduce_sum3A_15 = vector.multi_reduction <add>, %reduce_sum3A_13, %reduce_sum3A_14 [1, 2, 3] : vector<1x4x512x512xf32> to vector<1xf32>
    %reduce_sum3A_16 = vector.shape_cast %reduce_sum3A_15 : vector<1xf32> to vector<1x1x1x1xf32>
    %reduce_sum3A_17 = vector.extract %reduce_sum3A_16[0, 0, 0, 0] : f32 from vector<1x1x1x1xf32>
    %jit3A = arith.constant 0.000000e+00 : f32
    %broadcast_in_dim3A = vector.broadcast %jit3A : f32 to vector<4x512x512xf32>
    %select_n3A = arith.select %gt3A_8, %get3A_2, %broadcast_in_dim3A : vector<4x512x512xi1>, vector<4x512x512xf32>
    %reduce_sum3A_18 = vector.shape_cast %select_n3A : vector<4x512x512xf32> to vector<1x4x512x512xf32>
    %reduce_sum3A_19 = arith.constant dense<0.000000e+00> : vector<1xf32>
    %reduce_sum3A_20 = vector.multi_reduction <add>, %reduce_sum3A_18, %reduce_sum3A_19 [1, 2, 3] : vector<1x4x512x512xf32> to vector<1xf32>
    %reduce_sum3A_21 = vector.shape_cast %reduce_sum3A_20 : vector<1xf32> to vector<1x1x1x1xf32>
    %reduce_sum3A_22 = vector.extract %reduce_sum3A_21[0, 0, 0, 0] : f32 from vector<1x1x1x1xf32>
    %jit3A_23 = arith.constant 1.000000e+00 : f32
    %jit3A_24 = arith.constant 0.000000e+00 : f32
    %broadcast_in_dim3A_25 = vector.broadcast %jit3A_23 : f32 to vector<4x512x512xf32>
    %broadcast_in_dim3A_26 = vector.broadcast %jit3A_24 : f32 to vector<4x512x512xf32>
    %select_n3A_27 = arith.select %gt3A_8, %broadcast_in_dim3A_25, %broadcast_in_dim3A_26 : vector<4x512x512xi1>, vector<4x512x512xf32>
    %reduce_sum3A_28 = vector.shape_cast %select_n3A_27 : vector<4x512x512xf32> to vector<1x4x512x512xf32>
    %reduce_sum3A_29 = arith.constant dense<0.000000e+00> : vector<1xf32>
    %reduce_sum3A_30 = vector.multi_reduction <add>, %reduce_sum3A_28, %reduce_sum3A_29 [1, 2, 3] : vector<1x4x512x512xf32> to vector<1xf32>
    %reduce_sum3A_31 = vector.shape_cast %reduce_sum3A_30 : vector<1xf32> to vector<1x1x1x1xf32>
    %reduce_sum3A_32 = vector.extract %reduce_sum3A_31[0, 0, 0, 0] : f32 from vector<1x1x1x1xf32>
    %eq3A = arith.constant 0 : i32
    %eq3A_33 = arith.cmpi eq, %add3A, %eq3A : i32
    %convert_element_type3A = arith.extui %eq3A_33 : i1 to i32
    %cond3A = arith.constant 0 : i32
    %cond3A_34 = arith.cmpi ne, %convert_element_type3A, %cond3A : i32
    scf.if %cond3A_34 {
      %swap3A_54 = arith.constant 0.000000e+00 : f32
      %swap3A_55 = arith.constant 0 : index
      %swap3A_56 = memref.load %arg4[%swap3A_55] : memref<4xf32, #tpu.memory_space<smem>>
      memref.store %swap3A_54, %arg4[%swap3A_55] : memref<4xf32, #tpu.memory_space<smem>>
      %swap3A_57 = arith.constant 0.000000e+00 : f32
      %swap3A_58 = arith.constant 1 : index
      %swap3A_59 = memref.load %arg4[%swap3A_58] : memref<4xf32, #tpu.memory_space<smem>>
      memref.store %swap3A_57, %arg4[%swap3A_58] : memref<4xf32, #tpu.memory_space<smem>>
      %swap3A_60 = arith.constant 0.000000e+00 : f32
      %swap3A_61 = arith.constant 2 : index
      %swap3A_62 = memref.load %arg4[%swap3A_61] : memref<4xf32, #tpu.memory_space<smem>>
      memref.store %swap3A_60, %arg4[%swap3A_61] : memref<4xf32, #tpu.memory_space<smem>>
      %swap3A_63 = arith.constant 0.000000e+00 : f32
      %swap3A_64 = arith.constant 3 : index
      %swap3A_65 = memref.load %arg4[%swap3A_64] : memref<4xf32, #tpu.memory_space<smem>>
      memref.store %swap3A_63, %arg4[%swap3A_64] : memref<4xf32, #tpu.memory_space<smem>>
    } else {
    }
    %get3A_35 = arith.constant 0 : index
    %get3A_36 = memref.load %arg4[%get3A_35] : memref<4xf32, #tpu.memory_space<smem>>
    %add3A_37 = arith.addf %get3A_36, %reduce_sum3A_12 : f32
    %swap3A = arith.constant 0 : index
    %swap3A_38 = memref.load %arg4[%swap3A] : memref<4xf32, #tpu.memory_space<smem>>
    memref.store %add3A_37, %arg4[%swap3A] : memref<4xf32, #tpu.memory_space<smem>>
    %get3A_39 = arith.constant 1 : index
    %get3A_40 = memref.load %arg4[%get3A_39] : memref<4xf32, #tpu.memory_space<smem>>
    %add3A_41 = arith.addf %get3A_40, %reduce_sum3A_17 : f32
    %swap3A_42 = arith.constant 1 : index
    %swap3A_43 = memref.load %arg4[%swap3A_42] : memref<4xf32, #tpu.memory_space<smem>>
    memref.store %add3A_41, %arg4[%swap3A_42] : memref<4xf32, #tpu.memory_space<smem>>
    %get3A_44 = arith.constant 2 : index
    %get3A_45 = memref.load %arg4[%get3A_44] : memref<4xf32, #tpu.memory_space<smem>>
    %add3A_46 = arith.addf %get3A_45, %reduce_sum3A_22 : f32
    %swap3A_47 = arith.constant 2 : index
    %swap3A_48 = memref.load %arg4[%swap3A_47] : memref<4xf32, #tpu.memory_space<smem>>
    memref.store %add3A_46, %arg4[%swap3A_47] : memref<4xf32, #tpu.memory_space<smem>>
    %get3A_49 = arith.constant 3 : index
    %get3A_50 = memref.load %arg4[%get3A_49] : memref<4xf32, #tpu.memory_space<smem>>
    %add3A_51 = arith.addf %get3A_50, %reduce_sum3A_32 : f32
    %swap3A_52 = arith.constant 3 : index
    %swap3A_53 = memref.load %arg4[%swap3A_52] : memref<4xf32, #tpu.memory_space<smem>>
    memref.store %add3A_51, %arg4[%swap3A_52] : memref<4xf32, #tpu.memory_space<smem>>
    return
  }
  func.func @transform_0(%arg0: i32, %arg1: i32) -> (i32, i32, i32) {
    %c0_i32 = arith.constant 0 : i32
    %c0_i32_0 = arith.constant 0 : i32
    %c0_i32_1 = arith.constant 0 : i32
    return %arg0, %c0_i32, %c0_i32_0 : i32, i32, i32
  }
  func.func @transform_1(%arg0: i32, %arg1: i32) -> (i32, i32, i32) {
    %c0_i32 = arith.constant 0 : i32
    %c0_i32_0 = arith.constant 0 : i32
    %c0_i32_1 = arith.constant 0 : i32
    return %arg0, %c0_i32, %c0_i32_0 : i32, i32, i32
  }
  func.func @transform_2(%arg0: i32, %arg1: i32) -> i32 {
    %c0_i32 = arith.constant 0 : i32
    %c0_i32_0 = arith.constant 0 : i32
    return %c0_i32 : i32
  }
}

</mosaic_0001>

<sc_bundles>
// kernel: kernel.4.cloned.1.call-start
scs
__scs_entry_jumppad:
0x0: {  	(pc) =	sbr.rel $0x88, $3  }
0x1: {  	(tag) =	ssettag $0x0;
	lr =	simm.s32 $0x1  }
0x2: {  	[smem:$0x3F9F] =	sst lr;
	_ =	strace $0xD0000000  }
0x3: {  	_ = 	snop  }
0x4: {  	_ = 	snop  }
0x5: {  	_ = 	snop  }
0x6: {  	_ = 	snop  }
0x7: {  	_ = 	snop  }
__scs_overlays_trampoline_lowered:
0x8: {  	[smem:$0x3FAE] =	sst s0  }
0x9: {  	[smem:$0x3FAF] =	sst s1  }
0xa: {  	[smem:$0x3FB0] =	sst s2  }
0xb: {  	[smem:$0x3FB1] =	sst s3  }
0xc: {  	[smem:$0x3FB2] =	sst s4  }
0xd: {  	[smem:$0x3FB3] =	sst s5  }
0xe: {  	[smem:$0x3FB4] =	sst s6  }
0xf: {  	[smem:$0x3FB5] =	sst s7  }
0x10: {  	[smem:$0x3FB6] =	sst s8  }
0x11: {  	[smem:$0x3FB7] =	sst s9;
	s0 =	simm.s32 @!p0 $0x0  }
0x12: {  	s1 =	sld [smem:$0x3F9D];
	s0 =	simm.s32 @p0 $0x1  }
0x13: {  	[smem:$0x3FB8] =	sst s0;
	s0 =	simm.s32 @!p1 $0x0  }
0x14: {  	s2 =	sld [smem:$0x3F9C];
	s0 =	simm.s32 @p1 $0x1  }
0x15: {  	[smem:$0x3FB9] =	sst s0;
	s0 =	simm.s32 @!p2 $0x0  }
0x16: {  	s3 =	sld [smem:$0x3FDB];
	s0 =	simm.s32 @p2 $0x1  }
0x17: {  	s4 =	simm.s32 $0x1BF5;
	[smem:$0x3FBB] =	sst s0  }
0x18: {  	s0 =	sld [smem:$0x3F9E];
	_ =	swait.ge [sflag:s4], $0x0  }
0x19: {  	s7 =	sld [smem:$0x3F9F]  }
0x1a: {  	s8 =	sadd.s32 $0xFFFFE003, lr  }
0x1b: {  	s9 =	sadd.s32 $0xFFFFFEF7, lr;
	s5 =	simm.s32 $0xFFFFFFFF;
	p2 =	slt.u32 s8, $0xFFFFF086  }
0x1c: {  	p1 =	slt.u32 s9, $0xF7A;
	s5 =	simm.s32 @!p2 $0x0  }
0x1d: {  	s5 =	simm.s32 @p1 $0x1;
	p0 =	seq.s32 s7, s2  }
0x1e: {  	s7 =	smul.u32 @!p0 $0xF7A, s2;
	p2 =	seq.s32 @!p0 s5, $0x0  }
0x1f: {  	s9 =	smul.u32 $0xF7A, s1;
	s8 =	simm.s32 @!p0 $0x1BF5;
	p2 =	por !p2, p0  }
0x20: {  	[sflag:s8] =	ssyncset.s32 @!p0 $0xFFFFF086;
	s6 =	sadd.s32 @!p0 s3, s7;
	s7 =	simm.s32 @!p0 $0x108  }
0x21: {  	s3 =	sadd.s32 s3, s9;
	s6 =	sadd.s32 @!p0 $0x88, s6;
	s7 =	simm.s32 @p2 $0x1082  }
0x22: {  	[simem:s7], [sflag:s8] =	dma.local @!p0 [hbm:s6], $0xF7A  }
0x23: {  	s9 =	sor.u32 $0xD0000000, s2;
	s6 =	simm.s32 $0x108;
	_ =	swait.ge @!p0 [sflag:s8], $0x0  }
0x24: {  	s3 =	sadd.s32 $0x88, s3;
	s6 =	simm.s32 @!p1 $0x1082;
	[sflag:s4] =	ssyncset.s32 $0xFFFFF086  }
0x25: {  	[simem:s6], [sflag:s4] =	dma.local [hbm:s3], $0xF7A  }
0x26: {  	[smem:$0x3F9F] =	sst s1;
	(tag) =	ssettag s2;
	_ =	strace s9  }
0x27: {  	s1 =	sld [smem:$0x3FAF]  }
0x28: {  	s2 =	sld [smem:$0x3FB0]  }
0x29: {  	s4 =	sld [smem:$0x3FB2]  }
0x2a: {  	p0 =	seq.s32 s5, $0x0;
	s5 =	sld [smem:$0x3FB3]  }
0x2b: {  	s6 =	sld [smem:$0x3FB4]  }
0x2c: {  	s7 =	sld [smem:$0x3FB5]  }
0x2d: {  	s3 =	simm.s32 $0x108;
	s8 =	sld [smem:$0x3FB6]  }
0x2e: {  	s3 =	simm.s32 @!p0 $0x1082;
	s9 =	sld [smem:$0x3FB7]  }
0x2f: {  	lr =	sadd.s32 s0, s3;
	s0 =	sld [smem:$0x3FAE]  }
0x30: {  	s3 =	sld [smem:$0x3FB1]  }
0x31: {  	[smem:$0x3FBA] =	sst s10  }
0x32: {  	s10 =	sld [smem:$0x3FB8];
	_ =	sdelay $0x3  }
0x33: {  	p0 =	seq.s32 s10, $0x1;
	s10 =	sld [smem:$0x3FBA];
	_ =	sdelay $0x3  }
0x34: {  	[smem:$0x3FBA] =	sst s10  }
0x35: {  	s10 =	sld [smem:$0x3FB9];
	_ =	sdelay $0x3  }
0x36: {  	p1 =	seq.s32 s10, $0x1;
	s10 =	sld [smem:$0x3FBA];
	_ =	sdelay $0x3  }
0x37: {  	[smem:$0x3FBA] =	sst s10  }
0x38: {  	s10 =	sld [smem:$0x3FBB]  }
0x39: {  	_ = 	snop;
	(pc) =	sbr.ind lr, $3  }
0x3a: {  	_ = 	snop  }
0x3b: {  	_ = 	snop  }
0x3c: {  	p2 =	seq.s32 s10, $0x1;
	s10 =	sld [smem:$0x3FBA]  }
0x3d: {  	_ =	shalt  }
0x3e: {  	_ =	shalt  }
0x3f: {  	_ =	shalt  }
0x40: {  	_ =	shalt  }
0x41: {  	_ =	shalt  }
0x42: {  	_ =	shalt  }
0x43: {  	_ =	shalt  }
0x44: {  	_ =	shalt  }
0x45: {  	_ =	shalt  }
0x46: {  	_ =	shalt  }
0x47: {  	_ =	shalt  }
0x48: {  	_ =	shalt  }
0x49: {  	_ =	shalt  }
0x4a: {  	_ =	shalt  }
0x4b: {  	_ =	shalt  }
0x4c: {  	_ =	shalt  }
0x4d: {  	_ =	shalt  }
0x4e: {  	_ =	shalt  }
0x4f: {  	_ =	shalt  }
0x50: {  	_ =	shalt  }
0x51: {  	_ =	shalt  }
0x52: {  	_ =	shalt  }
0x53: {  	_ =	shalt  }
0x54: {  	_ =	shalt  }
0x55: {  	_ =	shalt  }
0x56: {  	_ =	shalt  }
0x57: {  	_ =	shalt  }
0x58: {  	_ =	shalt  }
0x59: {  	_ =	shalt  }
0x5a: {  	_ =	shalt  }
0x5b: {  	_ =	shalt  }
0x5c: {  	_ =	shalt  }
0x5d: {  	_ =	shalt  }
0x5e: {  	_ =	shalt  }
0x5f: {  	_ =	shalt  }
0x60: {  	_ =	shalt  }
0x61: {  	_ =	shalt  }
0x62: {  	_ =	shalt  }
0x63: {  	_ =	shalt  }
0x64: {  	_ =	shalt  }
0x65: {  	_ =	shalt  }
0x66: {  	_ =	shalt  }
0x67: {  	_ =	shalt  }
0x68: {  	_ =	shalt  }
0x69: {  	_ =	shalt  }
0x6a: {  	_ =	shalt  }
0x6b: {  	_ =	shalt  }
0x6c: {  	_ =	shalt  }
0x6d: {  	_ =	shalt  }
0x6e: {  	_ =	shalt  }
0x6f: {  	_ =	shalt  }
0x70: {  	_ =	shalt  }
0x71: {  	_ =	shalt  }
0x72: {  	_ =	shalt  }
0x73: {  	_ =	shalt  }
0x74: {  	_ =	shalt  }
0x75: {  	_ =	shalt  }
0x76: {  	_ =	shalt  }
0x77: {  	_ =	shalt  }
0x78: {  	_ =	shalt  }
0x79: {  	_ =	shalt  }
0x7a: {  	_ =	shalt  }
0x7b: {  	_ =	shalt  }
0x7c: {  	_ =	shalt  }
0x7d: {  	_ =	shalt  }
0x7e: {  	_ =	shalt  }
0x7f: {  	_ =	shalt  }
0x80: {  	_ =	shalt  }
0x81: {  	_ =	shalt  }
0x82: {  	_ =	shalt  }
0x83: {  	_ =	shalt  }
0x84: {  	_ =	shalt  }
0x85: {  	_ =	shalt  }
0x86: {  	_ =	shalt  }
0x87: {  	_ =	shalt  }
.Lfunc_end0:
.L_simem_size_0:
called_computation_lowered:
.L_overlay_start_0:
0x88: {  	s2 =	sld [smem:$0x3FD9]  }
0x89: {  	s3 =	sld [smem:$0x3FFE];
	_ =	sdelay $0x1  }
0x8a: {  	s1 =	srdreg.scid  }
0x8b: {  	s0 =	sand.u32 $0x1, s1  }
0x8c: {  	s17 =	sshll.u32 s0, $0xA;
	s2 =	sadd.s32 s3, s2  }
0x8d: {  	s2 =	sadd.s32 s2, s17  }
0x8e: {  	[smem:$0x3FC6] =	sst s2  }
0x8f: {  	_ = 	snop  }
0x90: {  	s2 =	sld [smem:$0x3FC9]  }
0x91: {  	s18 =	sld [smem:$0x3FC8];
	(tm) =	ssettm $0x1  }
0x92: {  	s4 =	sld [smem:$0x3FFB];
	_ =	sdelay $0x3  }
0x93: {  	_ =	strace s4  }
0x94: {  	s4 =	sld [smem:$0x3FFC];
	_ =	sdelay $0x3  }
0x95: {  	_ =	strace s4  }
0x96: {  	s4 =	sld [smem:$0x3FFD];
	_ =	sdelay $0x3  }
0x97: {  	_ =	strace s4  }
0x98: {  	_ =	strace $0x8FFFFFFF  }
0x99: {  	s19 =	sld [smem:$0x3FDB];
	_ =	sdelay $0x1  }
0x9a: {  	s5 =	simm.s32 $_scs_section_size  }
0x9b: {  	s6 =	simm.s32 $_size__tile_overlayer_lowered;
	s7 =	simm.s32 $_tile_overlayer_lowered  }
0x9c: {  	s22 =	simm.s32 $0x1BFF;
	s21 =	sshll.u32 s7, $0x1;
	s4 =	sadd.s32 s5, s19  }
0x9d: {  	s8 =	simm.s32 $0x0;
	s20 =	sshll.u32 s6, $0x1;
	s6 =	sadd.s32 s21, s4  }
0x9e: {  	[timem:s8], [sflag:s22] =	dma.local [hbm:s6], s20  }
0x9f: {  	_ =	swait.ge [sflag:s22], s20  }
0xa0: {  	s5 =	ssub.s32 $0x0, s20;
	[sflag:s22] =	ssyncset.done $0x0  }
0xa1: {  	[sflag:s22] =	ssyncadd.s32 s5;
	_ =	sdelay $0x1  }
0xa2: {  	s23 =	simm.s32 $0x1B8B  }
0xa3: {  	_ =	swait.ge [sflag:s23], $0x1  }
0xa4: {  	[sflag:s23] =	ssyncset.done $0x0  }
0xa5: {  	s25 =	simm.s32 $0x1B8E;
	s24 =	sld [smem:$0x3FFE];
	[sflag:s23] =	ssyncadd.s32 $0xFFFFFFFF  }
0xa6: {  	s26 =	simm.s32 $execute0_lowered;
	[smem:$0x3FD2] =	sst s25  }
0xa7: {  	s6 =	sshll.u32 s26, $0x1;
	_ =	strace $0x80000046;
	[dreg:$0x1] =	wrdreg $0xFFFFFFFF  }
0xa8: {  	s28 =	simm.s32 $_size_execute0_lowered;
	s4 =	sadd.s32 s4, s6;
	[dreg:$0x0] =	wrdreg $0x0  }
0xa9: {  	s6 =	sshll.u32 s28, $0x1;
	[dreg:$0x2] =	wrdreg s4  }
0xaa: {  	[dreg:$0x3] =	wrdreg s6  }
0xab: {  	[dreg:$0x4] =	wrdreg $0xC0  }
0xac: {  	_ =	task [dreg:s8], $0x5FFFF  }
0xad: {  	[dreg:$0x1] =	wrdreg $0xFFFFFFFF  }
0xae: {  	[dreg:$0x0] =	wrdreg $0x60  }
0xaf: {  	[dreg:$0x2] =	wrdreg s2  }
0xb0: {  	[dreg:$0x3] =	wrdreg s18  }
0xb1: {  	[dreg:$0x4] =	wrdreg s24  }
0xb2: {  	[dreg:$0x5] =	wrdreg $0x9  }
0xb3: {  	_ =	task.clear_ibuf [dreg:s8], $0x6FFFF;
	_ =	strace $0x90000046  }
0xb4: {  	s29 =	simm.s32 $0x9;
	_ =	strace $0x80000048  }
0xb5: {  	_ =	swait.ge [sflag:s29], $0x1  }
0xb6: {  	[sflag:s29] =	ssyncadd.s32 $0xFFFFFFFF  }
0xb7: {  	_ =	strace $0x90000048  }
0xb8: {  	_ =	sfence  }
0xb9: {  	s30 =	sld [smem:$0x0];
	_ =	sdelay $0x2  }
0xba: {  	s31 =	sshll.u32 s1, $0xD;
	s1 =	sshrl.u32 s1, $0x2  }
0xbb: {  	s3 =	sand.u32 $0x4000, s31;
	s1 =	sadd.s32 s1, s30  }
0xbc: {  	s0 =	sor.u32 s3, s0;
	s1 =	sshll.u32 s1, $0x11  }
0xbd: {  	s0 =	sor.u32 s1, s0  }
0xbe: {  	s0 =	sadd.s32 $0x8F2B, s0  }
0xbf: {  	[sflag:s0] =	ssyncadd.remote.s32 $0x1  }
0xc0: {  	_ =	sfence.sel $0xFFFF  }
0xc1: {  	[dreg:$0x0] =	wrdreg $0xFFFFFFFF;
	(pc) =	sbr.abs _section_cstart, $3  }
0xc2: {  	[dreg:$0x1] =	wrdreg $0xFFFFFFFF  }
0xc3: {  	_ =	task.clear_ibuf [dreg:s8], $0x2FFFF;
	_ =	strace $0x9FFFFFFF  }
0xc4: {  	(tm) =	ssettm $0x7FFFFFFF  }
0xc5: {  	_ =	shalt  }
tec
execute0_lowered:
.L_overlay_start_1:
0x0: {  	(tag) =	ssettag $0x1  }
0x1: {  	s13 =	rddreg [dreg:$0x0]  }
0x2: {  	s14 =	rddreg [dreg:$0x1];
	s1 =	srdreg.scid  }
0x3: {  	s0 =	stileid.u32;
	s3 =	rddreg [dreg:$0x2];
	s2 =	simm.s32 $0x0  }
0x4: {  	s19 =	simm.s32 $0xC000;
	s20 =	simm.s32 $0x1;
	s21 =	simm.s32 $0x3  }
0x5: {  	s22 =	simm.s32 $0x2;
	s23 =	simm.s32 $0x4;
	s25 =	simm.s32 $0x5  }
0x6: {  	s26 =	simm.s32 $0x0;
	s4 =	sand.u32 $0x1, s1;
	s5 =	sshll.u32 s0, $0x1  }
0x7: {  	[smem:$0x7FF] =	sst s2;
	s6 =	sshll.u32 s0, $0xC;
	s5 =	sor.u32 s4, s5  }
0x8: {  	_ =	strace $0x80000047;
	s6 =	sand.u32 $0x8000, s6;
	s4 =	ssub.s32 $0x2, s4  }
0x9: {  	s7 =	sshll.u32 s5, $0xB;
	s5 =	sshll.u32 s5, $0x6;
	s29 =	sshrl.u32 s4, $0x1  }
0xa: {  	s7 =	sand.u32 $0x7800, s7;
	s15 =	sadd.s32 s5, s3;
	s16 =	ssub.s32 s4, s29  }
0xb: {  	s12 =	sor.u32 s6, s7;
	s15 =	sadd.s32 $0x200, s15;
	s16 =	smax.u32 s16, $0x1  }
0xc: {  	s30 =	sor.u32 $0xA0000, s12;
	s6 =	sor.u32 $0xB0000, s12;
	s8 =	sor.u32 $0xC0000, s12  }
0xd: {  	s10 =	sor.u32 $0xD0000, s12;
	s17 =	sor.u32 $0xE0000, s12;
	s18 =	sor.u32 $0xF0000, s12  }
0xe: {  	s31 =	sadd.s32 s13, s30;
	s4 =	sadd.s32 s14, s30;
	s5 =	sadd.s32 s13, s6  }
0xf: {  	s6 =	sadd.s32 s14, s6;
	s7 =	sadd.s32 s13, s8;
	s8 =	sadd.s32 s14, s8  }
0x10: {  	s9 =	sadd.s32 s13, s10;
	s10 =	sadd.s32 s14, s10;
	s11 =	sadd.s32 s13, s17  }
0x11: {  	s12 =	sadd.s32 s14, s17;
	s13 =	sadd.s32 s13, s18;
	s14 =	sadd.s32 s14, s18  }
0x12: {  	v0 =	vimm.f32 $0.0e+00;
	s17 =	simm.s32 $0x8000;
	s18 =	simm.s32 $0x4000;
	[dreg:$0x4] =	wrdreg s31  }
.LBB2_1:
0x13: {  	s0 =	rddreg [dreg:$0x4]  }
0x14: {  	[tilespmem:s2], [sflag:$0x1] =	stream.linear.gather [hbm4b:s0+s2], $0x4000, $0x38;
	[tilespmem:$0x10200] =	vst v63  }
0x15: {  	_ = 	snop  }
0x16: {  	[tilespmem:s17], [sflag:$0x3] =	stream.linear.gather [hbm4b:s4+s2], $0x4000, $0x38;
	[tilespmem:$0x10200] =	vst v63  }
0x17: {  	_ = 	snop  }
0x18: {  	[tilespmem:s18], [sflag:$0x2] =	stream.linear.gather [hbm4b:s5+s2], $0x4000, $0x38;
	[tilespmem:$0x10200] =	vst v63  }
0x19: {  	_ = 	snop  }
0x1a: {  	[tilespmem:s19], [sflag:$0x4] =	stream.linear.gather [hbm4b:s6+s2], $0x4000, $0x38;
	[tilespmem:$0x10200] =	vst v63  }
0x1b: {  	_ =	swait.ge [sflag:s20], $0x4000  }
0x1c: {  	s28 =	simm.s32 $0x0;
	s29 =	sand.u32 $0xC00, s2;
	[sflag:s20] =	ssyncset.done $0x0  }
0x1d: {  	s30 =	simm.s32 $0x0;
	s28 =	sand.u32 $0x3000, s28;
	[sflag:s20] =	ssyncadd.s32 $0xFFFFC000  }
0x1e: {  	s28 =	sor.u32 s29, s28;
	s29 =	sand.u32 $0x380, s30;
	_ =	swait.ge [sflag:s21], $0x4000  }
0x1f: {  	s30 =	sand.u32 $0x40, s2;
	s28 =	sor.u32 s29, s28;
	[sflag:s21] =	ssyncset.done $0x0  }
0x20: {  	s29 =	sor.u32 s30, s28;
	[sflag:s21] =	ssyncadd.s32 $0xFFFFC000  }
0x21: {  	v1 =	vld [tilespmem:s29+$0x8030]  }
0x22: {  	v3 =	vld [tilespmem:s29+$0x30]  }
0x23: {  	v2 =	vld [tilespmem:s29+$0x8010]  }
0x24: {  	v4 =	vld [tilespmem:s29+$0x8000]  }
0x25: {  	v6 =	vld [tilespmem:s29+$0x0]  }
0x26: {  	v5 =	vld [tilespmem:s29+$0x10]  }
0x27: {  	v8 =	vld [tilespmem:s29+$0x8020]  }
0x28: {  	v10 =	vld [tilespmem:s29+$0x20];
	_ =	sdelay $0x1  }
0x29: {  	v20 =	vimm.f32 $0.0e+00;
	v21 =	vimm.f32 $0.0e+00;
	s30 =	simm.s32 $0x40;
	s28 =	simm.s32 $0x200  }
0x2a: {  	s31 =	simm.s32 $0x10;
	v17 =	vimm.f32 $0.0e+00;
	s29 =	sand.u32 $0x3000, s30;
	s30 =	sand.u32 $0xC00, s28;
	vm0 =	vgt.f32 v1, $1.000000010e-01;
	v1 =	vmul.f32 v3, v3  }
0x2b: {  	s31 =	sand.u32 $0x380, s31;
	s30 =	sor.u32 s30, s29;
	s29 =	simm.s32 $0x40;
	vm1 =	vgt.f32 v2, $1.000000010e-01;
	vm2 =	vgt.f32 v4, $1.000000010e-01;
	v19 =	vmul.f32 v6, v6  }
0x2c: {  	s1 =	sand.u32 $0x40, s29;
	s30 =	sor.u32 s31, s30;
	v15 =	vadd.f32 v5, v0;
	vm15 =	vgt.f32 v8, $1.000000010e-01;
	v24 =	vmul.f32 v10, v10  }
0x2d: {  	s30 =	sor.u32 s1, s30;
	v2 =	vnsel vm0, $0x0, v3;
	v4 =	vsel vm2, $0x3F800000, v0;
	v9 =	vnsel vm2, $0x0, v6  }
0x2e: {  	v18 =	vld [tilespmem:s30+$0x8030];
	v7 =	vsel vm1, $0x3F800000, v0;
	v3 =	vadd.f32 v3, v0;
	v12 =	vadd.f32 v1, v0  }
0x2f: {  	v11 =	vld [tilespmem:s30+$0x30];
	v16 =	vnsel vm15, $0x0, v10;
	v13 =	vadd.f32 v2, v0;
	v7 =	vadd.f32 v7, v0  }
0x30: {  	v23 =	vld [tilespmem:s30+$0x8010];
	v1 =	vsel vm0, $0x3F800000, v0;
	v8 =	vadd.f32 v4, v0;
	v4 =	vadd.f32 v10, v0  }
0x31: {  	v22 =	vld [tilespmem:s30+$0x8000];
	v2 =	vadd.f32 v1, v0;
	v1 =	vadd.f32 v9, v0;
	v9 =	vmul.f32 v5, v5  }
0x32: {  	v14 =	vld [tilespmem:s30+$0x20];
	v10 =	vadd.f32 v6, v0;
	v6 =	vadd.f32 v16, v0;
	v5 =	vnsel vm1, $0x0, v5  }
0x33: {  	s31 =	simm.s32 $0x2;
	v25 =	vsel vm15, $0x3F800000, v0;
	v16 =	vld [tilespmem:s30+$0x0];
	v5 =	vadd.f32 v5, v0;
	v9 =	vadd.f32 v9, v0  }
.LBB2_2:
0x34: {  	s1 =	sshll.u32 s31, $0x6  }
0x35: {  	v26 =	vld [tilespmem:s30+$0x10];
	s28 =	sadd.s32 $0x200, s28;
	v20 =	vadd.f32 v19, v20;
	v21 =	vadd.f32 v25, v21;
	s0 =	smov.u32 s31;
	s24 =	sadd.s32 $0x1, s31  }
0x36: {  	vm1 =	vgt.f32 v18, $1.000000010e-01;
	v18 =	vmul.f32 v11, v11;
	s1 =	sand.u32 $0x3000, s1;
	s3 =	sand.u32 $0xC00, s28;
	s0 =	sshll.u32 s0, $0x4;
	vm0 =	vgt.f32 v23, $1.000000010e-01;
	v23 =	vld [tilespmem:s30+$0x8020]  }
0x37: {  	s29 =	sadd.s32 $0x40, s29;
	v17 =	vadd.f32 v24, v17;
	s1 =	sor.u32 s3, s1;
	s0 =	sand.u32 $0x380, s0;
	vm2 =	vgt.f32 v22, $1.000000010e-01;
	v22 =	vnsel vm1, $0x0, v11  }
0x38: {  	p0 =	sne.s32 s31, $0xFF;
	v25 =	vsel vm1, $0x3F800000, v0;
	s3 =	sand.u32 $0x40, s29;
	v12 =	vadd.f32 v18, v12;
	s0 =	sor.u32 s0, s1;
	v24 =	vsel vm2, $0x3F800000, v0  }
0x39: {  	v13 =	vadd.f32 v22, v13;
	s30 =	sor.u32 s3, s0;
	v19 =	vmul.f32 v16, v16;
	v27 =	vnsel vm2, $0x0, v16  }
0x3a: {  	v2 =	vadd.f32 v25, v2;
	v22 =	vsel vm0, $0x3F800000, v0;
	v18 =	vld [tilespmem:s30+$0x8030];
	v15 =	vadd.f32 v26, v15  }
.Ltmp0:
0x3b: {  	v3 =	vadd.f32 v11, v3;
	v7 =	vadd.f32 v22, v7;
	vm1 =	vgt.f32 v23, $1.000000010e-01;
	v11 =	vld [tilespmem:s30+$0x30];
	(pc) =	sbr.rel @p0 .LBB2_2-.Ltmp0, $4  }
0x3c: {  	v1 =	vadd.f32 v27, v1;
	v25 =	vmul.f32 v26, v26;
	v23 =	vld [tilespmem:s30+$0x8010];
	v27 =	vnsel vm1, $0x0, v14  }
0x3d: {  	v4 =	vadd.f32 v14, v4;
	v8 =	vadd.f32 v24, v8;
	v24 =	vnsel vm0, $0x0, v26;
	v22 =	vld [tilespmem:s30+$0x8000]  }
0x3e: {  	v5 =	vadd.f32 v24, v5;
	v24 =	vmul.f32 v14, v14;
	v9 =	vadd.f32 v25, v9;
	v14 =	vld [tilespmem:s30+$0x20]  }
0x3f: {  	s31 =	smov.u32 s24;
	v10 =	vadd.f32 v16, v10;
	v25 =	vsel vm1, $0x3F800000, v0;
	v6 =	vadd.f32 v27, v6;
	v16 =	vld [tilespmem:s30+$0x0]  }
0x40: {  	v26 =	vld [tilespmem:s30+$0x10];
	s0 =	simm.s32 $0x0  }
0x41: {  	v27 =	vld [tilespmem:s30+$0x8020];
	[tilespmem:s0], [sflag:$0x1] =	stream.linear.gather [hbm4b:s7+s0], $0x4000, $0x38  }
0x42: {  	_ = 	snop  }
0x43: {  	[tilespmem:s17], [sflag:$0x3] =	stream.linear.gather [hbm4b:s8+s0], $0x4000, $0x38;
	[tilespmem:$0x10200] =	vst v63  }
0x44: {  	_ =	swait.ge [sflag:s22], $0x4000  }
0x45: {  	v19 =	vadd.f32 v19, v20;
	v20 =	vadd.f32 v25, v21;
	vm1 =	vgt.f32 v18, $1.000000010e-01;
	s3 =	simm.s32 $0x0;
	s24 =	simm.s32 $0x0;
	[sflag:s22] =	ssyncset.done $0x0  }
0x46: {  	v18 =	vmul.f32 v11, v11;
	v17 =	vadd.f32 v24, v17;
	v25 =	vadd.f32 v11, v3;
	s1 =	sand.u32 $0x40, s0;
	s0 =	sand.u32 $0xC00, s0;
	[sflag:s22] =	ssyncadd.s32 $0xFFFFC000  }
0x47: {  	vm0 =	vgt.f32 v23, $1.000000010e-01;
	v21 =	vnsel vm1, $0x0, v11;
	s3 =	sand.u32 $0x3000, s3;
	vm2 =	vgt.f32 v22, $1.000000010e-01;
	s0 =	sor.u32 s0, s1;
	_ =	swait.ge [sflag:s23], $0x4000  }
0x48: {  	s24 =	sand.u32 $0x380, s24;
	v12 =	vadd.f32 v18, v12;
	v18 =	vsel vm1, $0x3F800000, v0;
	v13 =	vadd.f32 v21, v13;
	s0 =	sor.u32 s3, s0;
	[sflag:s23] =	ssyncset.done $0x0  }
0x49: {  	v21 =	vsel vm0, $0x3F800000, v0;
	v22 =	vsel vm2, $0x3F800000, v0;
	v18 =	vadd.f32 v18, v2;
	s0 =	sor.u32 s24, s0;
	[sflag:s23] =	ssyncadd.s32 $0xFFFFC000  }
0x4a: {  	v7 =	vadd.f32 v21, v7;
	v23 =	vmul.f32 v16, v16;
	v24 =	vnsel vm2, $0x0, v16;
	v21 =	vld [tilespmem:s0+$0xC030]  }
0x4b: {  	v8 =	vadd.f32 v22, v8;
	v22 =	vadd.f32 v14, v4;
	vm11 =	vgt.f32 v27, $1.000000010e-01;
	v27 =	vld [tilespmem:s0+$0x4030]  }
0x4c: {  	v10 =	vadd.f32 v16, v10;
	v15 =	vadd.f32 v26, v15;
	v2 =	vmul.f32 v26, v26;
	v3 =	vld [tilespmem:s0+$0xC010]  }
0x4d: {  	v24 =	vadd.f32 v24, v1;
	v11 =	vnsel vm0, $0x0, v26;
	v1 =	vnsel vm11, $0x0, v14;
	v4 =	vld [tilespmem:s0+$0xC000]  }
0x4e: {  	v5 =	vadd.f32 v11, v5;
	v11 =	vmul.f32 v14, v14;
	v19 =	vadd.f32 v23, v19;
	v26 =	vld [tilespmem:s0+$0x4010]  }
0x4f: {  	v9 =	vadd.f32 v2, v9;
	v2 =	vadd.f32 v1, v6;
	v1 =	vsel vm11, $0x3F800000, v0;
	v29 =	vld [tilespmem:s0+$0x4000]  }
0x50: {  	s1 =	simm.s32 $0x200;
	s24 =	simm.s32 $0x40;
	v1 =	vadd.f32 v1, v20;
	v28 =	vadd.f32 v11, v17;
	v30 =	vld [tilespmem:s0+$0x4020]  }
0x51: {  	s1 =	sand.u32 $0xC00, s1;
	s3 =	sand.u32 $0x40, s24;
	s24 =	simm.s32 $0x40;
	vm12 =	vgt.f32 v3, $1.000000010e-01;
	vm13 =	vgt.f32 v21, $1.000000010e-01;
	v3 =	vmul.f32 v27, v27  }
0x52: {  	s28 =	simm.s32 $0x10;
	s24 =	sand.u32 $0x3000, s24;
	s1 =	sor.u32 s1, s3;
	vm14 =	vgt.f32 v4, $1.000000010e-01;
	v6 =	vsel vm12, $0x3F800000, v0;
	v21 =	vnsel vm13, $0x0, v27  }
0x53: {  	s3 =	sand.u32 $0x380, s28;
	s1 =	sor.u32 s24, s1;
	v11 =	vsel vm13, $0x3F800000, v0;
	v16 =	vadd.f32 v3, v12;
	v3 =	vnsel vm12, $0x0, v26  }
0x54: {  	s28 =	sor.u32 s3, s1;
	v31 =	vld [tilespmem:s0+$0xC020];
	v14 =	vadd.f32 v11, v18;
	v11 =	vsel vm14, $0x3F800000, v0;
	v4 =	vadd.f32 v6, v7  }
0x55: {  	v17 =	vld [tilespmem:s28+$0x4030];
	v12 =	vmul.f32 v29, v29;
	v6 =	vadd.f32 v21, v13;
	v13 =	vadd.f32 v30, v22  }
0x56: {  	v20 =	vld [tilespmem:s28+$0xC030];
	v3 =	vadd.f32 v3, v5;
	v5 =	vadd.f32 v11, v8;
	v8 =	vmul.f32 v26, v26  }
0x57: {  	v23 =	vld [tilespmem:s28+$0xC010];
	v7 =	vadd.f32 v27, v25;
	v22 =	vmul.f32 v30, v30;
	v11 =	vadd.f32 v26, v15  }
0x58: {  	v21 =	vld [tilespmem:s28+$0xC000];
	v15 =	vnsel vm14, $0x0, v29;
	v12 =	vadd.f32 v12, v19;
	v8 =	vadd.f32 v8, v9  }
0x59: {  	vm15 =	vgt.f32 v31, $1.000000010e-01;
	v18 =	vld [tilespmem:s28+$0x4000];
	v9 =	vadd.f32 v29, v10;
	v10 =	vadd.f32 v15, v24  }
0x5a: {  	s31 =	simm.s32 $0x2;
	s29 =	simm.s32 $0x400;
	s30 =	simm.s32 $0x80;
	v25 =	vmovc v17;
	v19 =	vld [tilespmem:s28+$0x4010];
	v15 =	vadd.f32 v22, v28;
	v24 =	vnsel vm15, $0x0, v30;
	v22 =	vsel vm15, $0x3F800000, v0  }
.LBB2_4:
0x5b: {  	s0 =	sand.u32 $0x40, s30  }
0x5c: {  	s1 =	sshll.u32 s31, $0x6;
	s3 =	sand.u32 $0xC00, s29;
	vm0 =	vgt.f32 v23, $1.000000010e-01;
	vm1 =	vgt.f32 v20, $1.000000010e-01;
	v20 =	vmul.f32 v25, v17;
	s24 =	smov.u32 s31  }
0x5d: {  	s1 =	sand.u32 $0x3000, s1;
	s24 =	sshll.u32 s31, $0x4;
	s0 =	sor.u32 s3, s0;
	v23 =	vsel vm0, $0x3F800000, v0;
	v26 =	vnsel vm1, $0x0, v17;
	v25 =	vsel vm1, $0x3F800000, v0  }
0x5e: {  	v2 =	vadd.f32 v24, v2;
	vm1 =	vgt.f32 v21, $1.000000010e-01;
	s3 =	sand.u32 $0x380, s24;
	s0 =	sor.u32 s1, s0;
	s1 =	sadd.s32 $0x1, s31;
	v27 =	vld [tilespmem:s28+$0x4020];
	v16 =	vadd.f32 v20, v16;
	v24 =	vmovc v18  }
0x5f: {  	p0 =	sne.s32 s31, $0xFF;
	v1 =	vadd.f32 v22, v1;
	v14 =	vadd.f32 v25, v14;
	v21 =	vnsel vm0, $0x0, v19;
	v28 =	vld [tilespmem:s28+$0xC020];
	s28 =	sor.u32 s3, s0  }
0x60: {  	v22 =	vsel vm1, $0x3F800000, v0;
	v4 =	vadd.f32 v23, v4;
	v20 =	vld [tilespmem:s28+$0xC030];
	v3 =	vadd.f32 v21, v3  }
0x61: {  	v29 =	vmul.f32 v18, v24;
	v5 =	vadd.f32 v22, v5;
	v11 =	vadd.f32 v19, v11;
	v25 =	vld [tilespmem:s28+$0x4030]  }
.Ltmp1:
0x62: {  	v6 =	vadd.f32 v26, v6;
	v22 =	vnsel vm1, $0x0, v24;
	v19 =	vmul.f32 v19, v19;
	v23 =	vld [tilespmem:s28+$0xC010];
	(pc) =	sbr.rel @p0 .LBB2_4-.Ltmp1, $4  }
0x63: {  	v7 =	vadd.f32 v17, v7;
	v21 =	vld [tilespmem:s28+$0xC000];
	v13 =	vadd.f32 v27, v13  }
0x64: {  	v12 =	vadd.f32 v29, v12;
	v8 =	vadd.f32 v19, v8;
	v26 =	vmul.f32 v27, v27;
	v18 =	vld [tilespmem:s28+$0x4000]  }
0x65: {  	v9 =	vadd.f32 v24, v9;
	v10 =	vadd.f32 v22, v10;
	vm0 =	vgt.f32 v28, $1.000000010e-01;
	v19 =	vld [tilespmem:s28+$0x4010]  }
0x66: {  	s29 =	sadd.s32 $0x200, s29;
	s30 =	sadd.s32 $0x40, s30;
	s31 =	smov.u32 s1;
	v15 =	vadd.f32 v26, v15;
	v24 =	vnsel vm0, $0x0, v27;
	v22 =	vsel vm0, $0x3F800000, v0;
	v17 =	vmovc v25  }
0x67: {  	v26 =	vld [tilespmem:s28+$0x4020];
	s0 =	simm.s32 $0x0  }
0x68: {  	v27 =	vld [tilespmem:s28+$0xC020];
	[tilespmem:s18], [sflag:$0x2] =	stream.linear.gather [hbm4b:s9+s0], $0x4000, $0x38  }
0x69: {  	_ = 	snop  }
0x6a: {  	[tilespmem:s19], [sflag:$0x4] =	stream.linear.gather [hbm4b:s10+s0], $0x4000, $0x38;
	[tilespmem:$0x10200] =	vst v63  }
0x6b: {  	_ =	swait.ge [sflag:s20], $0x4000  }
0x6c: {  	s1 =	simm.s32 $0x0;
	s24 =	simm.s32 $0x0;
	[sflag:s20] =	ssyncset.done $0x0  }
0x6d: {  	vm1 =	vgt.f32 v20, $1.000000010e-01;
	v20 =	vmul.f32 v25, v17;
	s1 =	sand.u32 $0x3000, s1;
	s3 =	sand.u32 $0xC00, s0;
	[sflag:s20] =	ssyncadd.s32 $0xFFFFC000  }
0x6e: {  	vm0 =	vgt.f32 v23, $1.000000010e-01;
	v7 =	vadd.f32 v17, v7;
	v25 =	vnsel vm1, $0x0, v17;
	s24 =	sand.u32 $0x380, s24;
	s1 =	sor.u32 s3, s1;
	_ =	swait.ge [sflag:s21], $0x4000  }
0x6f: {  	vm2 =	vgt.f32 v21, $1.000000010e-01;
	v21 =	vsel vm1, $0x3F800000, v0;
	v16 =	vadd.f32 v20, v16;
	s0 =	sand.u32 $0x40, s0;
	s1 =	sor.u32 s24, s1;
	[sflag:s21] =	ssyncset.done $0x0  }
0x70: {  	v20 =	vadd.f32 v24, v2;
	v14 =	vadd.f32 v21, v14;
	v2 =	vnsel vm0, $0x0, v19;
	s0 =	sor.u32 s0, s1;
	[sflag:s21] =	ssyncadd.s32 $0xFFFFC000  }
0x71: {  	v21 =	vadd.f32 v22, v1;
	v1 =	vsel vm2, $0x3F800000, v0;
	v24 =	vadd.f32 v2, v3;
	v3 =	vld [tilespmem:s0+$0x8030]  }
0x72: {  	v6 =	vadd.f32 v25, v6;
	v25 =	vadd.f32 v18, v9;
	v2 =	vmul.f32 v18, v18;
	v22 =	vld [tilespmem:s0+$0x30]  }
0x73: {  	v28 =	vadd.f32 v1, v5;
	v5 =	vadd.f32 v19, v11;
	v1 =	vmul.f32 v19, v19;
	v11 =	vld [tilespmem:s0+$0x8010]  }
0x74: {  	v13 =	vadd.f32 v26, v13;
	vm11 =	vgt.f32 v27, $1.000000010e-01;
	v2 =	vadd.f32 v2, v12;
	v12 =	vld [tilespmem:s0+$0x8000]  }
0x75: {  	v17 =	vadd.f32 v1, v8;
	v1 =	vmul.f32 v26, v26;
	v9 =	vnsel vm11, $0x0, v26;
	v26 =	vld [tilespmem:s0+$0x0]  }
0x76: {  	v27 =	vadd.f32 v9, v20;
	v9 =	vld [tilespmem:s0+$0x10]  }
0x77: {  	v1 =	vadd.f32 v1, v15;
	v15 =	vld [tilespmem:s0+$0x8020]  }
0x78: {  	v23 =	vsel vm0, $0x3F800000, v0;
	v19 =	vnsel vm2, $0x0, v18  }
0x79: {  	s28 =	simm.s32 $0x200;
	v4 =	vadd.f32 v23, v4;
	s24 =	simm.s32 $0x40;
	v8 =	vadd.f32 v19, v10;
	v10 =	vsel vm11, $0x3F800000, v0;
	v29 =	vld [tilespmem:s0+$0x20]  }
0x7a: {  	s3 =	sand.u32 $0xC00, s28;
	s1 =	sand.u32 $0x3000, s24;
	s24 =	simm.s32 $0x10;
	v10 =	vadd.f32 v10, v21;
	vm12 =	vgt.f32 v3, $1.000000010e-01;
	v3 =	vmul.f32 v22, v22  }
0x7b: {  	s29 =	simm.s32 $0x40;
	s1 =	sor.u32 s3, s1;
	s3 =	sand.u32 $0x380, s24;
	vm13 =	vgt.f32 v11, $1.000000010e-01;
	vm14 =	vgt.f32 v12, $1.000000010e-01;
	v21 =	vmul.f32 v26, v26  }
0x7c: {  	s24 =	sand.u32 $0x40, s29;
	s0 =	sor.u32 s3, s1;
	v19 =	vadd.f32 v9, v5;
	vm15 =	vgt.f32 v15, $1.000000010e-01;
	v7 =	vadd.f32 v22, v7  }
0x7d: {  	s30 =	sor.u32 s24, s0;
	v11 =	vnsel vm12, $0x0, v22;
	v12 =	vsel vm14, $0x3F800000, v0;
	v30 =	vnsel vm14, $0x0, v26  }
0x7e: {  	v20 =	vld [tilespmem:s30+$0x8030];
	v5 =	vsel vm13, $0x3F800000, v0;
	v63 =	vnsel vm15, $0x0, v29;
	v18 =	vadd.f32 v3, v16  }
0x7f: {  	v23 =	vld [tilespmem:s30+$0x8010];
	v3 =	vsel vm12, $0x3F800000, v0;
	v16 =	vadd.f32 v11, v6;
	v11 =	vadd.f32 v5, v4  }
0x80: {  	v15 =	vld [tilespmem:s30+$0x0];
	v5 =	vadd.f32 v30, v8;
	v6 =	vadd.f32 v3, v14;
	v14 =	vmul.f32 v9, v9  }
0x81: {  	v12 =	vadd.f32 v12, v28;
	v8 =	vadd.f32 v29, v13;
	v3 =	vld [tilespmem:s30+$0x30];
	v9 =	vnsel vm13, $0x0, v9  }
0x82: {  	v22 =	vld [tilespmem:s30+$0x8000];
	v9 =	vadd.f32 v9, v24;
	v24 =	vmul.f32 v29, v29;
	v13 =	vadd.f32 v14, v17  }
0x83: {  	s31 =	simm.s32 $0x2;
	v4 =	vld [tilespmem:s30+$0x20];
	v17 =	vadd.f32 v26, v25;
	v14 =	vadd.f32 v63, v27;
	v25 =	vsel vm15, $0x3F800000, v0  }
.LBB2_6:
0x84: {  	s0 =	sshll.u32 s31, $0x6  }
0x85: {  	v26 =	vld [tilespmem:s30+$0x10];
	s28 =	sadd.s32 $0x200, s28;
	v2 =	vadd.f32 v21, v2;
	v10 =	vadd.f32 v25, v10;
	s1 =	smov.u32 s31;
	s3 =	sadd.s32 $0x1, s31  }
0x86: {  	vm1 =	vgt.f32 v20, $1.000000010e-01;
	v20 =	vmul.f32 v3, v3;
	s0 =	sand.u32 $0x3000, s0;
	s24 =	sand.u32 $0xC00, s28;
	s1 =	sshll.u32 s1, $0x4;
	vm0 =	vgt.f32 v23, $1.000000010e-01;
	v23 =	vld [tilespmem:s30+$0x8020]  }
0x87: {  	s29 =	sadd.s32 $0x40, s29;
	v1 =	vadd.f32 v24, v1;
	s0 =	sor.u32 s24, s0;
	s1 =	sand.u32 $0x380, s1;
	vm2 =	vgt.f32 v22, $1.000000010e-01;
	v22 =	vnsel vm1, $0x0, v3  }
0x88: {  	p0 =	sne.s32 s31, $0xFF;
	v25 =	vsel vm1, $0x3F800000, v0;
	s24 =	sand.u32 $0x40, s29;
	v18 =	vadd.f32 v20, v18;
	s0 =	sor.u32 s1, s0;
	v24 =	vsel vm2, $0x3F800000, v0  }
0x89: {  	v16 =	vadd.f32 v22, v16;
	s30 =	sor.u32 s24, s0;
	v21 =	vmul.f32 v15, v15;
	v27 =	vnsel vm2, $0x0, v15  }
0x8a: {  	v6 =	vadd.f32 v25, v6;
	v22 =	vsel vm0, $0x3F800000, v0;
	v20 =	vld [tilespmem:s30+$0x8030];
	v19 =	vadd.f32 v26, v19  }
.Ltmp2:
0x8b: {  	v7 =	vadd.f32 v3, v7;
	v11 =	vadd.f32 v22, v11;
	vm1 =	vgt.f32 v23, $1.000000010e-01;
	v3 =	vld [tilespmem:s30+$0x30];
	(pc) =	sbr.rel @p0 .LBB2_6-.Ltmp2, $4  }
0x8c: {  	v5 =	vadd.f32 v27, v5;
	v25 =	vmul.f32 v26, v26;
	v23 =	vld [tilespmem:s30+$0x8010];
	v27 =	vnsel vm1, $0x0, v4  }
0x8d: {  	v8 =	vadd.f32 v4, v8;
	v12 =	vadd.f32 v24, v12;
	v24 =	vnsel vm0, $0x0, v26;
	v22 =	vld [tilespmem:s30+$0x8000]  }
0x8e: {  	v9 =	vadd.f32 v24, v9;
	v24 =	vmul.f32 v4, v4;
	v13 =	vadd.f32 v25, v13;
	v4 =	vld [tilespmem:s30+$0x20]  }
0x8f: {  	s31 =	smov.u32 s3;
	v17 =	vadd.f32 v15, v17;
	v25 =	vsel vm1, $0x3F800000, v0;
	v14 =	vadd.f32 v27, v14;
	v15 =	vld [tilespmem:s30+$0x0]  }
0x90: {  	v26 =	vld [tilespmem:s30+$0x10];
	s0 =	simm.s32 $0x0  }
0x91: {  	v27 =	vld [tilespmem:s30+$0x8020];
	[tilespmem:s0], [sflag:$0x1] =	stream.linear.gather [hbm4b:s11+s0], $0x4000, $0x38  }
0x92: {  	_ = 	snop  }
0x93: {  	[tilespmem:s17], [sflag:$0x3] =	stream.linear.gather [hbm4b:s12+s0], $0x4000, $0x38;
	[tilespmem:$0x10200] =	vst v63  }
0x94: {  	_ =	swait.ge [sflag:s22], $0x4000  }
0x95: {  	s3 =	simm.s32 $0x0;
	s24 =	simm.s32 $0x0;
	[sflag:s22] =	ssyncset.done $0x0  }
0x96: {  	v21 =	vadd.f32 v21, v2;
	v10 =	vadd.f32 v25, v10;
	vm1 =	vgt.f32 v20, $1.000000010e-01;
	s1 =	sand.u32 $0x40, s0;
	s0 =	sand.u32 $0xC00, s0;
	[sflag:s22] =	ssyncadd.s32 $0xFFFFC000  }
0x97: {  	v2 =	vmul.f32 v3, v3;
	v7 =	vadd.f32 v3, v7;
	vm0 =	vgt.f32 v23, $1.000000010e-01;
	s3 =	sand.u32 $0x3000, s3;
	s0 =	sor.u32 s0, s1;
	_ =	swait.ge [sflag:s23], $0x4000  }
0x98: {  	v20 =	vnsel vm1, $0x0, v3;
	s24 =	sand.u32 $0x380, s24;
	vm2 =	vgt.f32 v22, $1.000000010e-01;
	v22 =	vadd.f32 v24, v1;
	s0 =	sor.u32 s3, s0;
	[sflag:s23] =	ssyncset.done $0x0  }
0x99: {  	v18 =	vadd.f32 v2, v18;
	v24 =	vadd.f32 v20, v16;
	v16 =	vsel vm0, $0x3F800000, v0;
	s0 =	sor.u32 s24, s0;
	[sflag:s23] =	ssyncadd.s32 $0xFFFFC000  }
0x9a: {  	v2 =	vsel vm1, $0x3F800000, v0;
	v1 =	vsel vm2, $0x3F800000, v0;
	v11 =	vadd.f32 v16, v11;
	v16 =	vld [tilespmem:s0+$0xC030]  }
0x9b: {  	v6 =	vadd.f32 v2, v6;
	v20 =	vnsel vm2, $0x0, v15;
	v2 =	vmul.f32 v26, v26;
	v25 =	vld [tilespmem:s0+$0x4030]  }
0x9c: {  	vm11 =	vgt.f32 v27, $1.000000010e-01;
	v27 =	vadd.f32 v20, v5;
	v5 =	vadd.f32 v1, v12;
	v12 =	vld [tilespmem:s0+$0xC010]  }
0x9d: {  	v19 =	vadd.f32 v26, v19;
	v1 =	vnsel vm0, $0x0, v26;
	v26 =	vadd.f32 v2, v13;
	v13 =	vld [tilespmem:s0+$0xC000]  }
0x9e: {  	v8 =	vadd.f32 v4, v8;
	v23 =	vmul.f32 v15, v15;
	v15 =	vadd.f32 v15, v17;
	v30 =	vld [tilespmem:s0+$0x4020]  }
0x9f: {  	v3 =	vnsel vm11, $0x0, v4;
	v9 =	vadd.f32 v1, v9;
	v4 =	vmul.f32 v4, v4  }
0xa0: {  	v1 =	vsel vm11, $0x3F800000, v0;
	v29 =	vadd.f32 v23, v21;
	v2 =	vadd.f32 v3, v14;
	v28 =	vld [tilespmem:s0+$0x4010]  }
0xa1: {  	s1 =	simm.s32 $0x200;
	s24 =	simm.s32 $0x40;
	v1 =	vadd.f32 v1, v10;
	v22 =	vadd.f32 v4, v22  }
0xa2: {  	s1 =	sand.u32 $0xC00, s1;
	s3 =	sand.u32 $0x40, s24;
	s24 =	simm.s32 $0x40;
	v10 =	vld [tilespmem:s0+$0x4000];
	vm12 =	vgt.f32 v12, $1.000000010e-01;
	vm13 =	vgt.f32 v16, $1.000000010e-01;
	v3 =	vmul.f32 v25, v25  }
0xa3: {  	s28 =	simm.s32 $0x10;
	s24 =	sand.u32 $0x3000, s24;
	s1 =	sor.u32 s1, s3;
	vm14 =	vgt.f32 v13, $1.000000010e-01;
	v13 =	vadd.f32 v30, v8;
	v7 =	vadd.f32 v25, v7  }
0xa4: {  	s3 =	sand.u32 $0x380, s28;
	s1 =	sor.u32 s24, s1;
	v4 =	vsel vm12, $0x3F800000, v0;
	v12 =	vnsel vm13, $0x0, v25;
	v14 =	vsel vm13, $0x3F800000, v0  }
0xa5: {  	s28 =	sor.u32 s3, s1;
	v31 =	vld [tilespmem:s0+$0xC020];
	v16 =	vadd.f32 v3, v18;
	v3 =	vnsel vm12, $0x0, v28;
	v14 =	vadd.f32 v14, v6  }
0xa6: {  	v17 =	vld [tilespmem:s28+$0x4030];
	v6 =	vsel vm14, $0x3F800000, v0;
	v4 =	vadd.f32 v4, v11;
	v11 =	vadd.f32 v28, v19  }
0xa7: {  	v20 =	vld [tilespmem:s28+$0xC030];
	v18 =	vmul.f32 v28, v28;
	v3 =	vadd.f32 v3, v9;
	v9 =	vmul.f32 v10, v10  }
0xa8: {  	v23 =	vld [tilespmem:s28+$0xC010];
	v19 =	vnsel vm14, $0x0, v10;
	v5 =	vadd.f32 v6, v5;
	v6 =	vadd.f32 v12, v24  }
0xa9: {  	v21 =	vld [tilespmem:s28+$0xC000];
	v24 =	vmul.f32 v30, v30;
	v8 =	vadd.f32 v18, v26;
	v12 =	vadd.f32 v9, v29  }
0xaa: {  	vm15 =	vgt.f32 v31, $1.000000010e-01;
	v18 =	vld [tilespmem:s28+$0x4000];
	v9 =	vadd.f32 v10, v15;
	v10 =	vadd.f32 v19, v27  }
0xab: {  	s31 =	simm.s32 $0x2;
	s29 =	simm.s32 $0x400;
	s30 =	simm.s32 $0x80;
	v25 =	vmovc v17;
	v19 =	vld [tilespmem:s28+$0x4010];
	v15 =	vadd.f32 v24, v22;
	v24 =	vnsel vm15, $0x0, v30;
	v22 =	vsel vm15, $0x3F800000, v0  }
.LBB2_8:
0xac: {  	s0 =	sand.u32 $0x40, s30  }
0xad: {  	s1 =	sshll.u32 s31, $0x6;
	s3 =	sand.u32 $0xC00, s29;
	vm0 =	vgt.f32 v23, $1.000000010e-01;
	vm1 =	vgt.f32 v20, $1.000000010e-01;
	v20 =	vmul.f32 v25, v17;
	s24 =	smov.u32 s31  }
0xae: {  	s1 =	sand.u32 $0x3000, s1;
	s24 =	sshll.u32 s31, $0x4;
	s0 =	sor.u32 s3, s0;
	v23 =	vsel vm0, $0x3F800000, v0;
	v26 =	vnsel vm1, $0x0, v17;
	v25 =	vsel vm1, $0x3F800000, v0  }
0xaf: {  	v2 =	vadd.f32 v24, v2;
	vm1 =	vgt.f32 v21, $1.000000010e-01;
	s3 =	sand.u32 $0x380, s24;
	s0 =	sor.u32 s1, s0;
	s1 =	sadd.s32 $0x1, s31;
	v27 =	vld [tilespmem:s28+$0x4020];
	v16 =	vadd.f32 v20, v16;
	v24 =	vmovc v18  }
0xb0: {  	p0 =	sne.s32 s31, $0xFF;
	v1 =	vadd.f32 v22, v1;
	v14 =	vadd.f32 v25, v14;
	v21 =	vnsel vm0, $0x0, v19;
	v28 =	vld [tilespmem:s28+$0xC020];
	s28 =	sor.u32 s3, s0  }
0xb1: {  	v22 =	vsel vm1, $0x3F800000, v0;
	v4 =	vadd.f32 v23, v4;
	v20 =	vld [tilespmem:s28+$0xC030];
	v3 =	vadd.f32 v21, v3  }
0xb2: {  	v29 =	vmul.f32 v18, v24;
	v5 =	vadd.f32 v22, v5;
	v11 =	vadd.f32 v19, v11;
	v25 =	vld [tilespmem:s28+$0x4030]  }
.Ltmp3:
0xb3: {  	v6 =	vadd.f32 v26, v6;
	v22 =	vnsel vm1, $0x0, v24;
	v19 =	vmul.f32 v19, v19;
	v23 =	vld [tilespmem:s28+$0xC010];
	(pc) =	sbr.rel @p0 .LBB2_8-.Ltmp3, $4  }
0xb4: {  	v7 =	vadd.f32 v17, v7;
	v21 =	vld [tilespmem:s28+$0xC000];
	v13 =	vadd.f32 v27, v13  }
0xb5: {  	v12 =	vadd.f32 v29, v12;
	v8 =	vadd.f32 v19, v8;
	v26 =	vmul.f32 v27, v27;
	v18 =	vld [tilespmem:s28+$0x4000]  }
0xb6: {  	v9 =	vadd.f32 v24, v9;
	v10 =	vadd.f32 v22, v10;
	vm0 =	vgt.f32 v28, $1.000000010e-01;
	v19 =	vld [tilespmem:s28+$0x4010]  }
0xb7: {  	s29 =	sadd.s32 $0x200, s29;
	s30 =	sadd.s32 $0x40, s30;
	s31 =	smov.u32 s1;
	v15 =	vadd.f32 v26, v15;
	v24 =	vnsel vm0, $0x0, v27;
	v22 =	vsel vm0, $0x3F800000, v0;
	v17 =	vmovc v25  }
0xb8: {  	v26 =	vld [tilespmem:s28+$0x4020];
	s0 =	simm.s32 $0x0  }
0xb9: {  	v27 =	vld [tilespmem:s28+$0xC020];
	[tilespmem:s18], [sflag:$0x2] =	stream.linear.gather [hbm4b:s13+s0], $0x4000, $0x38  }
0xba: {  	_ = 	snop  }
0xbb: {  	[tilespmem:s19], [sflag:$0x4] =	stream.linear.gather [hbm4b:s14+s0], $0x4000, $0x38;
	[tilespmem:$0x10200] =	vst v63  }
0xbc: {  	_ =	swait.ge [sflag:s20], $0x4000  }
0xbd: {  	s1 =	simm.s32 $0x0;
	s24 =	simm.s32 $0x0;
	[sflag:s20] =	ssyncset.done $0x0  }
0xbe: {  	vm1 =	vgt.f32 v20, $1.000000010e-01;
	v20 =	vmul.f32 v25, v17;
	s1 =	sand.u32 $0x3000, s1;
	s3 =	sand.u32 $0xC00, s0;
	[sflag:s20] =	ssyncadd.s32 $0xFFFFC000  }
0xbf: {  	vm0 =	vgt.f32 v23, $1.000000010e-01;
	v7 =	vadd.f32 v17, v7;
	v25 =	vnsel vm1, $0x0, v17;
	s24 =	sand.u32 $0x380, s24;
	s1 =	sor.u32 s3, s1;
	_ =	swait.ge [sflag:s21], $0x4000  }
0xc0: {  	vm2 =	vgt.f32 v21, $1.000000010e-01;
	v21 =	vsel vm1, $0x3F800000, v0;
	v16 =	vadd.f32 v20, v16;
	s0 =	sand.u32 $0x40, s0;
	s1 =	sor.u32 s24, s1;
	[sflag:s21] =	ssyncset.done $0x0  }
0xc1: {  	v20 =	vadd.f32 v24, v2;
	v24 =	vadd.f32 v21, v14;
	v2 =	vnsel vm0, $0x0, v19;
	s0 =	sor.u32 s0, s1;
	[sflag:s21] =	ssyncadd.s32 $0xFFFFC000  }
0xc2: {  	v14 =	vadd.f32 v22, v1;
	v1 =	vsel vm2, $0x3F800000, v0;
	v28 =	vadd.f32 v2, v3;
	v3 =	vld [tilespmem:s0+$0x8030]  }
0xc3: {  	v29 =	vadd.f32 v1, v5;
	v5 =	vadd.f32 v19, v11;
	v2 =	vmul.f32 v18, v18;
	v11 =	vld [tilespmem:s0+$0x30]  }
0xc4: {  	v6 =	vadd.f32 v25, v6;
	v25 =	vadd.f32 v18, v9;
	v1 =	vmul.f32 v19, v19;
	v19 =	vld [tilespmem:s0+$0x8010]  }
0xc5: {  	v13 =	vadd.f32 v26, v13;
	vm11 =	vgt.f32 v27, $1.000000010e-01;
	v2 =	vadd.f32 v2, v12;
	v12 =	vld [tilespmem:s0+$0x8000]  }
0xc6: {  	v17 =	vadd.f32 v1, v8;
	v1 =	vmul.f32 v26, v26;
	v9 =	vnsel vm11, $0x0, v26;
	v26 =	vld [tilespmem:s0+$0x0]  }
0xc7: {  	v27 =	vadd.f32 v9, v20;
	v9 =	vld [tilespmem:s0+$0x10]  }
0xc8: {  	v1 =	vadd.f32 v1, v15;
	v15 =	vld [tilespmem:s0+$0x8020]  }
0xc9: {  	v23 =	vsel vm0, $0x3F800000, v0;
	v21 =	vnsel vm2, $0x0, v18  }
0xca: {  	s28 =	simm.s32 $0x200;
	v4 =	vadd.f32 v23, v4;
	s24 =	simm.s32 $0x40;
	v8 =	vadd.f32 v21, v10;
	v10 =	vsel vm11, $0x3F800000, v0  }
0xcb: {  	s3 =	sand.u32 $0xC00, s28;
	s1 =	sand.u32 $0x3000, s24;
	s24 =	simm.s32 $0x10;
	v14 =	vadd.f32 v10, v14;
	vm12 =	vgt.f32 v3, $1.000000010e-01;
	v3 =	vmul.f32 v11, v11  }
0xcc: {  	s29 =	simm.s32 $0x40;
	s1 =	sor.u32 s3, s1;
	s3 =	sand.u32 $0x380, s24;
	v30 =	vld [tilespmem:s0+$0x20];
	vm13 =	vgt.f32 v19, $1.000000010e-01;
	vm14 =	vgt.f32 v12, $1.000000010e-01;
	v21 =	vmul.f32 v26, v26  }
0xcd: {  	s24 =	sand.u32 $0x40, s29;
	s0 =	sor.u32 s3, s1;
	v19 =	vadd.f32 v9, v5;
	vm15 =	vgt.f32 v15, $1.000000010e-01;
	v7 =	vadd.f32 v11, v7  }
0xce: {  	s30 =	sor.u32 s24, s0;
	v15 =	vmul.f32 v9, v9;
	v10 =	vnsel vm12, $0x0, v11;
	v22 =	vnsel vm14, $0x0, v26  }
0xcf: {  	v20 =	vld [tilespmem:s30+$0x8030];
	v5 =	vsel vm13, $0x3F800000, v0;
	v18 =	vadd.f32 v3, v16;
	v16 =	vadd.f32 v10, v6  }
0xd0: {  	v23 =	vld [tilespmem:s30+$0x8010];
	v12 =	vsel vm14, $0x3F800000, v0;
	v10 =	vadd.f32 v5, v4;
	v5 =	vadd.f32 v22, v8  }
0xd1: {  	v3 =	vsel vm12, $0x3F800000, v0;
	v22 =	vld [tilespmem:s30+$0x8000];
	v11 =	vadd.f32 v12, v29;
	v8 =	vadd.f32 v30, v13  }
0xd2: {  	v9 =	vnsel vm13, $0x0, v9;
	v12 =	vadd.f32 v15, v17;
	v6 =	vadd.f32 v3, v24;
	v3 =	vld [tilespmem:s30+$0x30]  }
0xd3: {  	v31 =	vnsel vm15, $0x0, v30;
	v4 =	vld [tilespmem:s30+$0x20];
	v9 =	vadd.f32 v9, v28;
	v17 =	vadd.f32 v26, v25  }
0xd4: {  	s31 =	simm.s32 $0x2;
	v15 =	vld [tilespmem:s30+$0x0];
	v13 =	vadd.f32 v31, v27;
	v25 =	vsel vm15, $0x3F800000, v0;
	v24 =	vmul.f32 v30, v30  }
.LBB2_10:
0xd5: {  	s0 =	sshll.u32 s31, $0x6  }
0xd6: {  	v26 =	vld [tilespmem:s30+$0x10];
	s28 =	sadd.s32 $0x200, s28;
	v2 =	vadd.f32 v21, v2;
	v14 =	vadd.f32 v25, v14;
	s1 =	smov.u32 s31;
	s3 =	sadd.s32 $0x1, s31  }
0xd7: {  	vm1 =	vgt.f32 v20, $1.000000010e-01;
	v20 =	vmul.f32 v3, v3;
	s0 =	sand.u32 $0x3000, s0;
	s24 =	sand.u32 $0xC00, s28;
	s1 =	sshll.u32 s1, $0x4;
	vm0 =	vgt.f32 v23, $1.000000010e-01;
	v23 =	vld [tilespmem:s30+$0x8020]  }
0xd8: {  	s29 =	sadd.s32 $0x40, s29;
	v1 =	vadd.f32 v24, v1;
	s0 =	sor.u32 s24, s0;
	s1 =	sand.u32 $0x380, s1;
	vm2 =	vgt.f32 v22, $1.000000010e-01;
	v22 =	vnsel vm1, $0x0, v3  }
0xd9: {  	p0 =	sne.s32 s31, $0xFF;
	v25 =	vsel vm1, $0x3F800000, v0;
	s24 =	sand.u32 $0x40, s29;
	v18 =	vadd.f32 v20, v18;
	s0 =	sor.u32 s1, s0;
	v24 =	vsel vm2, $0x3F800000, v0  }
0xda: {  	v16 =	vadd.f32 v22, v16;
	s30 =	sor.u32 s24, s0;
	v21 =	vmul.f32 v15, v15;
	v27 =	vnsel vm2, $0x0, v15  }
0xdb: {  	v6 =	vadd.f32 v25, v6;
	v22 =	vsel vm0, $0x3F800000, v0;
	v20 =	vld [tilespmem:s30+$0x8030];
	v19 =	vadd.f32 v26, v19  }
.Ltmp4:
0xdc: {  	v7 =	vadd.f32 v3, v7;
	v10 =	vadd.f32 v22, v10;
	vm1 =	vgt.f32 v23, $1.000000010e-01;
	v3 =	vld [tilespmem:s30+$0x30];
	(pc) =	sbr.rel @p0 .LBB2_10-.Ltmp4, $4  }
0xdd: {  	v5 =	vadd.f32 v27, v5;
	v25 =	vmul.f32 v26, v26;
	v23 =	vld [tilespmem:s30+$0x8010];
	v27 =	vnsel vm1, $0x0, v4  }
0xde: {  	v8 =	vadd.f32 v4, v8;
	v11 =	vadd.f32 v24, v11;
	v24 =	vnsel vm0, $0x0, v26;
	v22 =	vld [tilespmem:s30+$0x8000]  }
0xdf: {  	v9 =	vadd.f32 v24, v9;
	v24 =	vmul.f32 v4, v4;
	v12 =	vadd.f32 v25, v12;
	v4 =	vld [tilespmem:s30+$0x20]  }
0xe0: {  	s31 =	smov.u32 s3;
	v17 =	vadd.f32 v15, v17;
	v25 =	vsel vm1, $0x3F800000, v0;
	v13 =	vadd.f32 v27, v13;
	v15 =	vld [tilespmem:s30+$0x0]  }
0xe1: {  	v26 =	vld [tilespmem:s30+$0x10]  }
0xe2: {  	v27 =	vld [tilespmem:s30+$0x8020];
	_ =	swait.ge [sflag:s22], $0x4000;
	v21 =	vadd.f32 v21, v2;
	s0 =	simm.s32 $0x0  }
0xe3: {  	v14 =	vadd.f32 v25, v14;
	vm1 =	vgt.f32 v20, $1.000000010e-01;
	v2 =	vmul.f32 v3, v3;
	s3 =	simm.s32 $0x0;
	s24 =	simm.s32 $0x0;
	[sflag:s22] =	ssyncset.done $0x0  }
0xe4: {  	v25 =	vadd.f32 v3, v7;
	vm0 =	vgt.f32 v23, $1.000000010e-01;
	s1 =	sand.u32 $0x40, s0;
	s0 =	sand.u32 $0xC00, s0;
	v20 =	vnsel vm1, $0x0, v3;
	[sflag:s22] =	ssyncadd.s32 $0xFFFFC000  }
0xe5: {  	s3 =	sand.u32 $0x3000, s3;
	vm2 =	vgt.f32 v22, $1.000000010e-01;
	v22 =	vadd.f32 v24, v1;
	s0 =	sor.u32 s0, s1;
	v18 =	vadd.f32 v2, v18;
	_ =	swait.ge [sflag:s23], $0x4000  }
0xe6: {  	s24 =	sand.u32 $0x380, s24;
	v2 =	vsel vm1, $0x3F800000, v0;
	v16 =	vadd.f32 v20, v16;
	v20 =	vsel vm0, $0x3F800000, v0;
	s0 =	sor.u32 s3, s0;
	[sflag:s23] =	ssyncset.done $0x0  }
0xe7: {  	v1 =	vsel vm2, $0x3F800000, v0;
	v6 =	vadd.f32 v2, v6;
	v10 =	vadd.f32 v20, v10;
	s0 =	sor.u32 s24, s0;
	[sflag:s23] =	ssyncadd.s32 $0xFFFFC000  }
0xe8: {  	v23 =	vmul.f32 v15, v15;
	v24 =	vnsel vm2, $0x0, v15;
	v7 =	vadd.f32 v1, v11;
	v20 =	vld [tilespmem:s0+$0xC030]  }
0xe9: {  	v11 =	vadd.f32 v4, v8;
	v15 =	vadd.f32 v15, v17;
	vm11 =	vgt.f32 v27, $1.000000010e-01;
	v27 =	vld [tilespmem:s0+$0x4030]  }
0xea: {  	v19 =	vadd.f32 v26, v19;
	v24 =	vadd.f32 v24, v5;
	v1 =	vnsel vm0, $0x0, v26;
	v5 =	vld [tilespmem:s0+$0xC010]  }
0xeb: {  	v2 =	vmul.f32 v26, v26;
	v8 =	vld [tilespmem:s0+$0xC000];
	v9 =	vadd.f32 v1, v9;
	v1 =	vsel vm11, $0x3F800000, v0  }
0xec: {  	v3 =	vnsel vm11, $0x0, v4;
	v4 =	vmul.f32 v4, v4;
	v1 =	vadd.f32 v1, v14;
	v14 =	vld [tilespmem:s0+$0x4000]  }
0xed: {  	v26 =	vld [tilespmem:s0+$0x4010];
	v12 =	vadd.f32 v2, v12;
	v2 =	vadd.f32 v3, v13  }
0xee: {  	s1 =	simm.s32 $0x200;
	s24 =	simm.s32 $0x40;
	v13 =	vadd.f32 v23, v21;
	v23 =	vadd.f32 v4, v22  }
0xef: {  	s1 =	sand.u32 $0xC00, s1;
	s3 =	sand.u32 $0x40, s24;
	s24 =	simm.s32 $0x40;
	v28 =	vld [tilespmem:s0+$0x4020];
	vm12 =	vgt.f32 v5, $1.000000010e-01;
	vm13 =	vgt.f32 v20, $1.000000010e-01;
	v3 =	vmul.f32 v27, v27  }
0xf0: {  	s28 =	simm.s32 $0x10;
	s24 =	sand.u32 $0x3000, s24;
	s1 =	sor.u32 s1, s3;
	vm14 =	vgt.f32 v8, $1.000000010e-01;
	v4 =	vsel vm12, $0x3F800000, v0;
	v21 =	vnsel vm13, $0x0, v27  }
0xf1: {  	s3 =	sand.u32 $0x380, s28;
	s1 =	sor.u32 s24, s1;
	v17 =	vsel vm13, $0x3F800000, v0;
	v8 =	vsel vm14, $0x3F800000, v0;
	v15 =	vadd.f32 v14, v15  }
0xf2: {  	v29 =	vld [tilespmem:s0+$0xC020];
	s28 =	sor.u32 s3, s1;
	v5 =	vadd.f32 v3, v18;
	v3 =	vnsel vm12, $0x0, v26;
	v6 =	vadd.f32 v17, v6  }
0xf3: {  	v4 =	vadd.f32 v4, v10;
	v17 =	vld [tilespmem:s28+$0x4030];
	v18 =	vmul.f32 v14, v14;
	v7 =	vadd.f32 v8, v7  }
0xf4: {  	v22 =	vld [tilespmem:s28+$0xC010];
	v8 =	vadd.f32 v21, v16;
	v16 =	vnsel vm14, $0x0, v14;
	v10 =	vadd.f32 v28, v11  }
0xf5: {  	v20 =	vld [tilespmem:s28+$0xC030];
	v11 =	vadd.f32 v27, v25;
	v25 =	vmul.f32 v28, v28;
	v3 =	vadd.f32 v3, v9  }
0xf6: {  	v21 =	vld [tilespmem:s28+$0xC000];
	v9 =	vadd.f32 v26, v19;
	v19 =	vmul.f32 v26, v26;
	v14 =	vadd.f32 v16, v24  }
0xf7: {  	vm15 =	vgt.f32 v29, $1.000000010e-01;
	v13 =	vadd.f32 v18, v13;
	v18 =	vld [tilespmem:s28+$0x4000];
	v16 =	vadd.f32 v25, v23  }
0xf8: {  	s31 =	simm.s32 $0x2;
	s29 =	simm.s32 $0x400;
	s30 =	simm.s32 $0x80;
	v25 =	vnsel vm15, $0x0, v28;
	v23 =	vsel vm15, $0x3F800000, v0;
	v12 =	vadd.f32 v19, v12;
	v19 =	vld [tilespmem:s28+$0x4010];
	v24 =	vmovc v17  }
.LBB2_12:
0xf9: {  	s0 =	sand.u32 $0x40, s30  }
0xfa: {  	s1 =	sshll.u32 s31, $0x6;
	s3 =	sand.u32 $0xC00, s29;
	vm0 =	vgt.f32 v22, $1.000000010e-01;
	vm1 =	vgt.f32 v20, $1.000000010e-01;
	v20 =	vmul.f32 v24, v17;
	s24 =	smov.u32 s31  }
0xfb: {  	s1 =	sand.u32 $0x3000, s1;
	s24 =	sshll.u32 s31, $0x4;
	s0 =	sor.u32 s3, s0;
	v22 =	vsel vm0, $0x3F800000, v0;
	v26 =	vnsel vm1, $0x0, v17;
	v24 =	vsel vm1, $0x3F800000, v0  }
0xfc: {  	v2 =	vadd.f32 v25, v2;
	vm1 =	vgt.f32 v21, $1.000000010e-01;
	s3 =	sand.u32 $0x380, s24;
	s0 =	sor.u32 s1, s0;
	s1 =	sadd.s32 $0x1, s31;
	v27 =	vld [tilespmem:s28+$0x4020];
	v5 =	vadd.f32 v20, v5;
	v25 =	vmovc v18  }
0xfd: {  	p0 =	sne.s32 s31, $0xFF;
	v1 =	vadd.f32 v23, v1;
	v6 =	vadd.f32 v24, v6;
	v21 =	vnsel vm0, $0x0, v19;
	v28 =	vld [tilespmem:s28+$0xC020];
	s28 =	sor.u32 s3, s0  }
0xfe: {  	v23 =	vsel vm1, $0x3F800000, v0;
	v4 =	vadd.f32 v22, v4;
	v20 =	vld [tilespmem:s28+$0xC030];
	v3 =	vadd.f32 v21, v3  }
0xff: {  	v29 =	vmul.f32 v18, v25;
	v7 =	vadd.f32 v23, v7;
	v9 =	vadd.f32 v19, v9;
	v24 =	vld [tilespmem:s28+$0x4030]  }
.Ltmp5:
0x100: {  	v8 =	vadd.f32 v26, v8;
	v23 =	vnsel vm1, $0x0, v25;
	v19 =	vmul.f32 v19, v19;
	v22 =	vld [tilespmem:s28+$0xC010];
	(pc) =	sbr.rel @p0 .LBB2_12-.Ltmp5, $4  }
0x101: {  	v11 =	vadd.f32 v17, v11;
	v21 =	vld [tilespmem:s28+$0xC000];
	v10 =	vadd.f32 v27, v10  }
0x102: {  	v13 =	vadd.f32 v29, v13;
	v12 =	vadd.f32 v19, v12;
	v26 =	vmul.f32 v27, v27;
	v18 =	vld [tilespmem:s28+$0x4000]  }
0x103: {  	v15 =	vadd.f32 v25, v15;
	v14 =	vadd.f32 v23, v14;
	vm0 =	vgt.f32 v28, $1.000000010e-01;
	v19 =	vld [tilespmem:s28+$0x4010]  }
0x104: {  	s29 =	sadd.s32 $0x200, s29;
	s30 =	sadd.s32 $0x40, s30;
	s31 =	smov.u32 s1;
	v16 =	vadd.f32 v26, v16;
	v25 =	vnsel vm0, $0x0, v27;
	v23 =	vsel vm0, $0x3F800000, v0;
	v17 =	vmovc v24  }
0x105: {  	vm0 =	vgt.f32 v22, $1.000000010e-01;
	vm1 =	vgt.f32 v20, $1.000000010e-01;
	v2 =	vadd.f32 v25, v2  }
0x106: {  	v50 =	vmul.f32 v24, v17;
	v1 =	vadd.f32 v23, v1;
	v11 =	vadd.f32 v17, v11  }
0x107: {  	v22 =	vsel vm0, $0x3F800000, v0;
	v51 =	vnsel vm1, $0x0, v17;
	v26 =	vsel vm1, $0x3F800000, v0  }
0x108: {  	v52 =	vld [tilespmem:s28+$0x4020];
	vm14 =	vgt.f32 v21, $1.000000010e-01;
	v5 =	vadd.f32 v50, v5;
	v6 =	vadd.f32 v26, v6  }
0x109: {  	v55 =	vsel vm14, $0x3F800000, v0;
	v4 =	vadd.f32 v22, v4;
	v56 =	vmul.f32 v18, v18  }
0x10a: {  	v54 =	vld [tilespmem:s28+$0xC020];
	v57 =	vnsel vm14, $0x0, v18;
	v8 =	vadd.f32 v51, v8;
	v15 =	vadd.f32 v18, v15  }
0x10b: {  	v53 =	vnsel vm0, $0x0, v19;
	v7 =	vadd.f32 v55, v7;
	v9 =	vadd.f32 v19, v9  }
0x10c: {  	v58 =	vmul.f32 v19, v19;
	v14 =	vadd.f32 v57, v14;
	v3 =	vadd.f32 v53, v3  }
0x10d: {  	v13 =	vadd.f32 v56, v13;
	v10 =	vadd.f32 v52, v10  }
0x10e: {  	v59 =	vmul.f32 v52, v52;
	v12 =	vadd.f32 v58, v12;
	v9 =	vadd.f32 v9, v15  }
0x10f: {  	vm15 =	vgt.f32 v54, $1.000000010e-01;
	v4 =	vadd.f32 v4, v7;
	v3 =	vadd.f32 v3, v14  }
0x110: {  	v60 =	vnsel vm15, $0x0, v52;
	v16 =	vadd.f32 v59, v16;
	v12 =	vadd.f32 v12, v13  }
0x111: {  	v61 =	vsel vm15, $0x3F800000, v0;
	v2 =	vadd.f32 v60, v2;
	v9 =	vadd.f32 v10, v9  }
0x112: {  	v1 =	vadd.f32 v61, v1;
	v62 =	vadd.f32 v16, v12  }
0x113: {  	v2 =	vadd.f32 v2, v3;
	v3 =	vadd.f32 v11, v9  }
0x114: {  	v1 =	vadd.f32 v1, v4;
	v63 =	vadd.f32 v5, v62  }
0x115: {  	v2 =	vadd.f32 v8, v2;
	[tilespmem:$0x10000] =	vst v3  }
0x116: {  	s26 =	sadd.s32 $0x1, s26;
	v1 =	vadd.f32 v6, v1;
	[tilespmem:$0x10080] =	vst v63  }
0x117: {  	p0 =	sne.s32 s26, s16;
	[tilespmem:$0x10100] =	vst v2  }
.Ltmp6:
0x118: {  	s0 =	simm.s32 $0x10000;
	[tilespmem:$0x10180] =	vst v1;
	(pc) =	sbr.rel @p0 .LBB2_1-.Ltmp6, $4  }
0x119: {  	[hbm4b:s15+s2] =	stream.linear.scatter [tilespmem:s0], [sflag:$0x5], $0x200, $0x38;
	[tilespmem:$0x10200] =	vst v63  }
0x11a: {  	_ =	swait.ge [sflag:s25], $0x200  }
0x11b: {  	[sflag:s25] =	ssyncset.done $0x0  }
0x11c: {  	[sflag:s25] =	ssyncadd.s32 $0xFFFFFE00  }
0x11d: {  	_ =	sfence.sel $0x180000  }
0x11e: {  	[bflag:$0x0] =	sbarrier.arrive $0xFFFF  }
0x11f: {  	_ =	strace $0x90000047  }
0x120: {  	s0 =	stileid.u32;
	[bflag:$0x2] =	sbarrier.arrive $0xFFFF  }
0x121: {  	p0 =	sne.s32 s0, $0x0;
	s0 =	rddreg [dreg:$0x3]  }
0x122: {  	s0 =	sadd.s32 @!p0 $0x100000, s0  }
0x123: {  	[sflag:s0] =	ssyncadd.tile.s32 @!p0 $0x1;
	_ =	shalt  }
.Lfunc_end2:
_tile_overlayer_lowered:
.L_overlay_start_2:
0x124: {  	(tag) =	ssettag $0x2  }
0x125: {  	s0 =	rddreg [dreg:$0x0];
	s2 =	stileid.u32  }
0x126: {  	s1 =	rddreg [dreg:$0x1];
	p0 =	sne.s32 s2, $0x0  }
0x127: {  	s3 =	rddreg [dreg:$0x2];
	[bflag:$0x3] =	sbarrier.arrive $0xFFFF;
	s2 =	simm.s32 @!p0 $0x1C05  }
0x128: {  	[timem:s3], [sflag:s2] =	dma.local @!p0 [hbm:s0], s1  }
0x129: {  	s0 =	simm.s32 @!p0 $0x5  }
0x12a: {  	_ =	swait.ge @!p0 [sflag:s0], s1  }
0x12b: {  	s1 =	ssub.s32 @!p0 $0x0, s1;
	[sflag:s0] =	ssyncset.done @!p0 $0x0  }
0x12c: {  	[sflag:s0] =	ssyncadd.s32 @!p0 s1  }
0x12d: {  	[bflag:$0x3] =	sbarrier.arrive $0xFFFF  }
0x12e: {  	_ =	shalt  }

</sc_bundles>
